<compile_context>
chip_gen: v7x
topology: tpu7x:2x2x1
jax: 0.10.2.dev20260603
libtpu: 0.0.44.dev20260713+nightly
codegen_flags: <defaults>
</compile_context>

<pallas_src>
import jax
import jax.numpy as jnp
from jax import lax
from jax.experimental import pallas as pl
from jax.experimental.pallas import tpu as pltpu
from jax.experimental.pallas import tpu_sc as plsc

N = 50000
E = 800000
DIN = 25
DIM = 64
FAB = 16
B = 512
H = DIM // 2

NC = 2
NS = 16
L = 16


_TN1 = 1000


def _node_prework_body(x_ref, w0_ref, b0_ref, wm_ref, wroot_ref, g_ref, hr_ref):
    h = jax.nn.relu(jnp.dot(x_ref[...], w0_ref[...],
                            preferred_element_type=jnp.float32) + b0_ref[...])
    g = jnp.dot(h, wm_ref[...], preferred_element_type=jnp.float32)
    g_ref[0] = g[:, :H]
    g_ref[1] = g[:, H:]
    hr_ref[...] = jnp.dot(h, wroot_ref[...], preferred_element_type=jnp.float32)


def _node_prework(x, W0, b0, Wm, Wroot):
    grid = (N // _TN1,)
    return pl.pallas_call(
        _node_prework_body,
        grid=grid,
        in_specs=[
            pl.BlockSpec((_TN1, DIN), lambda i: (i, 0)),
            pl.BlockSpec((DIN, DIM), lambda i: (0, 0)),
            pl.BlockSpec((1, DIM), lambda i: (0, 0)),
            pl.BlockSpec((DIM, DIM), lambda i: (0, 0)),
            pl.BlockSpec((DIM, DIM), lambda i: (0, 0)),
        ],
        out_specs=[
            pl.BlockSpec((2, _TN1, H), lambda i: (0, i, 0)),
            pl.BlockSpec((_TN1, DIM), lambda i: (i, 0)),
        ],
        out_shape=[
            jax.ShapeDtypeStruct((2, N, H), jnp.float32),
            jax.ShapeDtypeStruct((N, DIM), jnp.float32),
        ],
    )(x, W0, b0.reshape(1, DIM), Wm, Wroot)



E_PAD = 802816
EQ = E_PAD // 4
_TE4 = 2048


def _edge_prework_body(attr4_ref, wbd_ref, bc_ref, ea_ref):
    a = attr4_ref[...]
    ea_ref[0] = jnp.dot(a, wbd_ref[0],
                        preferred_element_type=jnp.float32) + bc_ref[0]
    ea_ref[1] = jnp.dot(a, wbd_ref[1],
                        preferred_element_type=jnp.float32) + bc_ref[1]


def _edge_prework(attr4, Wbd, bc2):
    grid = (EQ // _TE4,)
    return pl.pallas_call(
        _edge_prework_body,
        grid=grid,
        in_specs=[
            pl.BlockSpec((_TE4, 4 * FAB),
                         lambda i: (jnp.minimum(i, E // 4 // _TE4), 0)),
            pl.BlockSpec((2, 4 * FAB, 128), lambda i: (0, 0, 0)),
            pl.BlockSpec((2, 1, 128), lambda i: (0, 0, 0)),
        ],
        out_specs=pl.BlockSpec((2, _TE4, 128), lambda i: (0, i, 0)),
        out_shape=jax.ShapeDtypeStruct((2, EQ, 128), jnp.float32),
    )(attr4, Wbd, bc2)



EPT = E_PAD // NS
CH = 128
ERC = CH // 4
NCHK = EPT // CH
NPAIR = (NCHK - 2) // 2
NPAD = 50176
RPT = NPAD // NS
ZR = 56
DUMMY = N


def _sc_edge_body(g_hbm, ea_hbm, src_hbm, dst_hbm, out_hbm,
                  src0, dst0, ea0, gr0, dsc0, src1, dst1, ea1, gr1, dsc1,
                  zbuf, aggr_sh, si0, sg0, ss0, si1, sg1, ss1):
    c = lax.axis_index("c")
    s = lax.axis_index("s")
    zvec = jnp.zeros((L,), jnp.float32)

    def zrow(r, _):
        zbuf[r, pl.ds(0, L)] = zvec
        zbuf[r, pl.ds(L, L)] = zvec
        return 0
    lax.fori_loop(0, ZR, zrow, 0)
    def zcopy(z, _):
        pltpu.sync_copy(zbuf, aggr_sh.at[pl.ds(s * RPT + z * ZR, ZR)])
        return 0
    lax.fori_loop(0, RPT // ZR, zcopy, 0)
    plsc.subcore_barrier()

    ebase = s * EPT
    arow0 = c * EQ + s * (EPT // 4)
    goff = c * N

    bufs = ((src0, dst0, ea0, gr0, dsc0, si0, sg0, ss0),
            (src1, dst1, ea1, gr1, dsc1, si1, sg1, ss1))

    def fire_in(j, u):
        sv, dv, ev, gv, dsc, si, sg, ss = bufs[u]
        jf = jnp.minimum(j, NCHK - 1)
        pltpu.async_copy(src_hbm.at[pl.ds(ebase + jf * CH, CH)], sv, si)
        pltpu.async_copy(dst_hbm.at[pl.ds(ebase + jf * CH, CH)], dv, si)
        pltpu.async_copy(ea_hbm.at[pl.ds(arow0 + jf * ERC, ERC)], ev, si)

    def wait_in(u):
        sv, dv, ev, gv, dsc, si, sg, ss = bufs[u]
        pltpu.make_async_copy(src_hbm.at[pl.ds(ebase, CH)], sv, si).wait()
        pltpu.make_async_copy(dst_hbm.at[pl.ds(ebase, CH)], dv, si).wait()
        pltpu.make_async_copy(ea_hbm.at[pl.ds(arow0, ERC)], ev, si).wait()

    def add_off(u):
        sv = bufs[u][0]
        for w in range(CH // L):
            sv[pl.ds(w * L, L)] = sv[pl.ds(w * L, L)] + goff

    def fire_gather(u):
        sv, dv, ev, gv, dsc, si, sg, ss = bufs[u]
        return pltpu.async_copy(g_hbm.at[sv], gv, sg)

    def wait_gather(u):
        sv, dv, ev, gv, dsc, si, sg, ss = bufs[u]
        pltpu.make_async_copy(g_hbm.at[sv], gv, sg).wait()

    def compute(u):
        sv, dv, ev, gv, dsc, si, sg, ss = bufs[u]
        def body(k, _):
            for m in range(4):
                r = k * 4 + m
                for hh in range(2):
                    w = 2 * m + hh
                    val = gv[r, pl.ds(hh * L, L)] + ev[k, pl.ds(w * L, L)]
                    gv[r, pl.ds(hh * L, L)] = jnp.maximum(val, 0.0)
            return 0
        lax.fori_loop(0, CH // 4, body, 0)

    def copy_dst(u):
        dv, dsc = bufs[u][1], bufs[u][4]
        for w in range(CH // L):
            dsc[pl.ds(w * L, L)] = dv[pl.ds(w * L, L)]

    def fire_scatter(u):
        sv, dv, ev, gv, dsc, si, sg, ss = bufs[u]
        pltpu.async_copy(gv, aggr_sh.at[dsc], ss, add=True)

    def wait_scatter(u):
        sv, dv, ev, gv, dsc, si, sg, ss = bufs[u]
        pltpu.make_async_copy(gv, aggr_sh.at[dsc], ss).wait()

    fire_in(0, 0)
    fire_in(1, 1)
    wait_in(0)
    add_off(0)
    fire_gather(0).wait()
    compute(0)
    copy_dst(0)
    fire_scatter(0)
    fire_in(2, 0)
    wait_in(1)
    add_off(1)
    fire_gather(1)

    def iter_chunk(j, u):
        wait_scatter(1 - u)
        wait_in(1 - u)
        add_off(1 - u)
        fire_gather(1 - u)
        wait_gather(u)
        compute(u)
        copy_dst(u)
        fire_scatter(u)
        fire_in(j + 2, u)

    def do_pair(t, _):
        j0 = 1 + 2 * t
        iter_chunk(j0, 1)
        iter_chunk(j0 + 1, 0)
        return 0
    lax.fori_loop(0, NPAIR, do_pair, 0)

    wait_scatter(0)
    wait_gather(1)
    compute(1)
    copy_dst(1)
    sv, dv, ev, gv, dsc, si, sg, ss = bufs[1]
    pltpu.sync_copy(gv, aggr_sh.at[dsc], add=True)
    wait_in(0)

    plsc.subcore_barrier()
    pltpu.sync_copy(aggr_sh.at[pl.ds(s * RPT, RPT)],
                    out_hbm.at[pl.ds(c * NPAD + s * RPT, RPT)])


def _sc_edge_aggregate(g_flat, ea_flat, src, dst):
    mesh = plsc.VectorSubcoreMesh(core_axis_name="c", subcore_axis_name="s")
    return pl.kernel(
        _sc_edge_body,
        out_type=jax.ShapeDtypeStruct((2 * NPAD, H), jnp.float32),
        mesh=mesh,
        compiler_params=pltpu.CompilerParams(use_tc_tiling_on_sc=False),
        scratch_types=[
            pltpu.VMEM((CH,), jnp.int32),
            pltpu.VMEM((CH,), jnp.int32),
            pltpu.VMEM((ERC, 128), jnp.float32),
            pltpu.VMEM((CH, H), jnp.float32),
            pltpu.VMEM((CH,), jnp.int32),
            pltpu.VMEM((CH,), jnp.int32),
            pltpu.VMEM((CH,), jnp.int32),
            pltpu.VMEM((ERC, 128), jnp.float32),
            pltpu.VMEM((CH, H), jnp.float32),
            pltpu.VMEM((CH,), jnp.int32),
            pltpu.VMEM((ZR, H), jnp.float32),
            pltpu.VMEM_SHARED((NPAD, H), jnp.float32),
            pltpu.SemaphoreType.DMA,
            pltpu.SemaphoreType.DMA,
            pltpu.SemaphoreType.DMA,
            pltpu.SemaphoreType.DMA,
            pltpu.SemaphoreType.DMA,
            pltpu.SemaphoreType.DMA,
        ],
    )(g_flat, ea_flat, src, dst)



def _h2_body(hr_ref, a_ref, h2_ref):
    a = jnp.concatenate([a_ref[0], a_ref[1]], axis=-1)
    h2_ref[...] = jax.nn.relu(hr_ref[...] + a)


def _h2_assemble(hr, aggr):
    grid = (N // _TN1,)
    return pl.pallas_call(
        _h2_body,
        grid=grid,
        in_specs=[
            pl.BlockSpec((_TN1, DIM), lambda i: (i, 0)),
            pl.BlockSpec((2, _TN1, H), lambda i: (0, i, 0)),
        ],
        out_specs=pl.BlockSpec((_TN1, DIM), lambda i: (i, 0)),
        out_shape=jax.ShapeDtypeStruct((N, DIM), jnp.float32),
    )(hr, aggr)



_TN2 = 2000
_NB = N // _TN2
_STEPS = 3
_NEG = -1e30


def _set2set_body(h2_ref, batch_ref, wi_ref, wh_ref, bl_ref,
                  w1_ref, b1_ref, w2_ref, b2_ref, out_ref,
                  hs_scr, cs_scr, q_scr, m_scr, sacc_scr, rnum_scr):
    st = pl.program_id(0)
    j = pl.program_id(1)

    @pl.when(j == 0)
    def lstm_phase():
        is0 = (st == 0).astype(jnp.float32)
        r_t = rnum_scr[...] / (sacc_scr[...] + 1e-16)
        r = r_t.T
        q_prev = q_scr[...]
        keep = 1.0 - is0
        q_star = jnp.concatenate([q_prev, r], axis=-1)
        q_star = jnp.where(st == 0, 0.0, q_star)
        hs_prev = jnp.where(st == 0, 0.0, hs_scr[...])
        cs_prev = jnp.where(st == 0, 0.0, cs_scr[...])
        del keep
        z = (jnp.dot(q_star, wi_ref[...], preferred_element_type=jnp.float32)
             + jnp.dot(hs_prev, wh_ref[...], preferred_element_type=jnp.float32)
             + bl_ref[...])
        i_g = jax.nn.sigmoid(z[:, 0 * DIM:1 * DIM])
        f_g = jax.nn.sigmoid(z[:, 1 * DIM:2 * DIM])
        g_g = jnp.tanh(z[:, 2 * DIM:3 * DIM])
        o_g = jax.nn.sigmoid(z[:, 3 * DIM:4 * DIM])
        cs_new = f_g * cs_prev + i_g * g_g
        hs_new = o_g * jnp.tanh(cs_new)
        hs_scr[...] = hs_new
        cs_scr[...] = cs_new
        q_scr[...] = hs_new
        m_scr[...] = jnp.full((1, B), _NEG, jnp.float32)
        sacc_scr[...] = jnp.zeros((1, B), jnp.float32)
        rnum_scr[...] = jnp.zeros((DIM, B), jnp.float32)

    @pl.when((j >= 1) & (j <= _NB))
    def node_phase():
        h2b = h2_ref[...]
        bb = batch_ref[0, 0, :]
        iota = lax.broadcasted_iota(jnp.int32, (1, B), 1)
        P = bb[:, None] == iota
        q = q_scr[...]
        S = lax.dot_general(h2b, q, (((1,), (1,)), ((), ())),
                            preferred_element_type=jnp.float32)
        Sm = jnp.where(P, S, _NEG)
        colmax = jnp.max(Sm, axis=0, keepdims=True)
        m_old = m_scr[...]
        m_new = jnp.maximum(m_old, colmax)
        rescale = jnp.exp(m_old - m_new)
        At = jnp.where(P, jnp.exp(S - m_new), 0.0)
        sacc_scr[...] = sacc_scr[...] * rescale + jnp.sum(At, axis=0,
                                                          keepdims=True)
        rnum_scr[...] = (rnum_scr[...] * rescale
                         + lax.dot_general(h2b, At, (((0,), (0,)), ((), ())),
                                           preferred_element_type=jnp.float32))
        m_scr[...] = m_new

    @pl.when((j == _NB + 1) & (st == _STEPS - 1))
    def head_phase():
        r_t = rnum_scr[...] / (sacc_scr[...] + 1e-16)
        q_star = jnp.concatenate([q_scr[...], r_t.T], axis=-1)
        o1 = jax.nn.relu(
            jnp.dot(q_star, w1_ref[...], preferred_element_type=jnp.float32)
            + b1_ref[...])
        out_ref[...] = (jnp.dot(o1, w2_ref[...],
                                preferred_element_type=jnp.float32)
                        + b2_ref[...])


def _set2set(h2, batch3, Wi, Wh, bl, W1, b1, W2, b2):
    grid = (_STEPS, _NB + 2)

    def nb_map(st, j):
        jj = jnp.clip(j - 1, 0, _NB - 1)
        return (jj, 0)

    return pl.pallas_call(
        _set2set_body,
        grid=grid,
        in_specs=[
            pl.BlockSpec((_TN2, DIM), nb_map),
            pl.BlockSpec((1, 1, _TN2), lambda st, j: (jnp.clip(j - 1, 0, _NB - 1), 0, 0)),
            pl.BlockSpec((2 * DIM, 4 * DIM), lambda st, j: (0, 0)),
            pl.BlockSpec((DIM, 4 * DIM), lambda st, j: (0, 0)),
            pl.BlockSpec((1, 4 * DIM), lambda st, j: (0, 0)),
            pl.BlockSpec((2 * DIM, DIM), lambda st, j: (0, 0)),
            pl.BlockSpec((1, DIM), lambda st, j: (0, 0)),
            pl.BlockSpec((DIM, 1), lambda st, j: (0, 0)),
            pl.BlockSpec((1, 1), lambda st, j: (0, 0)),
        ],
        out_specs=pl.BlockSpec((B, 1), lambda st, j: (0, 0)),
        out_shape=jax.ShapeDtypeStruct((B, 1), jnp.float32),
        scratch_shapes=[
            pltpu.VMEM((B, DIM), jnp.float32),
            pltpu.VMEM((B, DIM), jnp.float32),
            pltpu.VMEM((B, DIM), jnp.float32),
            pltpu.VMEM((1, B), jnp.float32),
            pltpu.VMEM((1, B), jnp.float32),
            pltpu.VMEM((DIM, B), jnp.float32),
        ],
    )(h2, batch3, Wi, Wh, bl.reshape(1, 4 * DIM), W1, b1.reshape(1, DIM),
      W2, b2.reshape(1, 1))



def kernel(x, edge_index, edge_attr, batch, W0, b0, Wm, We, bconv, Wroot,
           Wi, Wh, bl, W1, b1, W2, b2):
    src = edge_index[0].astype(jnp.int32)
    dst = edge_index[1].astype(jnp.int32)

    pe = E_PAD - E
    src_p = jnp.concatenate([src, jnp.zeros((pe,), jnp.int32)])
    dst_p = jnp.concatenate([dst, jnp.full((pe,), DUMMY, jnp.int32)])
    attr4 = edge_attr.reshape(E // 4, 4 * FAB)

    Wbd = jnp.stack([jnp.kron(jnp.eye(4, dtype=jnp.float32), We[:, :H]),
                     jnp.kron(jnp.eye(4, dtype=jnp.float32), We[:, H:])])
    bc2 = jnp.stack([jnp.tile(bconv[:H], 4),
                     jnp.tile(bconv[H:], 4)]).reshape(2, 1, 128)

    g2, hr = _node_prework(x, W0, b0, Wm, Wroot)
    ea2 = _edge_prework(attr4, Wbd, bc2)

    g_flat = g2.reshape(2 * N, H)
    ea_flat = ea2.reshape(2 * EQ, 128)
    aggr_flat = _sc_edge_aggregate(g_flat, ea_flat, src_p, dst_p)
    aggr = aggr_flat.reshape(2, NPAD, H)[:, :N, :]

    h2 = _h2_assemble(hr, aggr)

    batch3 = batch.astype(jnp.int32).reshape(_NB, 1, _TN2)
    out = _set2set(h2, batch3, Wi, Wh, bl, W1, b1, W2, b2)
    return out.reshape(-1)

# --- scband reference (transcript-rebuilt; emitter-appended) ---
"""Pipeline reference for scband-dmpnn-678604832934 (READ-ONLY COPY).

The authoritative reference and input builder live on the scoring server;
editing this copy changes nothing except your own understanding.
"""

import jax, jax.numpy as jnp
import numpy as np

N = 50000
E = 800000
DIN = 25
DIM = 64
FAB = 16
B = 512


def setup_inputs(seed: int = 0) -> dict:
    key = jax.random.key(seed)
    ks = jax.random.split(key, 20)
    x = jax.random.normal(ks[0], (N, DIN), dtype=jnp.float32)
    edge_index = jax.random.randint(ks[1], (2, E), 0, N)
    edge_attr = jax.random.normal(ks[2], (E, FAB), dtype=jnp.float32)
    batch = jnp.sort(jax.random.randint(ks[3], (N,), 0, B))
    s = 0.05
    W0 = jax.random.normal(ks[4], (DIN, DIM), dtype=jnp.float32) * s
    b0 = jnp.zeros((DIM,), dtype=jnp.float32)
    Wm = jax.random.normal(ks[5], (DIM, DIM), dtype=jnp.float32) * s
    We = jax.random.normal(ks[6], (FAB, DIM), dtype=jnp.float32) * s
    bconv = jnp.zeros((DIM,), dtype=jnp.float32)
    Wroot = jax.random.normal(ks[7], (DIM, DIM), dtype=jnp.float32) * s
    Wi = jax.random.normal(ks[8], (2 * DIM, 4 * DIM), dtype=jnp.float32) * s
    Wh = jax.random.normal(ks[9], (DIM, 4 * DIM), dtype=jnp.float32) * s
    bl = jnp.zeros((4 * DIM,), dtype=jnp.float32)
    W1 = jax.random.normal(ks[10], (2 * DIM, DIM), dtype=jnp.float32) * s
    b1 = jnp.zeros((DIM,), dtype=jnp.float32)
    W2 = jax.random.normal(ks[11], (DIM, 1), dtype=jnp.float32) * s
    b2 = jnp.zeros((1,), dtype=jnp.float32)
    return {"x": x, "edge_index": edge_index, "edge_attr": edge_attr, "batch": batch,
            "W0": W0, "b0": b0, "Wm": Wm, "We": We, "bconv": bconv, "Wroot": Wroot,
            "Wi": Wi, "Wh": Wh, "bl": bl, "W1": W1, "b1": b1, "W2": W2, "b2": b2}


def reference(x, edge_index, edge_attr, batch, W0, b0, Wm, We, bconv, Wroot, Wi, Wh, bl, W1, b1, W2, b2):
    # lin0 + relu
    h = jax.nn.relu(x @ W0 + b0)
    # DMPNN edge-conditioned message passing layer (dropout inactive at eval)
    src = edge_index[0]
    dst = edge_index[1]
    msg = jax.nn.relu(jnp.take(h, src, axis=0) @ Wm + edge_attr @ We + bconv)
    aggr = jax.ops.segment_sum(msg, dst, num_segments=N)
    h = jax.nn.relu(h @ Wroot + aggr)
    # Set2Set readout, processing_steps=3
    q_star = jnp.zeros((B, 2 * DIM), dtype=h.dtype)
    hs = jnp.zeros((B, DIM), dtype=h.dtype)
    cs = jnp.zeros((B, DIM), dtype=h.dtype)
    for _ in range(3):
        z = q_star @ Wi + hs @ Wh + bl
        i_g, f_g, g_g, o_g = jnp.split(z, 4, axis=-1)
        i_g = jax.nn.sigmoid(i_g)
        f_g = jax.nn.sigmoid(f_g)
        g_g = jnp.tanh(g_g)
        o_g = jax.nn.sigmoid(o_g)
        cs = f_g * cs + i_g * g_g
        hs = o_g * jnp.tanh(cs)
        q = hs
        e = jnp.sum(h * jnp.take(q, batch, axis=0), axis=-1)
        emax = jax.ops.segment_max(e, batch, num_segments=B)
        a = jnp.exp(e - jnp.take(emax, batch, axis=0))
        asum = jax.ops.segment_sum(a, batch, num_segments=B)
        a = a / (jnp.take(asum, batch, axis=0) + 1e-16)
        r = jax.ops.segment_sum(a[:, None] * h, batch, num_segments=B)
        q_star = jnp.concatenate([q, r], axis=-1)
    out = jax.nn.relu(q_star @ W1 + b1)
    out = out @ W2 + b2
    return out.reshape(-1)

if __name__ == "__main__":
    import jax
    _d = setup_inputs()
    print(jax.jit(kernel)(*tuple(_d.values())))

</pallas_src>

<mosaic_0001>
#map = affine_map<(d0, d1) -> (0, 0)>
#map1 = affine_map<(d0, d1) -> (0)>
module attributes {stable_mosaic.version = 14 : i64} {
  func.func @_sc_edge_body(%arg0: i32, %arg1: i32, %arg2: memref<100000x32xf32, #tpu.memory_space<hbm>>, %arg3: memref<401408x128xf32, #tpu.memory_space<hbm>>, %arg4: memref<802816xi32, #tpu.memory_space<hbm>>, %arg5: memref<802816xi32, #tpu.memory_space<hbm>>, %arg6: memref<100352x32xf32, #tpu.memory_space<hbm>>, %arg7: memref<128xi32, #tpu.memory_space<vmem>>, %arg8: memref<128xi32, #tpu.memory_space<vmem>>, %arg9: memref<32x128xf32, #tpu.memory_space<vmem>>, %arg10: memref<128x32xf32, #tpu.memory_space<vmem>>, %arg11: memref<128xi32, #tpu.memory_space<vmem>>, %arg12: memref<128xi32, #tpu.memory_space<vmem>>, %arg13: memref<128xi32, #tpu.memory_space<vmem>>, %arg14: memref<32x128xf32, #tpu.memory_space<vmem>>, %arg15: memref<128x32xf32, #tpu.memory_space<vmem>>, %arg16: memref<128xi32, #tpu.memory_space<vmem>>, %arg17: memref<56x32xf32, #tpu.memory_space<vmem>>, %arg18: memref<50176x32xf32, #tpu.memory_space<vmem_shared>>, %arg19: memref<!tpu.dma_semaphore, #tpu.memory_space<semaphore_mem>>, %arg20: memref<!tpu.dma_semaphore, #tpu.memory_space<semaphore_mem>>, %arg21: memref<!tpu.dma_semaphore, #tpu.memory_space<semaphore_mem>>, %arg22: memref<!tpu.dma_semaphore, #tpu.memory_space<semaphore_mem>>, %arg23: memref<!tpu.dma_semaphore, #tpu.memory_space<semaphore_mem>>, %arg24: memref<!tpu.dma_semaphore, #tpu.memory_space<semaphore_mem>>) attributes {dimension_semantics = [#tpu.dimension_semantics<core_parallel>, #tpu.dimension_semantics<subcore_parallel>], iteration_bounds = array<i64: 2, 16>, scalar_prefetch = 0 : i64, scratch_operands = 18 : i64, tpu.core_type = #tpu.core_type<sc_vector_subcore>, window_params = [{transform_indices = #map}, {transform_indices = #map}, {transform_indices = #map1}, {transform_indices = #map1}, {transform_indices = #map}]} {
    %broadcast_in_dim3A = arith.constant 0.000000e+00 : f32
    %broadcast_in_dim3A_0 = vector.broadcast %broadcast_in_dim3A : f32 to vector<16xf32>
    %scan3A = arith.constant 0 : i32
    %scan3A_1 = arith.constant 0 : i32
    %scan3A_2 = arith.constant 56 : i32
    %scan3A_3 = arith.addi %scan3A_1, %scan3A_2 : i32
    %scan3A_4 = arith.constant 1 : i32
    %scan3A_5 = scf.for %scan3A_403 = %scan3A_1 to %scan3A_3 step %scan3A_4 iter_args(%scan3A_404 = %scan3A) -> (i32)  : i32 {
      %swap3A_405 = arith.index_cast %scan3A_403 : i32 to index
      %swap3A_406 = arith.constant 0 : index
      %swap3A_407 = tpu.vector_load %arg17[%swap3A_405, %swap3A_406] {strides = array<i32>} : memref<56x32xf32, #tpu.memory_space<vmem>>, vector<1x16xf32>,
      %swap3A_408 = vector.shape_cast %swap3A_407 : vector<1x16xf32> to vector<16xf32>
      %swap3A_409 = vector.shape_cast %broadcast_in_dim3A_0 : vector<16xf32> to vector<1x16xf32>
      tpu.vector_store %arg17[%swap3A_405, %swap3A_406], %swap3A_409 {strides = array<i32>} : memref<56x32xf32, #tpu.memory_space<vmem>>, vector<1x16xf32>,
      %swap3A_410 = arith.index_cast %scan3A_403 : i32 to index
      %swap3A_411 = arith.constant 16 : index
      %swap3A_412 = tpu.vector_load %arg17[%swap3A_410, %swap3A_411] {strides = array<i32>} : memref<56x32xf32, #tpu.memory_space<vmem>>, vector<1x16xf32>,
      %swap3A_413 = vector.shape_cast %swap3A_412 : vector<1x16xf32> to vector<16xf32>
      %swap3A_414 = vector.shape_cast %broadcast_in_dim3A_0 : vector<16xf32> to vector<1x16xf32>
      tpu.vector_store %arg17[%swap3A_410, %swap3A_411], %swap3A_414 {strides = array<i32>} : memref<56x32xf32, #tpu.memory_space<vmem>>, vector<1x16xf32>,
      %scan3A_415 = arith.constant 0 : i32
      scf.yield %scan3A_415 : i32
    }
    %scan3A_6 = arith.constant 56 : i32
    %scan3A_7 = arith.constant 0 : i32
    %scan3A_8 = arith.constant 0 : i32
    %scan3A_9 = arith.constant 56 : i32
    %scan3A_10 = arith.addi %scan3A_8, %scan3A_9 : i32
    %scan3A_11 = arith.constant 1 : i32
    %scan3A_12 = scf.for %scan3A_403 = %scan3A_8 to %scan3A_10 step %scan3A_11 iter_args(%scan3A_404 = %scan3A_7) -> (i32)  : i32 {
      %mul3A_405 = arith.constant 3136 : i32
      %mul3A_406 = arith.muli %arg1, %mul3A_405 : i32
      %mul3A_407 = arith.constant 56 : i32
      %mul3A_408 = arith.muli %scan3A_403, %mul3A_407 : i32
      %add3A_409 = arith.addi %mul3A_406, %mul3A_408 : i32
      "tpu.region"() ({
        %run_scoped3A = tpu.sem_alloc : memref<!tpu.dma_semaphore, #tpu.memory_space<semaphore_mem>>
        %dma_start3A_411 = arith.constant 0 : i32
        %dma_start3A_412 = tpu.memref_slice %arg18[%add3A_409, %dma_start3A_411] : memref<50176x32xf32, #tpu.memory_space<vmem_shared>> -> memref<56x32xf32, #tpu.memory_space<vmem_shared>>
        %dma_start3A_413 = arith.constant 0 : i32
        %dma_start3A_414 = tpu.memref_slice %arg18[%add3A_409, %dma_start3A_413] : memref<50176x32xf32, #tpu.memory_space<vmem_shared>> -> memref<56x32xf32, #tpu.memory_space<vmem_shared>>
        tpu.enqueue_dma source(%arg17 : memref<56x32xf32, #tpu.memory_space<vmem>>) target(%dma_start3A_414 : memref<56x32xf32, #tpu.memory_space<vmem_shared>>) target_semaphore(%run_scoped3A : memref<!tpu.dma_semaphore, #tpu.memory_space<semaphore_mem>>)
        %dma_wait3A_415 = arith.constant 0 : i32
        %dma_wait3A_416 = tpu.memref_slice %arg18[%add3A_409, %dma_wait3A_415] : memref<50176x32xf32, #tpu.memory_space<vmem_shared>> -> memref<56x32xf32, #tpu.memory_space<vmem_shared>>
        %dma_wait3A_417 = arith.constant 0 : i32
        %dma_wait3A_418 = tpu.memref_slice %arg18[%add3A_409, %dma_wait3A_417] : memref<50176x32xf32, #tpu.memory_space<vmem_shared>> -> memref<56x32xf32, #tpu.memory_space<vmem_shared>>
        tpu.wait_dma2 semaphore(%run_scoped3A : memref<!tpu.dma_semaphore, #tpu.memory_space<semaphore_mem>>) src(%arg17 : memref<56x32xf32, #tpu.memory_space<vmem>>) dst(%dma_wait3A_418 : memref<56x32xf32, #tpu.memory_space<vmem_shared>>)
        tpu.yield
      }) : () -> ()
      %scan3A_410 = arith.constant 0 : i32
      scf.yield %scan3A_410 : i32
    }
    %scan3A_13 = arith.constant 56 : i32
    %barrier3A = arith.constant 0 : index
    tpu.barrier barrier_id(%barrier3A)
    %mul3A = arith.constant 50176 : i32
    %mul3A_14 = arith.muli %arg1, %mul3A : i32
    %mul3A_15 = arith.constant 200704 : i32
    %mul3A_16 = arith.muli %arg0, %mul3A_15 : i32
    %mul3A_17 = arith.constant 12544 : i32
    %mul3A_18 = arith.muli %arg1, %mul3A_17 : i32
    %add3A = arith.addi %mul3A_16, %mul3A_18 : i32
    %mul3A_19 = arith.constant 50000 : i32
    %mul3A_20 = arith.muli %arg0, %mul3A_19 : i32
    %min3A = arith.constant 0 : i32
    %min3A_21 = arith.constant 391 : i32
    %min3A_22 = arith.minsi %min3A, %min3A_21 : i32
    %mul3A_23 = arith.constant 128 : i32
    %mul3A_24 = arith.muli %min3A_22, %mul3A_23 : i32
    %add3A_25 = arith.addi %mul3A_14, %mul3A_24 : i32
    %dma_start3A = tpu.memref_slice %arg4[%add3A_25] : memref<802816xi32, #tpu.memory_space<hbm>> -> memref<128xi32, #tpu.memory_space<hbm>>
    %dma_start3A_26 = tpu.memref_slice %arg4[%add3A_25] : memref<802816xi32, #tpu.memory_space<hbm>> -> memref<128xi32, #tpu.memory_space<hbm>>
    tpu.enqueue_dma source(%dma_start3A_26 : memref<128xi32, #tpu.memory_space<hbm>>) target(%arg7 : memref<128xi32, #tpu.memory_space<vmem>>) target_semaphore(%arg19 : memref<!tpu.dma_semaphore, #tpu.memory_space<semaphore_mem>>)
    %mul3A_27 = arith.constant 128 : i32
    %mul3A_28 = arith.muli %min3A_22, %mul3A_27 : i32
    %add3A_29 = arith.addi %mul3A_14, %mul3A_28 : i32
    %dma_start3A_30 = tpu.memref_slice %arg5[%add3A_29] : memref<802816xi32, #tpu.memory_space<hbm>> -> memref<128xi32, #tpu.memory_space<hbm>>
    %dma_start3A_31 = tpu.memref_slice %arg5[%add3A_29] : memref<802816xi32, #tpu.memory_space<hbm>> -> memref<128xi32, #tpu.memory_space<hbm>>
    tpu.enqueue_dma source(%dma_start3A_31 : memref<128xi32, #tpu.memory_space<hbm>>) target(%arg8 : memref<128xi32, #tpu.memory_space<vmem>>) target_semaphore(%arg19 : memref<!tpu.dma_semaphore, #tpu.memory_space<semaphore_mem>>)
    %mul3A_32 = arith.constant 32 : i32
    %mul3A_33 = arith.muli %min3A_22, %mul3A_32 : i32
    %add3A_34 = arith.addi %add3A, %mul3A_33 : i32
    %dma_start3A_35 = arith.constant 0 : i32
    %dma_start3A_36 = tpu.memref_slice %arg3[%add3A_34, %dma_start3A_35] : memref<401408x128xf32, #tpu.memory_space<hbm>> -> memref<32x128xf32, #tpu.memory_space<hbm>>
    %dma_start3A_37 = arith.constant 0 : i32
    %dma_start3A_38 = tpu.memref_slice %arg3[%add3A_34, %dma_start3A_37] : memref<401408x128xf32, #tpu.memory_space<hbm>> -> memref<32x128xf32, #tpu.memory_space<hbm>>
    tpu.enqueue_dma source(%dma_start3A_38 : memref<32x128xf32, #tpu.memory_space<hbm>>) target(%arg9 : memref<32x128xf32, #tpu.memory_space<vmem>>) target_semaphore(%arg19 : memref<!tpu.dma_semaphore, #tpu.memory_space<semaphore_mem>>)
    %min3A_39 = arith.constant 1 : i32
    %min3A_40 = arith.constant 391 : i32
    %min3A_41 = arith.minsi %min3A_39, %min3A_40 : i32
    %mul3A_42 = arith.constant 128 : i32
    %mul3A_43 = arith.muli %min3A_41, %mul3A_42 : i32
    %add3A_44 = arith.addi %mul3A_14, %mul3A_43 : i32
    %dma_start3A_45 = tpu.memref_slice %arg4[%add3A_44] : memref<802816xi32, #tpu.memory_space<hbm>> -> memref<128xi32, #tpu.memory_space<hbm>>
    %dma_start3A_46 = tpu.memref_slice %arg4[%add3A_44] : memref<802816xi32, #tpu.memory_space<hbm>> -> memref<128xi32, #tpu.memory_space<hbm>>
    tpu.enqueue_dma source(%dma_start3A_46 : memref<128xi32, #tpu.memory_space<hbm>>) target(%arg12 : memref<128xi32, #tpu.memory_space<vmem>>) target_semaphore(%arg22 : memref<!tpu.dma_semaphore, #tpu.memory_space<semaphore_mem>>)
    %mul3A_47 = arith.constant 128 : i32
    %mul3A_48 = arith.muli %min3A_41, %mul3A_47 : i32
    %add3A_49 = arith.addi %mul3A_14, %mul3A_48 : i32
    %dma_start3A_50 = tpu.memref_slice %arg5[%add3A_49] : memref<802816xi32, #tpu.memory_space<hbm>> -> memref<128xi32, #tpu.memory_space<hbm>>
    %dma_start3A_51 = tpu.memref_slice %arg5[%add3A_49] : memref<802816xi32, #tpu.memory_space<hbm>> -> memref<128xi32, #tpu.memory_space<hbm>>
    tpu.enqueue_dma source(%dma_start3A_51 : memref<128xi32, #tpu.memory_space<hbm>>) target(%arg13 : memref<128xi32, #tpu.memory_space<vmem>>) target_semaphore(%arg22 : memref<!tpu.dma_semaphore, #tpu.memory_space<semaphore_mem>>)
    %mul3A_52 = arith.constant 32 : i32
    %mul3A_53 = arith.muli %min3A_41, %mul3A_52 : i32
    %add3A_54 = arith.addi %add3A, %mul3A_53 : i32
    %dma_start3A_55 = arith.constant 0 : i32
    %dma_start3A_56 = tpu.memref_slice %arg3[%add3A_54, %dma_start3A_55] : memref<401408x128xf32, #tpu.memory_space<hbm>> -> memref<32x128xf32, #tpu.memory_space<hbm>>
    %dma_start3A_57 = arith.constant 0 : i32
    %dma_start3A_58 = tpu.memref_slice %arg3[%add3A_54, %dma_start3A_57] : memref<401408x128xf32, #tpu.memory_space<hbm>> -> memref<32x128xf32, #tpu.memory_space<hbm>>
    tpu.enqueue_dma source(%dma_start3A_58 : memref<32x128xf32, #tpu.memory_space<hbm>>) target(%arg14 : memref<32x128xf32, #tpu.memory_space<vmem>>) target_semaphore(%arg22 : memref<!tpu.dma_semaphore, #tpu.memory_space<semaphore_mem>>)
    %dma_wait3A = tpu.memref_slice %arg4[%mul3A_14] : memref<802816xi32, #tpu.memory_space<hbm>> -> memref<128xi32, #tpu.memory_space<hbm>>
    %dma_wait3A_59 = tpu.memref_slice %arg4[%mul3A_14] : memref<802816xi32, #tpu.memory_space<hbm>> -> memref<128xi32, #tpu.memory_space<hbm>>
    tpu.wait_dma2 semaphore(%arg19 : memref<!tpu.dma_semaphore, #tpu.memory_space<semaphore_mem>>) src(%dma_wait3A_59 : memref<128xi32, #tpu.memory_space<hbm>>) dst(%arg7 : memref<128xi32, #tpu.memory_space<vmem>>)
    %dma_wait3A_60 = tpu.memref_slice %arg5[%mul3A_14] : memref<802816xi32, #tpu.memory_space<hbm>> -> memref<128xi32, #tpu.memory_space<hbm>>
    %dma_wait3A_61 = tpu.memref_slice %arg5[%mul3A_14] : memref<802816xi32, #tpu.memory_space<hbm>> -> memref<128xi32, #tpu.memory_space<hbm>>
    tpu.wait_dma2 semaphore(%arg19 : memref<!tpu.dma_semaphore, #tpu.memory_space<semaphore_mem>>) src(%dma_wait3A_61 : memref<128xi32, #tpu.memory_space<hbm>>) dst(%arg8 : memref<128xi32, #tpu.memory_space<vmem>>)
    %dma_wait3A_62 = arith.constant 0 : i32
    %dma_wait3A_63 = tpu.memref_slice %arg3[%add3A, %dma_wait3A_62] : memref<401408x128xf32, #tpu.memory_space<hbm>> -> memref<32x128xf32, #tpu.memory_space<hbm>>
    %dma_wait3A_64 = arith.constant 0 : i32
    %dma_wait3A_65 = tpu.memref_slice %arg3[%add3A, %dma_wait3A_64] : memref<401408x128xf32, #tpu.memory_space<hbm>> -> memref<32x128xf32, #tpu.memory_space<hbm>>
    tpu.wait_dma2 semaphore(%arg19 : memref<!tpu.dma_semaphore, #tpu.memory_space<semaphore_mem>>) src(%dma_wait3A_65 : memref<32x128xf32, #tpu.memory_space<hbm>>) dst(%arg9 : memref<32x128xf32, #tpu.memory_space<vmem>>)
    %get3A = arith.constant 0 : index
    %get3A_66 = tpu.vector_load %arg7[%get3A] {strides = array<i32>} : memref<128xi32, #tpu.memory_space<vmem>>, vector<16xi32>,
    %get3A_67 = vector.shape_cast %get3A_66 : vector<16xi32> to vector<16xi32>
    %add3A_68 = vector.broadcast %mul3A_20 : i32 to vector<16xi32>
    %add3A_69 = arith.addi %get3A_67, %add3A_68 : vector<16xi32>
    %swap3A = arith.constant 0 : index
    %swap3A_70 = tpu.vector_load %arg7[%swap3A] {strides = array<i32>} : memref<128xi32, #tpu.memory_space<vmem>>, vector<16xi32>,
    %swap3A_71 = vector.shape_cast %swap3A_70 : vector<16xi32> to vector<16xi32>
    %swap3A_72 = vector.shape_cast %add3A_69 : vector<16xi32> to vector<16xi32>
    tpu.vector_store %arg7[%swap3A], %swap3A_72 {strides = array<i32>} : memref<128xi32, #tpu.memory_space<vmem>>, vector<16xi32>,
    %get3A_73 = arith.constant 16 : index
    %get3A_74 = tpu.vector_load %arg7[%get3A_73] {strides = array<i32>} : memref<128xi32, #tpu.memory_space<vmem>>, vector<16xi32>,
    %get3A_75 = vector.shape_cast %get3A_74 : vector<16xi32> to vector<16xi32>
    %add3A_76 = vector.broadcast %mul3A_20 : i32 to vector<16xi32>
    %add3A_77 = arith.addi %get3A_75, %add3A_76 : vector<16xi32>
    %swap3A_78 = arith.constant 16 : index
    %swap3A_79 = tpu.vector_load %arg7[%swap3A_78] {strides = array<i32>} : memref<128xi32, #tpu.memory_space<vmem>>, vector<16xi32>,
    %swap3A_80 = vector.shape_cast %swap3A_79 : vector<16xi32> to vector<16xi32>
    %swap3A_81 = vector.shape_cast %add3A_77 : vector<16xi32> to vector<16xi32>
    tpu.vector_store %arg7[%swap3A_78], %swap3A_81 {strides = array<i32>} : memref<128xi32, #tpu.memory_space<vmem>>, vector<16xi32>,
    %get3A_82 = arith.constant 32 : index
    %get3A_83 = tpu.vector_load %arg7[%get3A_82] {strides = array<i32>} : memref<128xi32, #tpu.memory_space<vmem>>, vector<16xi32>,
    %get3A_84 = vector.shape_cast %get3A_83 : vector<16xi32> to vector<16xi32>
    %add3A_85 = vector.broadcast %mul3A_20 : i32 to vector<16xi32>
    %add3A_86 = arith.addi %get3A_84, %add3A_85 : vector<16xi32>
    %swap3A_87 = arith.constant 32 : index
    %swap3A_88 = tpu.vector_load %arg7[%swap3A_87] {strides = array<i32>} : memref<128xi32, #tpu.memory_space<vmem>>, vector<16xi32>,
    %swap3A_89 = vector.shape_cast %swap3A_88 : vector<16xi32> to vector<16xi32>
    %swap3A_90 = vector.shape_cast %add3A_86 : vector<16xi32> to vector<16xi32>
    tpu.vector_store %arg7[%swap3A_87], %swap3A_90 {strides = array<i32>} : memref<128xi32, #tpu.memory_space<vmem>>, vector<16xi32>,
    %get3A_91 = arith.constant 48 : index
    %get3A_92 = tpu.vector_load %arg7[%get3A_91] {strides = array<i32>} : memref<128xi32, #tpu.memory_space<vmem>>, vector<16xi32>,
    %get3A_93 = vector.shape_cast %get3A_92 : vector<16xi32> to vector<16xi32>
    %add3A_94 = vector.broadcast %mul3A_20 : i32 to vector<16xi32>
    %add3A_95 = arith.addi %get3A_93, %add3A_94 : vector<16xi32>
    %swap3A_96 = arith.constant 48 : index
    %swap3A_97 = tpu.vector_load %arg7[%swap3A_96] {strides = array<i32>} : memref<128xi32, #tpu.memory_space<vmem>>, vector<16xi32>,
    %swap3A_98 = vector.shape_cast %swap3A_97 : vector<16xi32> to vector<16xi32>
    %swap3A_99 = vector.shape_cast %add3A_95 : vector<16xi32> to vector<16xi32>
    tpu.vector_store %arg7[%swap3A_96], %swap3A_99 {strides = array<i32>} : memref<128xi32, #tpu.memory_space<vmem>>, vector<16xi32>,
    %get3A_100 = arith.constant 64 : index
    %get3A_101 = tpu.vector_load %arg7[%get3A_100] {strides = array<i32>} : memref<128xi32, #tpu.memory_space<vmem>>, vector<16xi32>,
    %get3A_102 = vector.shape_cast %get3A_101 : vector<16xi32> to vector<16xi32>
    %add3A_103 = vector.broadcast %mul3A_20 : i32 to vector<16xi32>
    %add3A_104 = arith.addi %get3A_102, %add3A_103 : vector<16xi32>
    %swap3A_105 = arith.constant 64 : index
    %swap3A_106 = tpu.vector_load %arg7[%swap3A_105] {strides = array<i32>} : memref<128xi32, #tpu.memory_space<vmem>>, vector<16xi32>,
    %swap3A_107 = vector.shape_cast %swap3A_106 : vector<16xi32> to vector<16xi32>
    %swap3A_108 = vector.shape_cast %add3A_104 : vector<16xi32> to vector<16xi32>
    tpu.vector_store %arg7[%swap3A_105], %swap3A_108 {strides = array<i32>} : memref<128xi32, #tpu.memory_space<vmem>>, vector<16xi32>,
    %get3A_109 = arith.constant 80 : index
    %get3A_110 = tpu.vector_load %arg7[%get3A_109] {strides = array<i32>} : memref<128xi32, #tpu.memory_space<vmem>>, vector<16xi32>,
    %get3A_111 = vector.shape_cast %get3A_110 : vector<16xi32> to vector<16xi32>
    %add3A_112 = vector.broadcast %mul3A_20 : i32 to vector<16xi32>
    %add3A_113 = arith.addi %get3A_111, %add3A_112 : vector<16xi32>
    %swap3A_114 = arith.constant 80 : index
    %swap3A_115 = tpu.vector_load %arg7[%swap3A_114] {strides = array<i32>} : memref<128xi32, #tpu.memory_space<vmem>>, vector<16xi32>,
    %swap3A_116 = vector.shape_cast %swap3A_115 : vector<16xi32> to vector<16xi32>
    %swap3A_117 = vector.shape_cast %add3A_113 : vector<16xi32> to vector<16xi32>
    tpu.vector_store %arg7[%swap3A_114], %swap3A_117 {strides = array<i32>} : memref<128xi32, #tpu.memory_space<vmem>>, vector<16xi32>,
    %get3A_118 = arith.constant 96 : index
    %get3A_119 = tpu.vector_load %arg7[%get3A_118] {strides = array<i32>} : memref<128xi32, #tpu.memory_space<vmem>>, vector<16xi32>,
    %get3A_120 = vector.shape_cast %get3A_119 : vector<16xi32> to vector<16xi32>
    %add3A_121 = vector.broadcast %mul3A_20 : i32 to vector<16xi32>
    %add3A_122 = arith.addi %get3A_120, %add3A_121 : vector<16xi32>
    %swap3A_123 = arith.constant 96 : index
    %swap3A_124 = tpu.vector_load %arg7[%swap3A_123] {strides = array<i32>} : memref<128xi32, #tpu.memory_space<vmem>>, vector<16xi32>,
    %swap3A_125 = vector.shape_cast %swap3A_124 : vector<16xi32> to vector<16xi32>
    %swap3A_126 = vector.shape_cast %add3A_122 : vector<16xi32> to vector<16xi32>
    tpu.vector_store %arg7[%swap3A_123], %swap3A_126 {strides = array<i32>} : memref<128xi32, #tpu.memory_space<vmem>>, vector<16xi32>,
    %get3A_127 = arith.constant 112 : index
    %get3A_128 = tpu.vector_load %arg7[%get3A_127] {strides = array<i32>} : memref<128xi32, #tpu.memory_space<vmem>>, vector<16xi32>,
    %get3A_129 = vector.shape_cast %get3A_128 : vector<16xi32> to vector<16xi32>
    %add3A_130 = vector.broadcast %mul3A_20 : i32 to vector<16xi32>
    %add3A_131 = arith.addi %get3A_129, %add3A_130 : vector<16xi32>
    %swap3A_132 = arith.constant 112 : index
    %swap3A_133 = tpu.vector_load %arg7[%swap3A_132] {strides = array<i32>} : memref<128xi32, #tpu.memory_space<vmem>>, vector<16xi32>,
    %swap3A_134 = vector.shape_cast %swap3A_133 : vector<16xi32> to vector<16xi32>
    %swap3A_135 = vector.shape_cast %add3A_131 : vector<16xi32> to vector<16xi32>
    tpu.vector_store %arg7[%swap3A_132], %swap3A_135 {strides = array<i32>} : memref<128xi32, #tpu.memory_space<vmem>>, vector<16xi32>,
    %dma_start3A_136 = arith.constant 0 : i32
    %dma_start3A_137 = arith.constant 0 : i32
    %dma_start3A_138 = tpu.memref_slice %arg2[%dma_start3A_136, %dma_start3A_137] : memref<100000x32xf32, #tpu.memory_space<hbm>> -> memref<100000x32xf32, #tpu.memory_space<hbm>>
    tpu.enqueue_indirect_dma source(%dma_start3A_138 : memref<100000x32xf32, #tpu.memory_space<hbm>>) target(%arg10 : memref<128x32xf32, #tpu.memory_space<vmem>>) offsets(%arg7 : memref<128xi32, #tpu.memory_space<vmem>>) semaphore(%arg20 : memref<!tpu.dma_semaphore, #tpu.memory_space<semaphore_mem>>)
    %dma_wait3A_139 = arith.constant 0 : i32
    %dma_wait3A_140 = arith.constant 0 : i32
    %dma_wait3A_141 = tpu.memref_slice %arg2[%dma_wait3A_139, %dma_wait3A_140] : memref<100000x32xf32, #tpu.memory_space<hbm>> -> memref<100000x32xf32, #tpu.memory_space<hbm>>
    tpu.wait_indirect_dma semaphore(%arg20 : memref<!tpu.dma_semaphore, #tpu.memory_space<semaphore_mem>>) src(%dma_wait3A_141 : memref<100000x32xf32, #tpu.memory_space<hbm>>) dst(%arg10 : memref<128x32xf32, #tpu.memory_space<vmem>>)
    %scan3A_142 = arith.constant 0 : i32
    %scan3A_143 = arith.constant 0 : i32
    %scan3A_144 = arith.constant 32 : i32
    %scan3A_145 = arith.addi %scan3A_143, %scan3A_144 : i32
    %scan3A_146 = arith.constant 1 : i32
    %scan3A_147 = scf.for %scan3A_403 = %scan3A_143 to %scan3A_145 step %scan3A_146 iter_args(%scan3A_404 = %scan3A_142) -> (i32)  : i32 {
      %mul3A_405 = arith.constant 4 : i32
      %mul3A_406 = arith.muli %scan3A_403, %mul3A_405 : i32
      %add3A_407 = arith.constant 0 : i32
      %add3A_408 = arith.addi %mul3A_406, %add3A_407 : i32
      %get3A_409 = arith.index_cast %add3A_408 : i32 to index
      %get3A_410 = arith.constant 0 : index
      %get3A_411 = tpu.vector_load %arg10[%get3A_409, %get3A_410] {strides = array<i32>} : memref<128x32xf32, #tpu.memory_space<vmem>>, vector<1x16xf32>,
      %get3A_412 = vector.shape_cast %get3A_411 : vector<1x16xf32> to vector<16xf32>
      %get3A_413 = arith.index_cast %scan3A_403 : i32 to index
      %get3A_414 = arith.constant 0 : index
      %get3A_415 = tpu.vector_load %arg9[%get3A_413, %get3A_414] {strides = array<i32>} : memref<32x128xf32, #tpu.memory_space<vmem>>, vector<1x16xf32>,
      %get3A_416 = vector.shape_cast %get3A_415 : vector<1x16xf32> to vector<16xf32>
      %add3A_417 = arith.addf %get3A_412, %get3A_416 : vector<16xf32>
      %max3A = arith.constant 0.000000e+00 : f32
      %max3A_418 = vector.broadcast %max3A : f32 to vector<16xf32>
      %max3A_419 = arith.maximumf %add3A_417, %max3A_418 : vector<16xf32>
      %swap3A_420 = arith.index_cast %add3A_408 : i32 to index
      %swap3A_421 = arith.constant 0 : index
      %swap3A_422 = tpu.vector_load %arg10[%swap3A_420, %swap3A_421] {strides = array<i32>} : memref<128x32xf32, #tpu.memory_space<vmem>>, vector<1x16xf32>,
      %swap3A_423 = vector.shape_cast %swap3A_422 : vector<1x16xf32> to vector<16xf32>
      %swap3A_424 = vector.shape_cast %max3A_419 : vector<16xf32> to vector<1x16xf32>
      tpu.vector_store %arg10[%swap3A_420, %swap3A_421], %swap3A_424 {strides = array<i32>} : memref<128x32xf32, #tpu.memory_space<vmem>>, vector<1x16xf32>,
      %get3A_425 = arith.index_cast %add3A_408 : i32 to index
      %get3A_426 = arith.constant 16 : index
      %get3A_427 = tpu.vector_load %arg10[%get3A_425, %get3A_426] {strides = array<i32>} : memref<128x32xf32, #tpu.memory_space<vmem>>, vector<1x16xf32>,
      %get3A_428 = vector.shape_cast %get3A_427 : vector<1x16xf32> to vector<16xf32>
      %get3A_429 = arith.index_cast %scan3A_403 : i32 to index
      %get3A_430 = arith.constant 16 : index
      %get3A_431 = tpu.vector_load %arg9[%get3A_429, %get3A_430] {strides = array<i32>} : memref<32x128xf32, #tpu.memory_space<vmem>>, vector<1x16xf32>,
      %get3A_432 = vector.shape_cast %get3A_431 : vector<1x16xf32> to vector<16xf32>
      %add3A_433 = arith.addf %get3A_428, %get3A_432 : vector<16xf32>
      %max3A_434 = arith.constant 0.000000e+00 : f32
      %max3A_435 = vector.broadcast %max3A_434 : f32 to vector<16xf32>
      %max3A_436 = arith.maximumf %add3A_433, %max3A_435 : vector<16xf32>
      %swap3A_437 = arith.index_cast %add3A_408 : i32 to index
      %swap3A_438 = arith.constant 16 : index
      %swap3A_439 = tpu.vector_load %arg10[%swap3A_437, %swap3A_438] {strides = array<i32>} : memref<128x32xf32, #tpu.memory_space<vmem>>, vector<1x16xf32>,
      %swap3A_440 = vector.shape_cast %swap3A_439 : vector<1x16xf32> to vector<16xf32>
      %swap3A_441 = vector.shape_cast %max3A_436 : vector<16xf32> to vector<1x16xf32>
      tpu.vector_store %arg10[%swap3A_437, %swap3A_438], %swap3A_441 {strides = array<i32>} : memref<128x32xf32, #tpu.memory_space<vmem>>, vector<1x16xf32>,
      %mul3A_442 = arith.constant 4 : i32
      %mul3A_443 = arith.muli %scan3A_403, %mul3A_442 : i32
      %add3A_444 = arith.constant 1 : i32
      %add3A_445 = arith.addi %mul3A_443, %add3A_444 : i32
      %get3A_446 = arith.index_cast %add3A_445 : i32 to index
      %get3A_447 = arith.constant 0 : index
      %get3A_448 = tpu.vector_load %arg10[%get3A_446, %get3A_447] {strides = array<i32>} : memref<128x32xf32, #tpu.memory_space<vmem>>, vector<1x16xf32>,
      %get3A_449 = vector.shape_cast %get3A_448 : vector<1x16xf32> to vector<16xf32>
      %get3A_450 = arith.index_cast %scan3A_403 : i32 to index
      %get3A_451 = arith.constant 32 : index
      %get3A_452 = tpu.vector_load %arg9[%get3A_450, %get3A_451] {strides = array<i32>} : memref<32x128xf32, #tpu.memory_space<vmem>>, vector<1x16xf32>,
      %get3A_453 = vector.shape_cast %get3A_452 : vector<1x16xf32> to vector<16xf32>
      %add3A_454 = arith.addf %get3A_449, %get3A_453 : vector<16xf32>
      %max3A_455 = arith.constant 0.000000e+00 : f32
      %max3A_456 = vector.broadcast %max3A_455 : f32 to vector<16xf32>
      %max3A_457 = arith.maximumf %add3A_454, %max3A_456 : vector<16xf32>
      %swap3A_458 = arith.index_cast %add3A_445 : i32 to index
      %swap3A_459 = arith.constant 0 : index
      %swap3A_460 = tpu.vector_load %arg10[%swap3A_458, %swap3A_459] {strides = array<i32>} : memref<128x32xf32, #tpu.memory_space<vmem>>, vector<1x16xf32>,
      %swap3A_461 = vector.shape_cast %swap3A_460 : vector<1x16xf32> to vector<16xf32>
      %swap3A_462 = vector.shape_cast %max3A_457 : vector<16xf32> to vector<1x16xf32>
      tpu.vector_store %arg10[%swap3A_458, %swap3A_459], %swap3A_462 {strides = array<i32>} : memref<128x32xf32, #tpu.memory_space<vmem>>, vector<1x16xf32>,
      %get3A_463 = arith.index_cast %add3A_445 : i32 to index
      %get3A_464 = arith.constant 16 : index
      %get3A_465 = tpu.vector_load %arg10[%get3A_463, %get3A_464] {strides = array<i32>} : memref<128x32xf32, #tpu.memory_space<vmem>>, vector<1x16xf32>,
      %get3A_466 = vector.shape_cast %get3A_465 : vector<1x16xf32> to vector<16xf32>
      %get3A_467 = arith.index_cast %scan3A_403 : i32 to index
      %get3A_468 = arith.constant 48 : index
      %get3A_469 = tpu.vector_load %arg9[%get3A_467, %get3A_468] {strides = array<i32>} : memref<32x128xf32, #tpu.memory_space<vmem>>, vector<1x16xf32>,
      %get3A_470 = vector.shape_cast %get3A_469 : vector<1x16xf32> to vector<16xf32>
      %add3A_471 = arith.addf %get3A_466, %get3A_470 : vector<16xf32>
      %max3A_472 = arith.constant 0.000000e+00 : f32
      %max3A_473 = vector.broadcast %max3A_472 : f32 to vector<16xf32>
      %max3A_474 = arith.maximumf %add3A_471, %max3A_473 : vector<16xf32>
      %swap3A_475 = arith.index_cast %add3A_445 : i32 to index
      %swap3A_476 = arith.constant 16 : index
      %swap3A_477 = tpu.vector_load %arg10[%swap3A_475, %swap3A_476] {strides = array<i32>} : memref<128x32xf32, #tpu.memory_space<vmem>>, vector<1x16xf32>,
      %swap3A_478 = vector.shape_cast %swap3A_477 : vector<1x16xf32> to vector<16xf32>
      %swap3A_479 = vector.shape_cast %max3A_474 : vector<16xf32> to vector<1x16xf32>
      tpu.vector_store %arg10[%swap3A_475, %swap3A_476], %swap3A_479 {strides = array<i32>} : memref<128x32xf32, #tpu.memory_space<vmem>>, vector<1x16xf32>,
      %mul3A_480 = arith.constant 4 : i32
      %mul3A_481 = arith.muli %scan3A_403, %mul3A_480 : i32
      %add3A_482 = arith.constant 2 : i32
      %add3A_483 = arith.addi %mul3A_481, %add3A_482 : i32
      %get3A_484 = arith.index_cast %add3A_483 : i32 to index
      %get3A_485 = arith.constant 0 : index
      %get3A_486 = tpu.vector_load %arg10[%get3A_484, %get3A_485] {strides = array<i32>} : memref<128x32xf32, #tpu.memory_space<vmem>>, vector<1x16xf32>,
      %get3A_487 = vector.shape_cast %get3A_486 : vector<1x16xf32> to vector<16xf32>
      %get3A_488 = arith.index_cast %scan3A_403 : i32 to index
      %get3A_489 = arith.constant 64 : index
      %get3A_490 = tpu.vector_load %arg9[%get3A_488, %get3A_489] {strides = array<i32>} : memref<32x128xf32, #tpu.memory_space<vmem>>, vector<1x16xf32>,
      %get3A_491 = vector.shape_cast %get3A_490 : vector<1x16xf32> to vector<16xf32>
      %add3A_492 = arith.addf %get3A_487, %get3A_491 : vector<16xf32>
      %max3A_493 = arith.constant 0.000000e+00 : f32
      %max3A_494 = vector.broadcast %max3A_493 : f32 to vector<16xf32>
      %max3A_495 = arith.maximumf %add3A_492, %max3A_494 : vector<16xf32>
      %swap3A_496 = arith.index_cast %add3A_483 : i32 to index
      %swap3A_497 = arith.constant 0 : index
      %swap3A_498 = tpu.vector_load %arg10[%swap3A_496, %swap3A_497] {strides = array<i32>} : memref<128x32xf32, #tpu.memory_space<vmem>>, vector<1x16xf32>,
      %swap3A_499 = vector.shape_cast %swap3A_498 : vector<1x16xf32> to vector<16xf32>
      %swap3A_500 = vector.shape_cast %max3A_495 : vector<16xf32> to vector<1x16xf32>
      tpu.vector_store %arg10[%swap3A_496, %swap3A_497], %swap3A_500 {strides = array<i32>} : memref<128x32xf32, #tpu.memory_space<vmem>>, vector<1x16xf32>,
      %get3A_501 = arith.index_cast %add3A_483 : i32 to index
      %get3A_502 = arith.constant 16 : index
      %get3A_503 = tpu.vector_load %arg10[%get3A_501, %get3A_502] {strides = array<i32>} : memref<128x32xf32, #tpu.memory_space<vmem>>, vector<1x16xf32>,
      %get3A_504 = vector.shape_cast %get3A_503 : vector<1x16xf32> to vector<16xf32>
      %get3A_505 = arith.index_cast %scan3A_403 : i32 to index
      %get3A_506 = arith.constant 80 : index
      %get3A_507 = tpu.vector_load %arg9[%get3A_505, %get3A_506] {strides = array<i32>} : memref<32x128xf32, #tpu.memory_space<vmem>>, vector<1x16xf32>,
      %get3A_508 = vector.shape_cast %get3A_507 : vector<1x16xf32> to vector<16xf32>
      %add3A_509 = arith.addf %get3A_504, %get3A_508 : vector<16xf32>
      %max3A_510 = arith.constant 0.000000e+00 : f32
      %max3A_511 = vector.broadcast %max3A_510 : f32 to vector<16xf32>
      %max3A_512 = arith.maximumf %add3A_509, %max3A_511 : vector<16xf32>
      %swap3A_513 = arith.index_cast %add3A_483 : i32 to index
      %swap3A_514 = arith.constant 16 : index
      %swap3A_515 = tpu.vector_load %arg10[%swap3A_513, %swap3A_514] {strides = array<i32>} : memref<128x32xf32, #tpu.memory_space<vmem>>, vector<1x16xf32>,
      %swap3A_516 = vector.shape_cast %swap3A_515 : vector<1x16xf32> to vector<16xf32>
      %swap3A_517 = vector.shape_cast %max3A_512 : vector<16xf32> to vector<1x16xf32>
      tpu.vector_store %arg10[%swap3A_513, %swap3A_514], %swap3A_517 {strides = array<i32>} : memref<128x32xf32, #tpu.memory_space<vmem>>, vector<1x16xf32>,
      %mul3A_518 = arith.constant 4 : i32
      %mul3A_519 = arith.muli %scan3A_403, %mul3A_518 : i32
      %add3A_520 = arith.constant 3 : i32
      %add3A_521 = arith.addi %mul3A_519, %add3A_520 : i32
      %get3A_522 = arith.index_cast %add3A_521 : i32 to index
      %get3A_523 = arith.constant 0 : index
      %get3A_524 = tpu.vector_load %arg10[%get3A_522, %get3A_523] {strides = array<i32>} : memref<128x32xf32, #tpu.memory_space<vmem>>, vector<1x16xf32>,
      %get3A_525 = vector.shape_cast %get3A_524 : vector<1x16xf32> to vector<16xf32>
      %get3A_526 = arith.index_cast %scan3A_403 : i32 to index
      %get3A_527 = arith.constant 96 : index
      %get3A_528 = tpu.vector_load %arg9[%get3A_526, %get3A_527] {strides = array<i32>} : memref<32x128xf32, #tpu.memory_space<vmem>>, vector<1x16xf32>,
      %get3A_529 = vector.shape_cast %get3A_528 : vector<1x16xf32> to vector<16xf32>
      %add3A_530 = arith.addf %get3A_525, %get3A_529 : vector<16xf32>
      %max3A_531 = arith.constant 0.000000e+00 : f32
      %max3A_532 = vector.broadcast %max3A_531 : f32 to vector<16xf32>
      %max3A_533 = arith.maximumf %add3A_530, %max3A_532 : vector<16xf32>
      %swap3A_534 = arith.index_cast %add3A_521 : i32 to index
      %swap3A_535 = arith.constant 0 : index
      %swap3A_536 = tpu.vector_load %arg10[%swap3A_534, %swap3A_535] {strides = array<i32>} : memref<128x32xf32, #tpu.memory_space<vmem>>, vector<1x16xf32>,
      %swap3A_537 = vector.shape_cast %swap3A_536 : vector<1x16xf32> to vector<16xf32>
      %swap3A_538 = vector.shape_cast %max3A_533 : vector<16xf32> to vector<1x16xf32>
      tpu.vector_store %arg10[%swap3A_534, %swap3A_535], %swap3A_538 {strides = array<i32>} : memref<128x32xf32, #tpu.memory_space<vmem>>, vector<1x16xf32>,
      %get3A_539 = arith.index_cast %add3A_521 : i32 to index
      %get3A_540 = arith.constant 16 : index
      %get3A_541 = tpu.vector_load %arg10[%get3A_539, %get3A_540] {strides = array<i32>} : memref<128x32xf32, #tpu.memory_space<vmem>>, vector<1x16xf32>,
      %get3A_542 = vector.shape_cast %get3A_541 : vector<1x16xf32> to vector<16xf32>
      %get3A_543 = arith.index_cast %scan3A_403 : i32 to index
      %get3A_544 = arith.constant 112 : index
      %get3A_545 = tpu.vector_load %arg9[%get3A_543, %get3A_544] {strides = array<i32>} : memref<32x128xf32, #tpu.memory_space<vmem>>, vector<1x16xf32>,
      %get3A_546 = vector.shape_cast %get3A_545 : vector<1x16xf32> to vector<16xf32>
      %add3A_547 = arith.addf %get3A_542, %get3A_546 : vector<16xf32>
      %max3A_548 = arith.constant 0.000000e+00 : f32
      %max3A_549 = vector.broadcast %max3A_548 : f32 to vector<16xf32>
      %max3A_550 = arith.maximumf %add3A_547, %max3A_549 : vector<16xf32>
      %swap3A_551 = arith.index_cast %add3A_521 : i32 to index
      %swap3A_552 = arith.constant 16 : index
      %swap3A_553 = tpu.vector_load %arg10[%swap3A_551, %swap3A_552] {strides = array<i32>} : memref<128x32xf32, #tpu.memory_space<vmem>>, vector<1x16xf32>,
      %swap3A_554 = vector.shape_cast %swap3A_553 : vector<1x16xf32> to vector<16xf32>
      %swap3A_555 = vector.shape_cast %max3A_550 : vector<16xf32> to vector<1x16xf32>
      tpu.vector_store %arg10[%swap3A_551, %swap3A_552], %swap3A_555 {strides = array<i32>} : memref<128x32xf32, #tpu.memory_space<vmem>>, vector<1x16xf32>,
      %scan3A_556 = arith.constant 0 : i32
      scf.yield %scan3A_556 : i32
    }
    %scan3A_148 = arith.constant 32 : i32
    %get3A_149 = arith.constant 0 : index
    %get3A_150 = tpu.vector_load %arg8[%get3A_149] {strides = array<i32>} : memref<128xi32, #tpu.memory_space<vmem>>, vector<16xi32>,
    %get3A_151 = vector.shape_cast %get3A_150 : vector<16xi32> to vector<16xi32>
    %swap3A_152 = arith.constant 0 : index
    %swap3A_153 = tpu.vector_load %arg11[%swap3A_152] {strides = array<i32>} : memref<128xi32, #tpu.memory_space<vmem>>, vector<16xi32>,
    %swap3A_154 = vector.shape_cast %swap3A_153 : vector<16xi32> to vector<16xi32>
    %swap3A_155 = vector.shape_cast %get3A_151 : vector<16xi32> to vector<16xi32>
    tpu.vector_store %arg11[%swap3A_152], %swap3A_155 {strides = array<i32>} : memref<128xi32, #tpu.memory_space<vmem>>, vector<16xi32>,
    %get3A_156 = arith.constant 16 : index
    %get3A_157 = tpu.vector_load %arg8[%get3A_156] {strides = array<i32>} : memref<128xi32, #tpu.memory_space<vmem>>, vector<16xi32>,
    %get3A_158 = vector.shape_cast %get3A_157 : vector<16xi32> to vector<16xi32>
    %swap3A_159 = arith.constant 16 : index
    %swap3A_160 = tpu.vector_load %arg11[%swap3A_159] {strides = array<i32>} : memref<128xi32, #tpu.memory_space<vmem>>, vector<16xi32>,
    %swap3A_161 = vector.shape_cast %swap3A_160 : vector<16xi32> to vector<16xi32>
    %swap3A_162 = vector.shape_cast %get3A_158 : vector<16xi32> to vector<16xi32>
    tpu.vector_store %arg11[%swap3A_159], %swap3A_162 {strides = array<i32>} : memref<128xi32, #tpu.memory_space<vmem>>, vector<16xi32>,
    %get3A_163 = arith.constant 32 : index
    %get3A_164 = tpu.vector_load %arg8[%get3A_163] {strides = array<i32>} : memref<128xi32, #tpu.memory_space<vmem>>, vector<16xi32>,
    %get3A_165 = vector.shape_cast %get3A_164 : vector<16xi32> to vector<16xi32>
    %swap3A_166 = arith.constant 32 : index
    %swap3A_167 = tpu.vector_load %arg11[%swap3A_166] {strides = array<i32>} : memref<128xi32, #tpu.memory_space<vmem>>, vector<16xi32>,
    %swap3A_168 = vector.shape_cast %swap3A_167 : vector<16xi32> to vector<16xi32>
    %swap3A_169 = vector.shape_cast %get3A_165 : vector<16xi32> to vector<16xi32>
    tpu.vector_store %arg11[%swap3A_166], %swap3A_169 {strides = array<i32>} : memref<128xi32, #tpu.memory_space<vmem>>, vector<16xi32>,
    %get3A_170 = arith.constant 48 : index
    %get3A_171 = tpu.vector_load %arg8[%get3A_170] {strides = array<i32>} : memref<128xi32, #tpu.memory_space<vmem>>, vector<16xi32>,
    %get3A_172 = vector.shape_cast %get3A_171 : vector<16xi32> to vector<16xi32>
    %swap3A_173 = arith.constant 48 : index
    %swap3A_174 = tpu.vector_load %arg11[%swap3A_173] {strides = array<i32>} : memref<128xi32, #tpu.memory_space<vmem>>, vector<16xi32>,
    %swap3A_175 = vector.shape_cast %swap3A_174 : vector<16xi32> to vector<16xi32>
    %swap3A_176 = vector.shape_cast %get3A_172 : vector<16xi32> to vector<16xi32>
    tpu.vector_store %arg11[%swap3A_173], %swap3A_176 {strides = array<i32>} : memref<128xi32, #tpu.memory_space<vmem>>, vector<16xi32>,
    %get3A_177 = arith.constant 64 : index
    %get3A_178 = tpu.vector_load %arg8[%get3A_177] {strides = array<i32>} : memref<128xi32, #tpu.memory_space<vmem>>, vector<16xi32>,
    %get3A_179 = vector.shape_cast %get3A_178 : vector<16xi32> to vector<16xi32>
    %swap3A_180 = arith.constant 64 : index
    %swap3A_181 = tpu.vector_load %arg11[%swap3A_180] {strides = array<i32>} : memref<128xi32, #tpu.memory_space<vmem>>, vector<16xi32>,
    %swap3A_182 = vector.shape_cast %swap3A_181 : vector<16xi32> to vector<16xi32>
    %swap3A_183 = vector.shape_cast %get3A_179 : vector<16xi32> to vector<16xi32>
    tpu.vector_store %arg11[%swap3A_180], %swap3A_183 {strides = array<i32>} : memref<128xi32, #tpu.memory_space<vmem>>, vector<16xi32>,
    %get3A_184 = arith.constant 80 : index
    %get3A_185 = tpu.vector_load %arg8[%get3A_184] {strides = array<i32>} : memref<128xi32, #tpu.memory_space<vmem>>, vector<16xi32>,
    %get3A_186 = vector.shape_cast %get3A_185 : vector<16xi32> to vector<16xi32>
    %swap3A_187 = arith.constant 80 : index
    %swap3A_188 = tpu.vector_load %arg11[%swap3A_187] {strides = array<i32>} : memref<128xi32, #tpu.memory_space<vmem>>, vector<16xi32>,
    %swap3A_189 = vector.shape_cast %swap3A_188 : vector<16xi32> to vector<16xi32>
    %swap3A_190 = vector.shape_cast %get3A_186 : vector<16xi32> to vector<16xi32>
    tpu.vector_store %arg11[%swap3A_187], %swap3A_190 {strides = array<i32>} : memref<128xi32, #tpu.memory_space<vmem>>, vector<16xi32>,
    %get3A_191 = arith.constant 96 : index
    %get3A_192 = tpu.vector_load %arg8[%get3A_191] {strides = array<i32>} : memref<128xi32, #tpu.memory_space<vmem>>, vector<16xi32>,
    %get3A_193 = vector.shape_cast %get3A_192 : vector<16xi32> to vector<16xi32>
    %swap3A_194 = arith.constant 96 : index
    %swap3A_195 = tpu.vector_load %arg11[%swap3A_194] {strides = array<i32>} : memref<128xi32, #tpu.memory_space<vmem>>, vector<16xi32>,
    %swap3A_196 = vector.shape_cast %swap3A_195 : vector<16xi32> to vector<16xi32>
    %swap3A_197 = vector.shape_cast %get3A_193 : vector<16xi32> to vector<16xi32>
    tpu.vector_store %arg11[%swap3A_194], %swap3A_197 {strides = array<i32>} : memref<128xi32, #tpu.memory_space<vmem>>, vector<16xi32>,
    %get3A_198 = arith.constant 112 : index
    %get3A_199 = tpu.vector_load %arg8[%get3A_198] {strides = array<i32>} : memref<128xi32, #tpu.memory_space<vmem>>, vector<16xi32>,
    %get3A_200 = vector.shape_cast %get3A_199 : vector<16xi32> to vector<16xi32>
    %swap3A_201 = arith.constant 112 : index
    %swap3A_202 = tpu.vector_load %arg11[%swap3A_201] {strides = array<i32>} : memref<128xi32, #tpu.memory_space<vmem>>, vector<16xi32>,
    %swap3A_203 = vector.shape_cast %swap3A_202 : vector<16xi32> to vector<16xi32>
    %swap3A_204 = vector.shape_cast %get3A_200 : vector<16xi32> to vector<16xi32>
    tpu.vector_store %arg11[%swap3A_201], %swap3A_204 {strides = array<i32>} : memref<128xi32, #tpu.memory_space<vmem>>, vector<16xi32>,
    %dma_start3A_205 = arith.constant 0 : i32
    %dma_start3A_206 = arith.constant 0 : i32
    %dma_start3A_207 = tpu.memref_slice %arg18[%dma_start3A_205, %dma_start3A_206] : memref<50176x32xf32, #tpu.memory_space<vmem_shared>> -> memref<50176x32xf32, #tpu.memory_space<vmem_shared>>
    tpu.enqueue_indirect_dma source(%arg10 : memref<128x32xf32, #tpu.memory_space<vmem>>) target(%dma_start3A_207 : memref<50176x32xf32, #tpu.memory_space<vmem_shared>>) offsets(%arg11 : memref<128xi32, #tpu.memory_space<vmem>>) semaphore(%arg21 : memref<!tpu.dma_semaphore, #tpu.memory_space<semaphore_mem>>) {add = true}
    %min3A_208 = arith.constant 2 : i32
    %min3A_209 = arith.constant 391 : i32
    %min3A_210 = arith.minsi %min3A_208, %min3A_209 : i32
    %mul3A_211 = arith.constant 128 : i32
    %mul3A_212 = arith.muli %min3A_210, %mul3A_211 : i32
    %add3A_213 = arith.addi %mul3A_14, %mul3A_212 : i32
    %dma_start3A_214 = tpu.memref_slice %arg4[%add3A_213] : memref<802816xi32, #tpu.memory_space<hbm>> -> memref<128xi32, #tpu.memory_space<hbm>>
    %dma_start3A_215 = tpu.memref_slice %arg4[%add3A_213] : memref<802816xi32, #tpu.memory_space<hbm>> -> memref<128xi32, #tpu.memory_space<hbm>>
    tpu.enqueue_dma source(%dma_start3A_215 : memref<128xi32, #tpu.memory_space<hbm>>) target(%arg7 : memref<128xi32, #tpu.memory_space<vmem>>) target_semaphore(%arg19 : memref<!tpu.dma_semaphore, #tpu.memory_space<semaphore_mem>>)
    %mul3A_216 = arith.constant 128 : i32
    %mul3A_217 = arith.muli %min3A_210, %mul3A_216 : i32
    %add3A_218 = arith.addi %mul3A_14, %mul3A_217 : i32
    %dma_start3A_219 = tpu.memref_slice %arg5[%add3A_218] : memref<802816xi32, #tpu.memory_space<hbm>> -> memref<128xi32, #tpu.memory_space<hbm>>
    %dma_start3A_220 = tpu.memref_slice %arg5[%add3A_218] : memref<802816xi32, #tpu.memory_space<hbm>> -> memref<128xi32, #tpu.memory_space<hbm>>
    tpu.enqueue_dma source(%dma_start3A_220 : memref<128xi32, #tpu.memory_space<hbm>>) target(%arg8 : memref<128xi32, #tpu.memory_space<vmem>>) target_semaphore(%arg19 : memref<!tpu.dma_semaphore, #tpu.memory_space<semaphore_mem>>)
    %mul3A_221 = arith.constant 32 : i32
    %mul3A_222 = arith.muli %min3A_210, %mul3A_221 : i32
    %add3A_223 = arith.addi %add3A, %mul3A_222 : i32
    %dma_start3A_224 = arith.constant 0 : i32
    %dma_start3A_225 = tpu.memref_slice %arg3[%add3A_223, %dma_start3A_224] : memref<401408x128xf32, #tpu.memory_space<hbm>> -> memref<32x128xf32, #tpu.memory_space<hbm>>
    %dma_start3A_226 = arith.constant 0 : i32
    %dma_start3A_227 = tpu.memref_slice %arg3[%add3A_223, %dma_start3A_226] : memref<401408x128xf32, #tpu.memory_space<hbm>> -> memref<32x128xf32, #tpu.memory_space<hbm>>
    tpu.enqueue_dma source(%dma_start3A_227 : memref<32x128xf32, #tpu.memory_space<hbm>>) target(%arg9 : memref<32x128xf32, #tpu.memory_space<vmem>>) target_semaphore(%arg19 : memref<!tpu.dma_semaphore, #tpu.memory_space<semaphore_mem>>)
    %dma_wait3A_228 = tpu.memref_slice %arg4[%mul3A_14] : memref<802816xi32, #tpu.memory_space<hbm>> -> memref<128xi32, #tpu.memory_space<hbm>>
    %dma_wait3A_229 = tpu.memref_slice %arg4[%mul3A_14] : memref<802816xi32, #tpu.memory_space<hbm>> -> memref<128xi32, #tpu.memory_space<hbm>>
    tpu.wait_dma2 semaphore(%arg22 : memref<!tpu.dma_semaphore, #tpu.memory_space<semaphore_mem>>) src(%dma_wait3A_229 : memref<128xi32, #tpu.memory_space<hbm>>) dst(%arg12 : memref<128xi32, #tpu.memory_space<vmem>>)
    %dma_wait3A_230 = tpu.memref_slice %arg5[%mul3A_14] : memref<802816xi32, #tpu.memory_space<hbm>> -> memref<128xi32, #tpu.memory_space<hbm>>
    %dma_wait3A_231 = tpu.memref_slice %arg5[%mul3A_14] : memref<802816xi32, #tpu.memory_space<hbm>> -> memref<128xi32, #tpu.memory_space<hbm>>
    tpu.wait_dma2 semaphore(%arg22 : memref<!tpu.dma_semaphore, #tpu.memory_space<semaphore_mem>>) src(%dma_wait3A_231 : memref<128xi32, #tpu.memory_space<hbm>>) dst(%arg13 : memref<128xi32, #tpu.memory_space<vmem>>)
    %dma_wait3A_232 = arith.constant 0 : i32
    %dma_wait3A_233 = tpu.memref_slice %arg3[%add3A, %dma_wait3A_232] : memref<401408x128xf32, #tpu.memory_space<hbm>> -> memref<32x128xf32, #tpu.memory_space<hbm>>
    %dma_wait3A_234 = arith.constant 0 : i32
    %dma_wait3A_235 = tpu.memref_slice %arg3[%add3A, %dma_wait3A_234] : memref<401408x128xf32, #tpu.memory_space<hbm>> -> memref<32x128xf32, #tpu.memory_space<hbm>>
    tpu.wait_dma2 semaphore(%arg22 : memref<!tpu.dma_semaphore, #tpu.memory_space<semaphore_mem>>) src(%dma_wait3A_235 : memref<32x128xf32, #tpu.memory_space<hbm>>) dst(%arg14 : memref<32x128xf32, #tpu.memory_space<vmem>>)
    %get3A_236 = arith.constant 0 : index
    %get3A_237 = tpu.vector_load %arg12[%get3A_236] {strides = array<i32>} : memref<128xi32, #tpu.memory_space<vmem>>, vector<16xi32>,
    %get3A_238 = vector.shape_cast %get3A_237 : vector<16xi32> to vector<16xi32>
    %add3A_239 = vector.broadcast %mul3A_20 : i32 to vector<16xi32>
    %add3A_240 = arith.addi %get3A_238, %add3A_239 : vector<16xi32>
    %swap3A_241 = arith.constant 0 : index
    %swap3A_242 = tpu.vector_load %arg12[%swap3A_241] {strides = array<i32>} : memref<128xi32, #tpu.memory_space<vmem>>, vector<16xi32>,
    %swap3A_243 = vector.shape_cast %swap3A_242 : vector<16xi32> to vector<16xi32>
    %swap3A_244 = vector.shape_cast %add3A_240 : vector<16xi32> to vector<16xi32>
    tpu.vector_store %arg12[%swap3A_241], %swap3A_244 {strides = array<i32>} : memref<128xi32, #tpu.memory_space<vmem>>, vector<16xi32>,
    %get3A_245 = arith.constant 16 : index
    %get3A_246 = tpu.vector_load %arg12[%get3A_245] {strides = array<i32>} : memref<128xi32, #tpu.memory_space<vmem>>, vector<16xi32>,
    %get3A_247 = vector.shape_cast %get3A_246 : vector<16xi32> to vector<16xi32>
    %add3A_248 = vector.broadcast %mul3A_20 : i32 to vector<16xi32>
    %add3A_249 = arith.addi %get3A_247, %add3A_248 : vector<16xi32>
    %swap3A_250 = arith.constant 16 : index
    %swap3A_251 = tpu.vector_load %arg12[%swap3A_250] {strides = array<i32>} : memref<128xi32, #tpu.memory_space<vmem>>, vector<16xi32>,
    %swap3A_252 = vector.shape_cast %swap3A_251 : vector<16xi32> to vector<16xi32>
    %swap3A_253 = vector.shape_cast %add3A_249 : vector<16xi32> to vector<16xi32>
    tpu.vector_store %arg12[%swap3A_250], %swap3A_253 {strides = array<i32>} : memref<128xi32, #tpu.memory_space<vmem>>, vector<16xi32>,
    %get3A_254 = arith.constant 32 : index
    %get3A_255 = tpu.vector_load %arg12[%get3A_254] {strides = array<i32>} : memref<128xi32, #tpu.memory_space<vmem>>, vector<16xi32>,
    %get3A_256 = vector.shape_cast %get3A_255 : vector<16xi32> to vector<16xi32>
    %add3A_257 = vector.broadcast %mul3A_20 : i32 to vector<16xi32>
    %add3A_258 = arith.addi %get3A_256, %add3A_257 : vector<16xi32>
    %swap3A_259 = arith.constant 32 : index
    %swap3A_260 = tpu.vector_load %arg12[%swap3A_259] {strides = array<i32>} : memref<128xi32, #tpu.memory_space<vmem>>, vector<16xi32>,
    %swap3A_261 = vector.shape_cast %swap3A_260 : vector<16xi32> to vector<16xi32>
    %swap3A_262 = vector.shape_cast %add3A_258 : vector<16xi32> to vector<16xi32>
    tpu.vector_store %arg12[%swap3A_259], %swap3A_262 {strides = array<i32>} : memref<128xi32, #tpu.memory_space<vmem>>, vector<16xi32>,
    %get3A_263 = arith.constant 48 : index
    %get3A_264 = tpu.vector_load %arg12[%get3A_263] {strides = array<i32>} : memref<128xi32, #tpu.memory_space<vmem>>, vector<16xi32>,
    %get3A_265 = vector.shape_cast %get3A_264 : vector<16xi32> to vector<16xi32>
    %add3A_266 = vector.broadcast %mul3A_20 : i32 to vector<16xi32>
    %add3A_267 = arith.addi %get3A_265, %add3A_266 : vector<16xi32>
    %swap3A_268 = arith.constant 48 : index
    %swap3A_269 = tpu.vector_load %arg12[%swap3A_268] {strides = array<i32>} : memref<128xi32, #tpu.memory_space<vmem>>, vector<16xi32>,
    %swap3A_270 = vector.shape_cast %swap3A_269 : vector<16xi32> to vector<16xi32>
    %swap3A_271 = vector.shape_cast %add3A_267 : vector<16xi32> to vector<16xi32>
    tpu.vector_store %arg12[%swap3A_268], %swap3A_271 {strides = array<i32>} : memref<128xi32, #tpu.memory_space<vmem>>, vector<16xi32>,
    %get3A_272 = arith.constant 64 : index
    %get3A_273 = tpu.vector_load %arg12[%get3A_272] {strides = array<i32>} : memref<128xi32, #tpu.memory_space<vmem>>, vector<16xi32>,
    %get3A_274 = vector.shape_cast %get3A_273 : vector<16xi32> to vector<16xi32>
    %add3A_275 = vector.broadcast %mul3A_20 : i32 to vector<16xi32>
    %add3A_276 = arith.addi %get3A_274, %add3A_275 : vector<16xi32>
    %swap3A_277 = arith.constant 64 : index
    %swap3A_278 = tpu.vector_load %arg12[%swap3A_277] {strides = array<i32>} : memref<128xi32, #tpu.memory_space<vmem>>, vector<16xi32>,
    %swap3A_279 = vector.shape_cast %swap3A_278 : vector<16xi32> to vector<16xi32>
    %swap3A_280 = vector.shape_cast %add3A_276 : vector<16xi32> to vector<16xi32>
    tpu.vector_store %arg12[%swap3A_277], %swap3A_280 {strides = array<i32>} : memref<128xi32, #tpu.memory_space<vmem>>, vector<16xi32>,
    %get3A_281 = arith.constant 80 : index
    %get3A_282 = tpu.vector_load %arg12[%get3A_281] {strides = array<i32>} : memref<128xi32, #tpu.memory_space<vmem>>, vector<16xi32>,
    %get3A_283 = vector.shape_cast %get3A_282 : vector<16xi32> to vector<16xi32>
    %add3A_284 = vector.broadcast %mul3A_20 : i32 to vector<16xi32>
    %add3A_285 = arith.addi %get3A_283, %add3A_284 : vector<16xi32>
    %swap3A_286 = arith.constant 80 : index
    %swap3A_287 = tpu.vector_load %arg12[%swap3A_286] {strides = array<i32>} : memref<128xi32, #tpu.memory_space<vmem>>, vector<16xi32>,
    %swap3A_288 = vector.shape_cast %swap3A_287 : vector<16xi32> to vector<16xi32>
    %swap3A_289 = vector.shape_cast %add3A_285 : vector<16xi32> to vector<16xi32>
    tpu.vector_store %arg12[%swap3A_286], %swap3A_289 {strides = array<i32>} : memref<128xi32, #tpu.memory_space<vmem>>, vector<16xi32>,
    %get3A_290 = arith.constant 96 : index
    %get3A_291 = tpu.vector_load %arg12[%get3A_290] {strides = array<i32>} : memref<128xi32, #tpu.memory_space<vmem>>, vector<16xi32>,
    %get3A_292 = vector.shape_cast %get3A_291 : vector<16xi32> to vector<16xi32>
    %add3A_293 = vector.broadcast %mul3A_20 : i32 to vector<16xi32>
    %add3A_294 = arith.addi %get3A_292, %add3A_293 : vector<16xi32>
    %swap3A_295 = arith.constant 96 : index
    %swap3A_296 = tpu.vector_load %arg12[%swap3A_295] {strides = array<i32>} : memref<128xi32, #tpu.memory_space<vmem>>, vector<16xi32>,
    %swap3A_297 = vector.shape_cast %swap3A_296 : vector<16xi32> to vector<16xi32>
    %swap3A_298 = vector.shape_cast %add3A_294 : vector<16xi32> to vector<16xi32>
    tpu.vector_store %arg12[%swap3A_295], %swap3A_298 {strides = array<i32>} : memref<128xi32, #tpu.memory_space<vmem>>, vector<16xi32>,
    %get3A_299 = arith.constant 112 : index
    %get3A_300 = tpu.vector_load %arg12[%get3A_299] {strides = array<i32>} : memref<128xi32, #tpu.memory_space<vmem>>, vector<16xi32>,
    %get3A_301 = vector.shape_cast %get3A_300 : vector<16xi32> to vector<16xi32>
    %add3A_302 = vector.broadcast %mul3A_20 : i32 to vector<16xi32>
    %add3A_303 = arith.addi %get3A_301, %add3A_302 : vector<16xi32>
    %swap3A_304 = arith.constant 112 : index
    %swap3A_305 = tpu.vector_load %arg12[%swap3A_304] {strides = array<i32>} : memref<128xi32, #tpu.memory_space<vmem>>, vector<16xi32>,
    %swap3A_306 = vector.shape_cast %swap3A_305 : vector<16xi32> to vector<16xi32>
    %swap3A_307 = vector.shape_cast %add3A_303 : vector<16xi32> to vector<16xi32>
    tpu.vector_store %arg12[%swap3A_304], %swap3A_307 {strides = array<i32>} : memref<128xi32, #tpu.memory_space<vmem>>, vector<16xi32>,
    %dma_start3A_308 = arith.constant 0 : i32
    %dma_start3A_309 = arith.constant 0 : i32
    %dma_start3A_310 = tpu.memref_slice %arg2[%dma_start3A_308, %dma_start3A_309] : memref<100000x32xf32, #tpu.memory_space<hbm>> -> memref<100000x32xf32, #tpu.memory_space<hbm>>
    tpu.enqueue_indirect_dma source(%dma_start3A_310 : memref<100000x32xf32, #tpu.memory_space<hbm>>) target(%arg15 : memref<128x32xf32, #tpu.memory_space<vmem>>) offsets(%arg12 : memref<128xi32, #tpu.memory_space<vmem>>) semaphore(%arg23 : memref<!tpu.dma_semaphore, #tpu.memory_space<semaphore_mem>>)
    %scan3A_311 = arith.constant 0 : i32
    %scan3A_312 = arith.constant 0 : i32
    %scan3A_313 = arith.constant 195 : i32
    %scan3A_314 = arith.addi %scan3A_312, %scan3A_313 : i32
    %scan3A_315 = arith.constant 1 : i32
    %scan3A_316 = scf.for %scan3A_403 = %scan3A_312 to %scan3A_314 step %scan3A_315 iter_args(%scan3A_404 = %scan3A_311) -> (i32)  : i32 {
      %mul3A_405 = arith.constant 2 : i32
      %mul3A_406 = arith.muli %mul3A_405, %scan3A_403 : i32
      %add3A_407 = arith.constant 1 : i32
      %add3A_408 = arith.addi %add3A_407, %mul3A_406 : i32
      %dma_wait3A_409 = arith.constant 0 : i32
      %dma_wait3A_410 = arith.constant 0 : i32
      %dma_wait3A_411 = tpu.memref_slice %arg18[%dma_wait3A_409, %dma_wait3A_410] : memref<50176x32xf32, #tpu.memory_space<vmem_shared>> -> memref<50176x32xf32, #tpu.memory_space<vmem_shared>>
      tpu.wait_indirect_dma semaphore(%arg21 : memref<!tpu.dma_semaphore, #tpu.memory_space<semaphore_mem>>) src(%arg10 : memref<128x32xf32, #tpu.memory_space<vmem>>) dst(%dma_wait3A_411 : memref<50176x32xf32, #tpu.memory_space<vmem_shared>>)
      %dma_wait3A_412 = tpu.memref_slice %arg4[%mul3A_14] : memref<802816xi32, #tpu.memory_space<hbm>> -> memref<128xi32, #tpu.memory_space<hbm>>
      %dma_wait3A_413 = tpu.memref_slice %arg4[%mul3A_14] : memref<802816xi32, #tpu.memory_space<hbm>> -> memref<128xi32, #tpu.memory_space<hbm>>
      tpu.wait_dma2 semaphore(%arg19 : memref<!tpu.dma_semaphore, #tpu.memory_space<semaphore_mem>>) src(%dma_wait3A_413 : memref<128xi32, #tpu.memory_space<hbm>>) dst(%arg7 : memref<128xi32, #tpu.memory_space<vmem>>)
      %dma_wait3A_414 = tpu.memref_slice %arg5[%mul3A_14] : memref<802816xi32, #tpu.memory_space<hbm>> -> memref<128xi32, #tpu.memory_space<hbm>>
      %dma_wait3A_415 = tpu.memref_slice %arg5[%mul3A_14] : memref<802816xi32, #tpu.memory_space<hbm>> -> memref<128xi32, #tpu.memory_space<hbm>>
      tpu.wait_dma2 semaphore(%arg19 : memref<!tpu.dma_semaphore, #tpu.memory_space<semaphore_mem>>) src(%dma_wait3A_415 : memref<128xi32, #tpu.memory_space<hbm>>) dst(%arg8 : memref<128xi32, #tpu.memory_space<vmem>>)
      %dma_wait3A_416 = arith.constant 0 : i32
      %dma_wait3A_417 = tpu.memref_slice %arg3[%add3A, %dma_wait3A_416] : memref<401408x128xf32, #tpu.memory_space<hbm>> -> memref<32x128xf32, #tpu.memory_space<hbm>>
      %dma_wait3A_418 = arith.constant 0 : i32
      %dma_wait3A_419 = tpu.memref_slice %arg3[%add3A, %dma_wait3A_418] : memref<401408x128xf32, #tpu.memory_space<hbm>> -> memref<32x128xf32, #tpu.memory_space<hbm>>
      tpu.wait_dma2 semaphore(%arg19 : memref<!tpu.dma_semaphore, #tpu.memory_space<semaphore_mem>>) src(%dma_wait3A_419 : memref<32x128xf32, #tpu.memory_space<hbm>>) dst(%arg9 : memref<32x128xf32, #tpu.memory_space<vmem>>)
      %get3A_420 = arith.constant 0 : index
      %get3A_421 = tpu.vector_load %arg7[%get3A_420] {strides = array<i32>} : memref<128xi32, #tpu.memory_space<vmem>>, vector<16xi32>,
      %get3A_422 = vector.shape_cast %get3A_421 : vector<16xi32> to vector<16xi32>
      %add3A_423 = vector.broadcast %mul3A_20 : i32 to vector<16xi32>
      %add3A_424 = arith.addi %get3A_422, %add3A_423 : vector<16xi32>
      %swap3A_425 = arith.constant 0 : index
      %swap3A_426 = tpu.vector_load %arg7[%swap3A_425] {strides = array<i32>} : memref<128xi32, #tpu.memory_space<vmem>>, vector<16xi32>,
      %swap3A_427 = vector.shape_cast %swap3A_426 : vector<16xi32> to vector<16xi32>
      %swap3A_428 = vector.shape_cast %add3A_424 : vector<16xi32> to vector<16xi32>
      tpu.vector_store %arg7[%swap3A_425], %swap3A_428 {strides = array<i32>} : memref<128xi32, #tpu.memory_space<vmem>>, vector<16xi32>,
      %get3A_429 = arith.constant 16 : index
      %get3A_430 = tpu.vector_load %arg7[%get3A_429] {strides = array<i32>} : memref<128xi32, #tpu.memory_space<vmem>>, vector<16xi32>,
      %get3A_431 = vector.shape_cast %get3A_430 : vector<16xi32> to vector<16xi32>
      %add3A_432 = vector.broadcast %mul3A_20 : i32 to vector<16xi32>
      %add3A_433 = arith.addi %get3A_431, %add3A_432 : vector<16xi32>
      %swap3A_434 = arith.constant 16 : index
      %swap3A_435 = tpu.vector_load %arg7[%swap3A_434] {strides = array<i32>} : memref<128xi32, #tpu.memory_space<vmem>>, vector<16xi32>,
      %swap3A_436 = vector.shape_cast %swap3A_435 : vector<16xi32> to vector<16xi32>
      %swap3A_437 = vector.shape_cast %add3A_433 : vector<16xi32> to vector<16xi32>
      tpu.vector_store %arg7[%swap3A_434], %swap3A_437 {strides = array<i32>} : memref<128xi32, #tpu.memory_space<vmem>>, vector<16xi32>,
      %get3A_438 = arith.constant 32 : index
      %get3A_439 = tpu.vector_load %arg7[%get3A_438] {strides = array<i32>} : memref<128xi32, #tpu.memory_space<vmem>>, vector<16xi32>,
      %get3A_440 = vector.shape_cast %get3A_439 : vector<16xi32> to vector<16xi32>
      %add3A_441 = vector.broadcast %mul3A_20 : i32 to vector<16xi32>
      %add3A_442 = arith.addi %get3A_440, %add3A_441 : vector<16xi32>
      %swap3A_443 = arith.constant 32 : index
      %swap3A_444 = tpu.vector_load %arg7[%swap3A_443] {strides = array<i32>} : memref<128xi32, #tpu.memory_space<vmem>>, vector<16xi32>,
      %swap3A_445 = vector.shape_cast %swap3A_444 : vector<16xi32> to vector<16xi32>
      %swap3A_446 = vector.shape_cast %add3A_442 : vector<16xi32> to vector<16xi32>
      tpu.vector_store %arg7[%swap3A_443], %swap3A_446 {strides = array<i32>} : memref<128xi32, #tpu.memory_space<vmem>>, vector<16xi32>,
      %get3A_447 = arith.constant 48 : index
      %get3A_448 = tpu.vector_load %arg7[%get3A_447] {strides = array<i32>} : memref<128xi32, #tpu.memory_space<vmem>>, vector<16xi32>,
      %get3A_449 = vector.shape_cast %get3A_448 : vector<16xi32> to vector<16xi32>
      %add3A_450 = vector.broadcast %mul3A_20 : i32 to vector<16xi32>
      %add3A_451 = arith.addi %get3A_449, %add3A_450 : vector<16xi32>
      %swap3A_452 = arith.constant 48 : index
      %swap3A_453 = tpu.vector_load %arg7[%swap3A_452] {strides = array<i32>} : memref<128xi32, #tpu.memory_space<vmem>>, vector<16xi32>,
      %swap3A_454 = vector.shape_cast %swap3A_453 : vector<16xi32> to vector<16xi32>
      %swap3A_455 = vector.shape_cast %add3A_451 : vector<16xi32> to vector<16xi32>
      tpu.vector_store %arg7[%swap3A_452], %swap3A_455 {strides = array<i32>} : memref<128xi32, #tpu.memory_space<vmem>>, vector<16xi32>,
      %get3A_456 = arith.constant 64 : index
      %get3A_457 = tpu.vector_load %arg7[%get3A_456] {strides = array<i32>} : memref<128xi32, #tpu.memory_space<vmem>>, vector<16xi32>,
      %get3A_458 = vector.shape_cast %get3A_457 : vector<16xi32> to vector<16xi32>
      %add3A_459 = vector.broadcast %mul3A_20 : i32 to vector<16xi32>
      %add3A_460 = arith.addi %get3A_458, %add3A_459 : vector<16xi32>
      %swap3A_461 = arith.constant 64 : index
      %swap3A_462 = tpu.vector_load %arg7[%swap3A_461] {strides = array<i32>} : memref<128xi32, #tpu.memory_space<vmem>>, vector<16xi32>,
      %swap3A_463 = vector.shape_cast %swap3A_462 : vector<16xi32> to vector<16xi32>
      %swap3A_464 = vector.shape_cast %add3A_460 : vector<16xi32> to vector<16xi32>
      tpu.vector_store %arg7[%swap3A_461], %swap3A_464 {strides = array<i32>} : memref<128xi32, #tpu.memory_space<vmem>>, vector<16xi32>,
      %get3A_465 = arith.constant 80 : index
      %get3A_466 = tpu.vector_load %arg7[%get3A_465] {strides = array<i32>} : memref<128xi32, #tpu.memory_space<vmem>>, vector<16xi32>,
      %get3A_467 = vector.shape_cast %get3A_466 : vector<16xi32> to vector<16xi32>
      %add3A_468 = vector.broadcast %mul3A_20 : i32 to vector<16xi32>
      %add3A_469 = arith.addi %get3A_467, %add3A_468 : vector<16xi32>
      %swap3A_470 = arith.constant 80 : index
      %swap3A_471 = tpu.vector_load %arg7[%swap3A_470] {strides = array<i32>} : memref<128xi32, #tpu.memory_space<vmem>>, vector<16xi32>,
      %swap3A_472 = vector.shape_cast %swap3A_471 : vector<16xi32> to vector<16xi32>
      %swap3A_473 = vector.shape_cast %add3A_469 : vector<16xi32> to vector<16xi32>
      tpu.vector_store %arg7[%swap3A_470], %swap3A_473 {strides = array<i32>} : memref<128xi32, #tpu.memory_space<vmem>>, vector<16xi32>,
      %get3A_474 = arith.constant 96 : index
      %get3A_475 = tpu.vector_load %arg7[%get3A_474] {strides = array<i32>} : memref<128xi32, #tpu.memory_space<vmem>>, vector<16xi32>,
      %get3A_476 = vector.shape_cast %get3A_475 : vector<16xi32> to vector<16xi32>
      %add3A_477 = vector.broadcast %mul3A_20 : i32 to vector<16xi32>
      %add3A_478 = arith.addi %get3A_476, %add3A_477 : vector<16xi32>
      %swap3A_479 = arith.constant 96 : index
      %swap3A_480 = tpu.vector_load %arg7[%swap3A_479] {strides = array<i32>} : memref<128xi32, #tpu.memory_space<vmem>>, vector<16xi32>,
      %swap3A_481 = vector.shape_cast %swap3A_480 : vector<16xi32> to vector<16xi32>
      %swap3A_482 = vector.shape_cast %add3A_478 : vector<16xi32> to vector<16xi32>
      tpu.vector_store %arg7[%swap3A_479], %swap3A_482 {strides = array<i32>} : memref<128xi32, #tpu.memory_space<vmem>>, vector<16xi32>,
      %get3A_483 = arith.constant 112 : index
      %get3A_484 = tpu.vector_load %arg7[%get3A_483] {strides = array<i32>} : memref<128xi32, #tpu.memory_space<vmem>>, vector<16xi32>,
      %get3A_485 = vector.shape_cast %get3A_484 : vector<16xi32> to vector<16xi32>
      %add3A_486 = vector.broadcast %mul3A_20 : i32 to vector<16xi32>
      %add3A_487 = arith.addi %get3A_485, %add3A_486 : vector<16xi32>
      %swap3A_488 = arith.constant 112 : index
      %swap3A_489 = tpu.vector_load %arg7[%swap3A_488] {strides = array<i32>} : memref<128xi32, #tpu.memory_space<vmem>>, vector<16xi32>,
      %swap3A_490 = vector.shape_cast %swap3A_489 : vector<16xi32> to vector<16xi32>
      %swap3A_491 = vector.shape_cast %add3A_487 : vector<16xi32> to vector<16xi32>
      tpu.vector_store %arg7[%swap3A_488], %swap3A_491 {strides = array<i32>} : memref<128xi32, #tpu.memory_space<vmem>>, vector<16xi32>,
      %dma_start3A_492 = arith.constant 0 : i32
      %dma_start3A_493 = arith.constant 0 : i32
      %dma_start3A_494 = tpu.memref_slice %arg2[%dma_start3A_492, %dma_start3A_493] : memref<100000x32xf32, #tpu.memory_space<hbm>> -> memref<100000x32xf32, #tpu.memory_space<hbm>>
      tpu.enqueue_indirect_dma source(%dma_start3A_494 : memref<100000x32xf32, #tpu.memory_space<hbm>>) target(%arg10 : memref<128x32xf32, #tpu.memory_space<vmem>>) offsets(%arg7 : memref<128xi32, #tpu.memory_space<vmem>>) semaphore(%arg20 : memref<!tpu.dma_semaphore, #tpu.memory_space<semaphore_mem>>)
      %dma_wait3A_495 = arith.constant 0 : i32
      %dma_wait3A_496 = arith.constant 0 : i32
      %dma_wait3A_497 = tpu.memref_slice %arg2[%dma_wait3A_495, %dma_wait3A_496] : memref<100000x32xf32, #tpu.memory_space<hbm>> -> memref<100000x32xf32, #tpu.memory_space<hbm>>
      tpu.wait_indirect_dma semaphore(%arg23 : memref<!tpu.dma_semaphore, #tpu.memory_space<semaphore_mem>>) src(%dma_wait3A_497 : memref<100000x32xf32, #tpu.memory_space<hbm>>) dst(%arg15 : memref<128x32xf32, #tpu.memory_space<vmem>>)
      %scan3A_498 = arith.constant 0 : i32
      %scan3A_499 = arith.constant 0 : i32
      %scan3A_500 = arith.constant 32 : i32
      %scan3A_501 = arith.addi %scan3A_499, %scan3A_500 : i32
      %scan3A_502 = arith.constant 1 : i32
      %scan3A_503 = scf.for %scan3A_764 = %scan3A_499 to %scan3A_501 step %scan3A_502 iter_args(%scan3A_765 = %scan3A_498) -> (i32)  : i32 {
        %mul3A_766 = arith.constant 4 : i32
        %mul3A_767 = arith.muli %scan3A_764, %mul3A_766 : i32
        %add3A_768 = arith.constant 0 : i32
        %add3A_769 = arith.addi %mul3A_767, %add3A_768 : i32
        %get3A_770 = arith.index_cast %add3A_769 : i32 to index
        %get3A_771 = arith.constant 0 : index
        %get3A_772 = tpu.vector_load %arg15[%get3A_770, %get3A_771] {strides = array<i32>} : memref<128x32xf32, #tpu.memory_space<vmem>>, vector<1x16xf32>,
        %get3A_773 = vector.shape_cast %get3A_772 : vector<1x16xf32> to vector<16xf32>
        %get3A_774 = arith.index_cast %scan3A_764 : i32 to index
        %get3A_775 = arith.constant 0 : index
        %get3A_776 = tpu.vector_load %arg14[%get3A_774, %get3A_775] {strides = array<i32>} : memref<32x128xf32, #tpu.memory_space<vmem>>, vector<1x16xf32>,
        %get3A_777 = vector.shape_cast %get3A_776 : vector<1x16xf32> to vector<16xf32>
        %add3A_778 = arith.addf %get3A_773, %get3A_777 : vector<16xf32>
        %max3A = arith.constant 0.000000e+00 : f32
        %max3A_779 = vector.broadcast %max3A : f32 to vector<16xf32>
        %max3A_780 = arith.maximumf %add3A_778, %max3A_779 : vector<16xf32>
        %swap3A_781 = arith.index_cast %add3A_769 : i32 to index
        %swap3A_782 = arith.constant 0 : index
        %swap3A_783 = tpu.vector_load %arg15[%swap3A_781, %swap3A_782] {strides = array<i32>} : memref<128x32xf32, #tpu.memory_space<vmem>>, vector<1x16xf32>,
        %swap3A_784 = vector.shape_cast %swap3A_783 : vector<1x16xf32> to vector<16xf32>
        %swap3A_785 = vector.shape_cast %max3A_780 : vector<16xf32> to vector<1x16xf32>
        tpu.vector_store %arg15[%swap3A_781, %swap3A_782], %swap3A_785 {strides = array<i32>} : memref<128x32xf32, #tpu.memory_space<vmem>>, vector<1x16xf32>,
        %get3A_786 = arith.index_cast %add3A_769 : i32 to index
        %get3A_787 = arith.constant 16 : index
        %get3A_788 = tpu.vector_load %arg15[%get3A_786, %get3A_787] {strides = array<i32>} : memref<128x32xf32, #tpu.memory_space<vmem>>, vector<1x16xf32>,
        %get3A_789 = vector.shape_cast %get3A_788 : vector<1x16xf32> to vector<16xf32>
        %get3A_790 = arith.index_cast %scan3A_764 : i32 to index
        %get3A_791 = arith.constant 16 : index
        %get3A_792 = tpu.vector_load %arg14[%get3A_790, %get3A_791] {strides = array<i32>} : memref<32x128xf32, #tpu.memory_space<vmem>>, vector<1x16xf32>,
        %get3A_793 = vector.shape_cast %get3A_792 : vector<1x16xf32> to vector<16xf32>
        %add3A_794 = arith.addf %get3A_789, %get3A_793 : vector<16xf32>
        %max3A_795 = arith.constant 0.000000e+00 : f32
        %max3A_796 = vector.broadcast %max3A_795 : f32 to vector<16xf32>
        %max3A_797 = arith.maximumf %add3A_794, %max3A_796 : vector<16xf32>
        %swap3A_798 = arith.index_cast %add3A_769 : i32 to index
        %swap3A_799 = arith.constant 16 : index
        %swap3A_800 = tpu.vector_load %arg15[%swap3A_798, %swap3A_799] {strides = array<i32>} : memref<128x32xf32, #tpu.memory_space<vmem>>, vector<1x16xf32>,
        %swap3A_801 = vector.shape_cast %swap3A_800 : vector<1x16xf32> to vector<16xf32>
        %swap3A_802 = vector.shape_cast %max3A_797 : vector<16xf32> to vector<1x16xf32>
        tpu.vector_store %arg15[%swap3A_798, %swap3A_799], %swap3A_802 {strides = array<i32>} : memref<128x32xf32, #tpu.memory_space<vmem>>, vector<1x16xf32>,
        %mul3A_803 = arith.constant 4 : i32
        %mul3A_804 = arith.muli %scan3A_764, %mul3A_803 : i32
        %add3A_805 = arith.constant 1 : i32
        %add3A_806 = arith.addi %mul3A_804, %add3A_805 : i32
        %get3A_807 = arith.index_cast %add3A_806 : i32 to index
        %get3A_808 = arith.constant 0 : index
        %get3A_809 = tpu.vector_load %arg15[%get3A_807, %get3A_808] {strides = array<i32>} : memref<128x32xf32, #tpu.memory_space<vmem>>, vector<1x16xf32>,
        %get3A_810 = vector.shape_cast %get3A_809 : vector<1x16xf32> to vector<16xf32>
        %get3A_811 = arith.index_cast %scan3A_764 : i32 to index
        %get3A_812 = arith.constant 32 : index
        %get3A_813 = tpu.vector_load %arg14[%get3A_811, %get3A_812] {strides = array<i32>} : memref<32x128xf32, #tpu.memory_space<vmem>>, vector<1x16xf32>,
        %get3A_814 = vector.shape_cast %get3A_813 : vector<1x16xf32> to vector<16xf32>
        %add3A_815 = arith.addf %get3A_810, %get3A_814 : vector<16xf32>
        %max3A_816 = arith.constant 0.000000e+00 : f32
        %max3A_817 = vector.broadcast %max3A_816 : f32 to vector<16xf32>
        %max3A_818 = arith.maximumf %add3A_815, %max3A_817 : vector<16xf32>
        %swap3A_819 = arith.index_cast %add3A_806 : i32 to index
        %swap3A_820 = arith.constant 0 : index
        %swap3A_821 = tpu.vector_load %arg15[%swap3A_819, %swap3A_820] {strides = array<i32>} : memref<128x32xf32, #tpu.memory_space<vmem>>, vector<1x16xf32>,
        %swap3A_822 = vector.shape_cast %swap3A_821 : vector<1x16xf32> to vector<16xf32>
        %swap3A_823 = vector.shape_cast %max3A_818 : vector<16xf32> to vector<1x16xf32>
        tpu.vector_store %arg15[%swap3A_819, %swap3A_820], %swap3A_823 {strides = array<i32>} : memref<128x32xf32, #tpu.memory_space<vmem>>, vector<1x16xf32>,
        %get3A_824 = arith.index_cast %add3A_806 : i32 to index
        %get3A_825 = arith.constant 16 : index
        %get3A_826 = tpu.vector_load %arg15[%get3A_824, %get3A_825] {strides = array<i32>} : memref<128x32xf32, #tpu.memory_space<vmem>>, vector<1x16xf32>,
        %get3A_827 = vector.shape_cast %get3A_826 : vector<1x16xf32> to vector<16xf32>
        %get3A_828 = arith.index_cast %scan3A_764 : i32 to index
        %get3A_829 = arith.constant 48 : index
        %get3A_830 = tpu.vector_load %arg14[%get3A_828, %get3A_829] {strides = array<i32>} : memref<32x128xf32, #tpu.memory_space<vmem>>, vector<1x16xf32>,
        %get3A_831 = vector.shape_cast %get3A_830 : vector<1x16xf32> to vector<16xf32>
        %add3A_832 = arith.addf %get3A_827, %get3A_831 : vector<16xf32>
        %max3A_833 = arith.constant 0.000000e+00 : f32
        %max3A_834 = vector.broadcast %max3A_833 : f32 to vector<16xf32>
        %max3A_835 = arith.maximumf %add3A_832, %max3A_834 : vector<16xf32>
        %swap3A_836 = arith.index_cast %add3A_806 : i32 to index
        %swap3A_837 = arith.constant 16 : index
        %swap3A_838 = tpu.vector_load %arg15[%swap3A_836, %swap3A_837] {strides = array<i32>} : memref<128x32xf32, #tpu.memory_space<vmem>>, vector<1x16xf32>,
        %swap3A_839 = vector.shape_cast %swap3A_838 : vector<1x16xf32> to vector<16xf32>
        %swap3A_840 = vector.shape_cast %max3A_835 : vector<16xf32> to vector<1x16xf32>
        tpu.vector_store %arg15[%swap3A_836, %swap3A_837], %swap3A_840 {strides = array<i32>} : memref<128x32xf32, #tpu.memory_space<vmem>>, vector<1x16xf32>,
        %mul3A_841 = arith.constant 4 : i32
        %mul3A_842 = arith.muli %scan3A_764, %mul3A_841 : i32
        %add3A_843 = arith.constant 2 : i32
        %add3A_844 = arith.addi %mul3A_842, %add3A_843 : i32
        %get3A_845 = arith.index_cast %add3A_844 : i32 to index
        %get3A_846 = arith.constant 0 : index
        %get3A_847 = tpu.vector_load %arg15[%get3A_845, %get3A_846] {strides = array<i32>} : memref<128x32xf32, #tpu.memory_space<vmem>>, vector<1x16xf32>,
        %get3A_848 = vector.shape_cast %get3A_847 : vector<1x16xf32> to vector<16xf32>
        %get3A_849 = arith.index_cast %scan3A_764 : i32 to index
        %get3A_850 = arith.constant 64 : index
        %get3A_851 = tpu.vector_load %arg14[%get3A_849, %get3A_850] {strides = array<i32>} : memref<32x128xf32, #tpu.memory_space<vmem>>, vector<1x16xf32>,
        %get3A_852 = vector.shape_cast %get3A_851 : vector<1x16xf32> to vector<16xf32>
        %add3A_853 = arith.addf %get3A_848, %get3A_852 : vector<16xf32>
        %max3A_854 = arith.constant 0.000000e+00 : f32
        %max3A_855 = vector.broadcast %max3A_854 : f32 to vector<16xf32>
        %max3A_856 = arith.maximumf %add3A_853, %max3A_855 : vector<16xf32>
        %swap3A_857 = arith.index_cast %add3A_844 : i32 to index
        %swap3A_858 = arith.constant 0 : index
        %swap3A_859 = tpu.vector_load %arg15[%swap3A_857, %swap3A_858] {strides = array<i32>} : memref<128x32xf32, #tpu.memory_space<vmem>>, vector<1x16xf32>,
        %swap3A_860 = vector.shape_cast %swap3A_859 : vector<1x16xf32> to vector<16xf32>
        %swap3A_861 = vector.shape_cast %max3A_856 : vector<16xf32> to vector<1x16xf32>
        tpu.vector_store %arg15[%swap3A_857, %swap3A_858], %swap3A_861 {strides = array<i32>} : memref<128x32xf32, #tpu.memory_space<vmem>>, vector<1x16xf32>,
        %get3A_862 = arith.index_cast %add3A_844 : i32 to index
        %get3A_863 = arith.constant 16 : index
        %get3A_864 = tpu.vector_load %arg15[%get3A_862, %get3A_863] {strides = array<i32>} : memref<128x32xf32, #tpu.memory_space<vmem>>, vector<1x16xf32>,
        %get3A_865 = vector.shape_cast %get3A_864 : vector<1x16xf32> to vector<16xf32>
        %get3A_866 = arith.index_cast %scan3A_764 : i32 to index
        %get3A_867 = arith.constant 80 : index
        %get3A_868 = tpu.vector_load %arg14[%get3A_866, %get3A_867] {strides = array<i32>} : memref<32x128xf32, #tpu.memory_space<vmem>>, vector<1x16xf32>,
        %get3A_869 = vector.shape_cast %get3A_868 : vector<1x16xf32> to vector<16xf32>
        %add3A_870 = arith.addf %get3A_865, %get3A_869 : vector<16xf32>
        %max3A_871 = arith.constant 0.000000e+00 : f32
        %max3A_872 = vector.broadcast %max3A_871 : f32 to vector<16xf32>
        %max3A_873 = arith.maximumf %add3A_870, %max3A_872 : vector<16xf32>
        %swap3A_874 = arith.index_cast %add3A_844 : i32 to index
        %swap3A_875 = arith.constant 16 : index
        %swap3A_876 = tpu.vector_load %arg15[%swap3A_874, %swap3A_875] {strides = array<i32>} : memref<128x32xf32, #tpu.memory_space<vmem>>, vector<1x16xf32>,
        %swap3A_877 = vector.shape_cast %swap3A_876 : vector<1x16xf32> to vector<16xf32>
        %swap3A_878 = vector.shape_cast %max3A_873 : vector<16xf32> to vector<1x16xf32>
        tpu.vector_store %arg15[%swap3A_874, %swap3A_875], %swap3A_878 {strides = array<i32>} : memref<128x32xf32, #tpu.memory_space<vmem>>, vector<1x16xf32>,
        %mul3A_879 = arith.constant 4 : i32
        %mul3A_880 = arith.muli %scan3A_764, %mul3A_879 : i32
        %add3A_881 = arith.constant 3 : i32
        %add3A_882 = arith.addi %mul3A_880, %add3A_881 : i32
        %get3A_883 = arith.index_cast %add3A_882 : i32 to index
        %get3A_884 = arith.constant 0 : index
        %get3A_885 = tpu.vector_load %arg15[%get3A_883, %get3A_884] {strides = array<i32>} : memref<128x32xf32, #tpu.memory_space<vmem>>, vector<1x16xf32>,
        %get3A_886 = vector.shape_cast %get3A_885 : vector<1x16xf32> to vector<16xf32>
        %get3A_887 = arith.index_cast %scan3A_764 : i32 to index
        %get3A_888 = arith.constant 96 : index
        %get3A_889 = tpu.vector_load %arg14[%get3A_887, %get3A_888] {strides = array<i32>} : memref<32x128xf32, #tpu.memory_space<vmem>>, vector<1x16xf32>,
        %get3A_890 = vector.shape_cast %get3A_889 : vector<1x16xf32> to vector<16xf32>
        %add3A_891 = arith.addf %get3A_886, %get3A_890 : vector<16xf32>
        %max3A_892 = arith.constant 0.000000e+00 : f32
        %max3A_893 = vector.broadcast %max3A_892 : f32 to vector<16xf32>
        %max3A_894 = arith.maximumf %add3A_891, %max3A_893 : vector<16xf32>
        %swap3A_895 = arith.index_cast %add3A_882 : i32 to index
        %swap3A_896 = arith.constant 0 : index
        %swap3A_897 = tpu.vector_load %arg15[%swap3A_895, %swap3A_896] {strides = array<i32>} : memref<128x32xf32, #tpu.memory_space<vmem>>, vector<1x16xf32>,
        %swap3A_898 = vector.shape_cast %swap3A_897 : vector<1x16xf32> to vector<16xf32>
        %swap3A_899 = vector.shape_cast %max3A_894 : vector<16xf32> to vector<1x16xf32>
        tpu.vector_store %arg15[%swap3A_895, %swap3A_896], %swap3A_899 {strides = array<i32>} : memref<128x32xf32, #tpu.memory_space<vmem>>, vector<1x16xf32>,
        %get3A_900 = arith.index_cast %add3A_882 : i32 to index
        %get3A_901 = arith.constant 16 : index
        %get3A_902 = tpu.vector_load %arg15[%get3A_900, %get3A_901] {strides = array<i32>} : memref<128x32xf32, #tpu.memory_space<vmem>>, vector<1x16xf32>,
        %get3A_903 = vector.shape_cast %get3A_902 : vector<1x16xf32> to vector<16xf32>
        %get3A_904 = arith.index_cast %scan3A_764 : i32 to index
        %get3A_905 = arith.constant 112 : index
        %get3A_906 = tpu.vector_load %arg14[%get3A_904, %get3A_905] {strides = array<i32>} : memref<32x128xf32, #tpu.memory_space<vmem>>, vector<1x16xf32>,
        %get3A_907 = vector.shape_cast %get3A_906 : vector<1x16xf32> to vector<16xf32>
        %add3A_908 = arith.addf %get3A_903, %get3A_907 : vector<16xf32>
        %max3A_909 = arith.constant 0.000000e+00 : f32
        %max3A_910 = vector.broadcast %max3A_909 : f32 to vector<16xf32>
        %max3A_911 = arith.maximumf %add3A_908, %max3A_910 : vector<16xf32>
        %swap3A_912 = arith.index_cast %add3A_882 : i32 to index
        %swap3A_913 = arith.constant 16 : index
        %swap3A_914 = tpu.vector_load %arg15[%swap3A_912, %swap3A_913] {strides = array<i32>} : memref<128x32xf32, #tpu.memory_space<vmem>>, vector<1x16xf32>,
        %swap3A_915 = vector.shape_cast %swap3A_914 : vector<1x16xf32> to vector<16xf32>
        %swap3A_916 = vector.shape_cast %max3A_911 : vector<16xf32> to vector<1x16xf32>
        tpu.vector_store %arg15[%swap3A_912, %swap3A_913], %swap3A_916 {strides = array<i32>} : memref<128x32xf32, #tpu.memory_space<vmem>>, vector<1x16xf32>,
        %scan3A_917 = arith.constant 0 : i32
        scf.yield %scan3A_917 : i32
      }
      %scan3A_504 = arith.constant 32 : i32
      %get3A_505 = arith.constant 0 : index
      %get3A_506 = tpu.vector_load %arg13[%get3A_505] {strides = array<i32>} : memref<128xi32, #tpu.memory_space<vmem>>, vector<16xi32>,
      %get3A_507 = vector.shape_cast %get3A_506 : vector<16xi32> to vector<16xi32>
      %swap3A_508 = arith.constant 0 : index
      %swap3A_509 = tpu.vector_load %arg16[%swap3A_508] {strides = array<i32>} : memref<128xi32, #tpu.memory_space<vmem>>, vector<16xi32>,
      %swap3A_510 = vector.shape_cast %swap3A_509 : vector<16xi32> to vector<16xi32>
      %swap3A_511 = vector.shape_cast %get3A_507 : vector<16xi32> to vector<16xi32>
      tpu.vector_store %arg16[%swap3A_508], %swap3A_511 {strides = array<i32>} : memref<128xi32, #tpu.memory_space<vmem>>, vector<16xi32>,
      %get3A_512 = arith.constant 16 : index
      %get3A_513 = tpu.vector_load %arg13[%get3A_512] {strides = array<i32>} : memref<128xi32, #tpu.memory_space<vmem>>, vector<16xi32>,
      %get3A_514 = vector.shape_cast %get3A_513 : vector<16xi32> to vector<16xi32>
      %swap3A_515 = arith.constant 16 : index
      %swap3A_516 = tpu.vector_load %arg16[%swap3A_515] {strides = array<i32>} : memref<128xi32, #tpu.memory_space<vmem>>, vector<16xi32>,
      %swap3A_517 = vector.shape_cast %swap3A_516 : vector<16xi32> to vector<16xi32>
      %swap3A_518 = vector.shape_cast %get3A_514 : vector<16xi32> to vector<16xi32>
      tpu.vector_store %arg16[%swap3A_515], %swap3A_518 {strides = array<i32>} : memref<128xi32, #tpu.memory_space<vmem>>, vector<16xi32>,
      %get3A_519 = arith.constant 32 : index
      %get3A_520 = tpu.vector_load %arg13[%get3A_519] {strides = array<i32>} : memref<128xi32, #tpu.memory_space<vmem>>, vector<16xi32>,
      %get3A_521 = vector.shape_cast %get3A_520 : vector<16xi32> to vector<16xi32>
      %swap3A_522 = arith.constant 32 : index
      %swap3A_523 = tpu.vector_load %arg16[%swap3A_522] {strides = array<i32>} : memref<128xi32, #tpu.memory_space<vmem>>, vector<16xi32>,
      %swap3A_524 = vector.shape_cast %swap3A_523 : vector<16xi32> to vector<16xi32>
      %swap3A_525 = vector.shape_cast %get3A_521 : vector<16xi32> to vector<16xi32>
      tpu.vector_store %arg16[%swap3A_522], %swap3A_525 {strides = array<i32>} : memref<128xi32, #tpu.memory_space<vmem>>, vector<16xi32>,
      %get3A_526 = arith.constant 48 : index
      %get3A_527 = tpu.vector_load %arg13[%get3A_526] {strides = array<i32>} : memref<128xi32, #tpu.memory_space<vmem>>, vector<16xi32>,
      %get3A_528 = vector.shape_cast %get3A_527 : vector<16xi32> to vector<16xi32>
      %swap3A_529 = arith.constant 48 : index
      %swap3A_530 = tpu.vector_load %arg16[%swap3A_529] {strides = array<i32>} : memref<128xi32, #tpu.memory_space<vmem>>, vector<16xi32>,
      %swap3A_531 = vector.shape_cast %swap3A_530 : vector<16xi32> to vector<16xi32>
      %swap3A_532 = vector.shape_cast %get3A_528 : vector<16xi32> to vector<16xi32>
      tpu.vector_store %arg16[%swap3A_529], %swap3A_532 {strides = array<i32>} : memref<128xi32, #tpu.memory_space<vmem>>, vector<16xi32>,
      %get3A_533 = arith.constant 64 : index
      %get3A_534 = tpu.vector_load %arg13[%get3A_533] {strides = array<i32>} : memref<128xi32, #tpu.memory_space<vmem>>, vector<16xi32>,
      %get3A_535 = vector.shape_cast %get3A_534 : vector<16xi32> to vector<16xi32>
      %swap3A_536 = arith.constant 64 : index
      %swap3A_537 = tpu.vector_load %arg16[%swap3A_536] {strides = array<i32>} : memref<128xi32, #tpu.memory_space<vmem>>, vector<16xi32>,
      %swap3A_538 = vector.shape_cast %swap3A_537 : vector<16xi32> to vector<16xi32>
      %swap3A_539 = vector.shape_cast %get3A_535 : vector<16xi32> to vector<16xi32>
      tpu.vector_store %arg16[%swap3A_536], %swap3A_539 {strides = array<i32>} : memref<128xi32, #tpu.memory_space<vmem>>, vector<16xi32>,
      %get3A_540 = arith.constant 80 : index
      %get3A_541 = tpu.vector_load %arg13[%get3A_540] {strides = array<i32>} : memref<128xi32, #tpu.memory_space<vmem>>, vector<16xi32>,
      %get3A_542 = vector.shape_cast %get3A_541 : vector<16xi32> to vector<16xi32>
      %swap3A_543 = arith.constant 80 : index
      %swap3A_544 = tpu.vector_load %arg16[%swap3A_543] {strides = array<i32>} : memref<128xi32, #tpu.memory_space<vmem>>, vector<16xi32>,
      %swap3A_545 = vector.shape_cast %swap3A_544 : vector<16xi32> to vector<16xi32>
      %swap3A_546 = vector.shape_cast %get3A_542 : vector<16xi32> to vector<16xi32>
      tpu.vector_store %arg16[%swap3A_543], %swap3A_546 {strides = array<i32>} : memref<128xi32, #tpu.memory_space<vmem>>, vector<16xi32>,
      %get3A_547 = arith.constant 96 : index
      %get3A_548 = tpu.vector_load %arg13[%get3A_547] {strides = array<i32>} : memref<128xi32, #tpu.memory_space<vmem>>, vector<16xi32>,
      %get3A_549 = vector.shape_cast %get3A_548 : vector<16xi32> to vector<16xi32>
      %swap3A_550 = arith.constant 96 : index
      %swap3A_551 = tpu.vector_load %arg16[%swap3A_550] {strides = array<i32>} : memref<128xi32, #tpu.memory_space<vmem>>, vector<16xi32>,
      %swap3A_552 = vector.shape_cast %swap3A_551 : vector<16xi32> to vector<16xi32>
      %swap3A_553 = vector.shape_cast %get3A_549 : vector<16xi32> to vector<16xi32>
      tpu.vector_store %arg16[%swap3A_550], %swap3A_553 {strides = array<i32>} : memref<128xi32, #tpu.memory_space<vmem>>, vector<16xi32>,
      %get3A_554 = arith.constant 112 : index
      %get3A_555 = tpu.vector_load %arg13[%get3A_554] {strides = array<i32>} : memref<128xi32, #tpu.memory_space<vmem>>, vector<16xi32>,
      %get3A_556 = vector.shape_cast %get3A_555 : vector<16xi32> to vector<16xi32>
      %swap3A_557 = arith.constant 112 : index
      %swap3A_558 = tpu.vector_load %arg16[%swap3A_557] {strides = array<i32>} : memref<128xi32, #tpu.memory_space<vmem>>, vector<16xi32>,
      %swap3A_559 = vector.shape_cast %swap3A_558 : vector<16xi32> to vector<16xi32>
      %swap3A_560 = vector.shape_cast %get3A_556 : vector<16xi32> to vector<16xi32>
      tpu.vector_store %arg16[%swap3A_557], %swap3A_560 {strides = array<i32>} : memref<128xi32, #tpu.memory_space<vmem>>, vector<16xi32>,
      %dma_start3A_561 = arith.constant 0 : i32
      %dma_start3A_562 = arith.constant 0 : i32
      %dma_start3A_563 = tpu.memref_slice %arg18[%dma_start3A_561, %dma_start3A_562] : memref<50176x32xf32, #tpu.memory_space<vmem_shared>> -> memref<50176x32xf32, #tpu.memory_space<vmem_shared>>
      tpu.enqueue_indirect_dma source(%arg15 : memref<128x32xf32, #tpu.memory_space<vmem>>) target(%dma_start3A_563 : memref<50176x32xf32, #tpu.memory_space<vmem_shared>>) offsets(%arg16 : memref<128xi32, #tpu.memory_space<vmem>>) semaphore(%arg24 : memref<!tpu.dma_semaphore, #tpu.memory_space<semaphore_mem>>) {add = true}
      %add3A_564 = arith.constant 2 : i32
      %add3A_565 = arith.addi %add3A_408, %add3A_564 : i32
      %min3A_566 = arith.constant 391 : i32
      %min3A_567 = arith.minsi %add3A_565, %min3A_566 : i32
      %mul3A_568 = arith.constant 128 : i32
      %mul3A_569 = arith.muli %min3A_567, %mul3A_568 : i32
      %add3A_570 = arith.addi %mul3A_14, %mul3A_569 : i32
      %dma_start3A_571 = tpu.memref_slice %arg4[%add3A_570] : memref<802816xi32, #tpu.memory_space<hbm>> -> memref<128xi32, #tpu.memory_space<hbm>>
      %dma_start3A_572 = tpu.memref_slice %arg4[%add3A_570] : memref<802816xi32, #tpu.memory_space<hbm>> -> memref<128xi32, #tpu.memory_space<hbm>>
      tpu.enqueue_dma source(%dma_start3A_572 : memref<128xi32, #tpu.memory_space<hbm>>) target(%arg12 : memref<128xi32, #tpu.memory_space<vmem>>) target_semaphore(%arg22 : memref<!tpu.dma_semaphore, #tpu.memory_space<semaphore_mem>>)
      %mul3A_573 = arith.constant 128 : i32
      %mul3A_574 = arith.muli %min3A_567, %mul3A_573 : i32
      %add3A_575 = arith.addi %mul3A_14, %mul3A_574 : i32
      %dma_start3A_576 = tpu.memref_slice %arg5[%add3A_575] : memref<802816xi32, #tpu.memory_space<hbm>> -> memref<128xi32, #tpu.memory_space<hbm>>
      %dma_start3A_577 = tpu.memref_slice %arg5[%add3A_575] : memref<802816xi32, #tpu.memory_space<hbm>> -> memref<128xi32, #tpu.memory_space<hbm>>
      tpu.enqueue_dma source(%dma_start3A_577 : memref<128xi32, #tpu.memory_space<hbm>>) target(%arg13 : memref<128xi32, #tpu.memory_space<vmem>>) target_semaphore(%arg22 : memref<!tpu.dma_semaphore, #tpu.memory_space<semaphore_mem>>)
      %mul3A_578 = arith.constant 32 : i32
      %mul3A_579 = arith.muli %min3A_567, %mul3A_578 : i32
      %add3A_580 = arith.addi %add3A, %mul3A_579 : i32
      %dma_start3A_581 = arith.constant 0 : i32
      %dma_start3A_582 = tpu.memref_slice %arg3[%add3A_580, %dma_start3A_581] : memref<401408x128xf32, #tpu.memory_space<hbm>> -> memref<32x128xf32, #tpu.memory_space<hbm>>
      %dma_start3A_583 = arith.constant 0 : i32
      %dma_start3A_584 = tpu.memref_slice %arg3[%add3A_580, %dma_start3A_583] : memref<401408x128xf32, #tpu.memory_space<hbm>> -> memref<32x128xf32, #tpu.memory_space<hbm>>
      tpu.enqueue_dma source(%dma_start3A_584 : memref<32x128xf32, #tpu.memory_space<hbm>>) target(%arg14 : memref<32x128xf32, #tpu.memory_space<vmem>>) target_semaphore(%arg22 : memref<!tpu.dma_semaphore, #tpu.memory_space<semaphore_mem>>)
      %add3A_585 = arith.constant 1 : i32
      %add3A_586 = arith.addi %add3A_408, %add3A_585 : i32
      %dma_wait3A_587 = arith.constant 0 : i32
      %dma_wait3A_588 = arith.constant 0 : i32
      %dma_wait3A_589 = tpu.memref_slice %arg18[%dma_wait3A_587, %dma_wait3A_588] : memref<50176x32xf32, #tpu.memory_space<vmem_shared>> -> memref<50176x32xf32, #tpu.memory_space<vmem_shared>>
      tpu.wait_indirect_dma semaphore(%arg24 : memref<!tpu.dma_semaphore, #tpu.memory_space<semaphore_mem>>) src(%arg15 : memref<128x32xf32, #tpu.memory_space<vmem>>) dst(%dma_wait3A_589 : memref<50176x32xf32, #tpu.memory_space<vmem_shared>>)
      %dma_wait3A_590 = tpu.memref_slice %arg4[%mul3A_14] : memref<802816xi32, #tpu.memory_space<hbm>> -> memref<128xi32, #tpu.memory_space<hbm>>
      %dma_wait3A_591 = tpu.memref_slice %arg4[%mul3A_14] : memref<802816xi32, #tpu.memory_space<hbm>> -> memref<128xi32, #tpu.memory_space<hbm>>
      tpu.wait_dma2 semaphore(%arg22 : memref<!tpu.dma_semaphore, #tpu.memory_space<semaphore_mem>>) src(%dma_wait3A_591 : memref<128xi32, #tpu.memory_space<hbm>>) dst(%arg12 : memref<128xi32, #tpu.memory_space<vmem>>)
      %dma_wait3A_592 = tpu.memref_slice %arg5[%mul3A_14] : memref<802816xi32, #tpu.memory_space<hbm>> -> memref<128xi32, #tpu.memory_space<hbm>>
      %dma_wait3A_593 = tpu.memref_slice %arg5[%mul3A_14] : memref<802816xi32, #tpu.memory_space<hbm>> -> memref<128xi32, #tpu.memory_space<hbm>>
      tpu.wait_dma2 semaphore(%arg22 : memref<!tpu.dma_semaphore, #tpu.memory_space<semaphore_mem>>) src(%dma_wait3A_593 : memref<128xi32, #tpu.memory_space<hbm>>) dst(%arg13 : memref<128xi32, #tpu.memory_space<vmem>>)
      %dma_wait3A_594 = arith.constant 0 : i32
      %dma_wait3A_595 = tpu.memref_slice %arg3[%add3A, %dma_wait3A_594] : memref<401408x128xf32, #tpu.memory_space<hbm>> -> memref<32x128xf32, #tpu.memory_space<hbm>>
      %dma_wait3A_596 = arith.constant 0 : i32
      %dma_wait3A_597 = tpu.memref_slice %arg3[%add3A, %dma_wait3A_596] : memref<401408x128xf32, #tpu.memory_space<hbm>> -> memref<32x128xf32, #tpu.memory_space<hbm>>
      tpu.wait_dma2 semaphore(%arg22 : memref<!tpu.dma_semaphore, #tpu.memory_space<semaphore_mem>>) src(%dma_wait3A_597 : memref<32x128xf32, #tpu.memory_space<hbm>>) dst(%arg14 : memref<32x128xf32, #tpu.memory_space<vmem>>)
      %get3A_598 = arith.constant 0 : index
      %get3A_599 = tpu.vector_load %arg12[%get3A_598] {strides = array<i32>} : memref<128xi32, #tpu.memory_space<vmem>>, vector<16xi32>,
      %get3A_600 = vector.shape_cast %get3A_599 : vector<16xi32> to vector<16xi32>
      %add3A_601 = vector.broadcast %mul3A_20 : i32 to vector<16xi32>
      %add3A_602 = arith.addi %get3A_600, %add3A_601 : vector<16xi32>
      %swap3A_603 = arith.constant 0 : index
      %swap3A_604 = tpu.vector_load %arg12[%swap3A_603] {strides = array<i32>} : memref<128xi32, #tpu.memory_space<vmem>>, vector<16xi32>,
      %swap3A_605 = vector.shape_cast %swap3A_604 : vector<16xi32> to vector<16xi32>
      %swap3A_606 = vector.shape_cast %add3A_602 : vector<16xi32> to vector<16xi32>
      tpu.vector_store %arg12[%swap3A_603], %swap3A_606 {strides = array<i32>} : memref<128xi32, #tpu.memory_space<vmem>>, vector<16xi32>,
      %get3A_607 = arith.constant 16 : index
      %get3A_608 = tpu.vector_load %arg12[%get3A_607] {strides = array<i32>} : memref<128xi32, #tpu.memory_space<vmem>>, vector<16xi32>,
      %get3A_609 = vector.shape_cast %get3A_608 : vector<16xi32> to vector<16xi32>
      %add3A_610 = vector.broadcast %mul3A_20 : i32 to vector<16xi32>
      %add3A_611 = arith.addi %get3A_609, %add3A_610 : vector<16xi32>
      %swap3A_612 = arith.constant 16 : index
      %swap3A_613 = tpu.vector_load %arg12[%swap3A_612] {strides = array<i32>} : memref<128xi32, #tpu.memory_space<vmem>>, vector<16xi32>,
      %swap3A_614 = vector.shape_cast %swap3A_613 : vector<16xi32> to vector<16xi32>
      %swap3A_615 = vector.shape_cast %add3A_611 : vector<16xi32> to vector<16xi32>
      tpu.vector_store %arg12[%swap3A_612], %swap3A_615 {strides = array<i32>} : memref<128xi32, #tpu.memory_space<vmem>>, vector<16xi32>,
      %get3A_616 = arith.constant 32 : index
      %get3A_617 = tpu.vector_load %arg12[%get3A_616] {strides = array<i32>} : memref<128xi32, #tpu.memory_space<vmem>>, vector<16xi32>,
      %get3A_618 = vector.shape_cast %get3A_617 : vector<16xi32> to vector<16xi32>
      %add3A_619 = vector.broadcast %mul3A_20 : i32 to vector<16xi32>
      %add3A_620 = arith.addi %get3A_618, %add3A_619 : vector<16xi32>
      %swap3A_621 = arith.constant 32 : index
      %swap3A_622 = tpu.vector_load %arg12[%swap3A_621] {strides = array<i32>} : memref<128xi32, #tpu.memory_space<vmem>>, vector<16xi32>,
      %swap3A_623 = vector.shape_cast %swap3A_622 : vector<16xi32> to vector<16xi32>
      %swap3A_624 = vector.shape_cast %add3A_620 : vector<16xi32> to vector<16xi32>
      tpu.vector_store %arg12[%swap3A_621], %swap3A_624 {strides = array<i32>} : memref<128xi32, #tpu.memory_space<vmem>>, vector<16xi32>,
      %get3A_625 = arith.constant 48 : index
      %get3A_626 = tpu.vector_load %arg12[%get3A_625] {strides = array<i32>} : memref<128xi32, #tpu.memory_space<vmem>>, vector<16xi32>,
      %get3A_627 = vector.shape_cast %get3A_626 : vector<16xi32> to vector<16xi32>
      %add3A_628 = vector.broadcast %mul3A_20 : i32 to vector<16xi32>
      %add3A_629 = arith.addi %get3A_627, %add3A_628 : vector<16xi32>
      %swap3A_630 = arith.constant 48 : index
      %swap3A_631 = tpu.vector_load %arg12[%swap3A_630] {strides = array<i32>} : memref<128xi32, #tpu.memory_space<vmem>>, vector<16xi32>,
      %swap3A_632 = vector.shape_cast %swap3A_631 : vector<16xi32> to vector<16xi32>
      %swap3A_633 = vector.shape_cast %add3A_629 : vector<16xi32> to vector<16xi32>
      tpu.vector_store %arg12[%swap3A_630], %swap3A_633 {strides = array<i32>} : memref<128xi32, #tpu.memory_space<vmem>>, vector<16xi32>,
      %get3A_634 = arith.constant 64 : index
      %get3A_635 = tpu.vector_load %arg12[%get3A_634] {strides = array<i32>} : memref<128xi32, #tpu.memory_space<vmem>>, vector<16xi32>,
      %get3A_636 = vector.shape_cast %get3A_635 : vector<16xi32> to vector<16xi32>
      %add3A_637 = vector.broadcast %mul3A_20 : i32 to vector<16xi32>
      %add3A_638 = arith.addi %get3A_636, %add3A_637 : vector<16xi32>
      %swap3A_639 = arith.constant 64 : index
      %swap3A_640 = tpu.vector_load %arg12[%swap3A_639] {strides = array<i32>} : memref<128xi32, #tpu.memory_space<vmem>>, vector<16xi32>,
      %swap3A_641 = vector.shape_cast %swap3A_640 : vector<16xi32> to vector<16xi32>
      %swap3A_642 = vector.shape_cast %add3A_638 : vector<16xi32> to vector<16xi32>
      tpu.vector_store %arg12[%swap3A_639], %swap3A_642 {strides = array<i32>} : memref<128xi32, #tpu.memory_space<vmem>>, vector<16xi32>,
      %get3A_643 = arith.constant 80 : index
      %get3A_644 = tpu.vector_load %arg12[%get3A_643] {strides = array<i32>} : memref<128xi32, #tpu.memory_space<vmem>>, vector<16xi32>,
      %get3A_645 = vector.shape_cast %get3A_644 : vector<16xi32> to vector<16xi32>
      %add3A_646 = vector.broadcast %mul3A_20 : i32 to vector<16xi32>
      %add3A_647 = arith.addi %get3A_645, %add3A_646 : vector<16xi32>
      %swap3A_648 = arith.constant 80 : index
      %swap3A_649 = tpu.vector_load %arg12[%swap3A_648] {strides = array<i32>} : memref<128xi32, #tpu.memory_space<vmem>>, vector<16xi32>,
      %swap3A_650 = vector.shape_cast %swap3A_649 : vector<16xi32> to vector<16xi32>
      %swap3A_651 = vector.shape_cast %add3A_647 : vector<16xi32> to vector<16xi32>
      tpu.vector_store %arg12[%swap3A_648], %swap3A_651 {strides = array<i32>} : memref<128xi32, #tpu.memory_space<vmem>>, vector<16xi32>,
      %get3A_652 = arith.constant 96 : index
      %get3A_653 = tpu.vector_load %arg12[%get3A_652] {strides = array<i32>} : memref<128xi32, #tpu.memory_space<vmem>>, vector<16xi32>,
      %get3A_654 = vector.shape_cast %get3A_653 : vector<16xi32> to vector<16xi32>
      %add3A_655 = vector.broadcast %mul3A_20 : i32 to vector<16xi32>
      %add3A_656 = arith.addi %get3A_654, %add3A_655 : vector<16xi32>
      %swap3A_657 = arith.constant 96 : index
      %swap3A_658 = tpu.vector_load %arg12[%swap3A_657] {strides = array<i32>} : memref<128xi32, #tpu.memory_space<vmem>>, vector<16xi32>,
      %swap3A_659 = vector.shape_cast %swap3A_658 : vector<16xi32> to vector<16xi32>
      %swap3A_660 = vector.shape_cast %add3A_656 : vector<16xi32> to vector<16xi32>
      tpu.vector_store %arg12[%swap3A_657], %swap3A_660 {strides = array<i32>} : memref<128xi32, #tpu.memory_space<vmem>>, vector<16xi32>,
      %get3A_661 = arith.constant 112 : index
      %get3A_662 = tpu.vector_load %arg12[%get3A_661] {strides = array<i32>} : memref<128xi32, #tpu.memory_space<vmem>>, vector<16xi32>,
      %get3A_663 = vector.shape_cast %get3A_662 : vector<16xi32> to vector<16xi32>
      %add3A_664 = vector.broadcast %mul3A_20 : i32 to vector<16xi32>
      %add3A_665 = arith.addi %get3A_663, %add3A_664 : vector<16xi32>
      %swap3A_666 = arith.constant 112 : index
      %swap3A_667 = tpu.vector_load %arg12[%swap3A_666] {strides = array<i32>} : memref<128xi32, #tpu.memory_space<vmem>>, vector<16xi32>,
      %swap3A_668 = vector.shape_cast %swap3A_667 : vector<16xi32> to vector<16xi32>
      %swap3A_669 = vector.shape_cast %add3A_665 : vector<16xi32> to vector<16xi32>
      tpu.vector_store %arg12[%swap3A_666], %swap3A_669 {strides = array<i32>} : memref<128xi32, #tpu.memory_space<vmem>>, vector<16xi32>,
      %dma_start3A_670 = arith.constant 0 : i32
      %dma_start3A_671 = arith.constant 0 : i32
      %dma_start3A_672 = tpu.memref_slice %arg2[%dma_start3A_670, %dma_start3A_671] : memref<100000x32xf32, #tpu.memory_space<hbm>> -> memref<100000x32xf32, #tpu.memory_space<hbm>>
      tpu.enqueue_indirect_dma source(%dma_start3A_672 : memref<100000x32xf32, #tpu.memory_space<hbm>>) target(%arg15 : memref<128x32xf32, #tpu.memory_space<vmem>>) offsets(%arg12 : memref<128xi32, #tpu.memory_space<vmem>>) semaphore(%arg23 : memref<!tpu.dma_semaphore, #tpu.memory_space<semaphore_mem>>)
      %dma_wait3A_673 = arith.constant 0 : i32
      %dma_wait3A_674 = arith.constant 0 : i32
      %dma_wait3A_675 = tpu.memref_slice %arg2[%dma_wait3A_673, %dma_wait3A_674] : memref<100000x32xf32, #tpu.memory_space<hbm>> -> memref<100000x32xf32, #tpu.memory_space<hbm>>
      tpu.wait_indirect_dma semaphore(%arg20 : memref<!tpu.dma_semaphore, #tpu.memory_space<semaphore_mem>>) src(%dma_wait3A_675 : memref<100000x32xf32, #tpu.memory_space<hbm>>) dst(%arg10 : memref<128x32xf32, #tpu.memory_space<vmem>>)
      %scan3A_676 = arith.constant 0 : i32
      %scan3A_677 = arith.constant 0 : i32
      %scan3A_678 = arith.constant 32 : i32
      %scan3A_679 = arith.addi %scan3A_677, %scan3A_678 : i32
      %scan3A_680 = arith.constant 1 : i32
      %scan3A_681 = scf.for %scan3A_764 = %scan3A_677 to %scan3A_679 step %scan3A_680 iter_args(%scan3A_765 = %scan3A_676) -> (i32)  : i32 {
        %mul3A_766 = arith.constant 4 : i32
        %mul3A_767 = arith.muli %scan3A_764, %mul3A_766 : i32
        %add3A_768 = arith.constant 0 : i32
        %add3A_769 = arith.addi %mul3A_767, %add3A_768 : i32
        %get3A_770 = arith.index_cast %add3A_769 : i32 to index
        %get3A_771 = arith.constant 0 : index
        %get3A_772 = tpu.vector_load %arg10[%get3A_770, %get3A_771] {strides = array<i32>} : memref<128x32xf32, #tpu.memory_space<vmem>>, vector<1x16xf32>,
        %get3A_773 = vector.shape_cast %get3A_772 : vector<1x16xf32> to vector<16xf32>
        %get3A_774 = arith.index_cast %scan3A_764 : i32 to index
        %get3A_775 = arith.constant 0 : index
        %get3A_776 = tpu.vector_load %arg9[%get3A_774, %get3A_775] {strides = array<i32>} : memref<32x128xf32, #tpu.memory_space<vmem>>, vector<1x16xf32>,
        %get3A_777 = vector.shape_cast %get3A_776 : vector<1x16xf32> to vector<16xf32>
        %add3A_778 = arith.addf %get3A_773, %get3A_777 : vector<16xf32>
        %max3A = arith.constant 0.000000e+00 : f32
        %max3A_779 = vector.broadcast %max3A : f32 to vector<16xf32>
        %max3A_780 = arith.maximumf %add3A_778, %max3A_779 : vector<16xf32>
        %swap3A_781 = arith.index_cast %add3A_769 : i32 to index
        %swap3A_782 = arith.constant 0 : index
        %swap3A_783 = tpu.vector_load %arg10[%swap3A_781, %swap3A_782] {strides = array<i32>} : memref<128x32xf32, #tpu.memory_space<vmem>>, vector<1x16xf32>,
        %swap3A_784 = vector.shape_cast %swap3A_783 : vector<1x16xf32> to vector<16xf32>
        %swap3A_785 = vector.shape_cast %max3A_780 : vector<16xf32> to vector<1x16xf32>
        tpu.vector_store %arg10[%swap3A_781, %swap3A_782], %swap3A_785 {strides = array<i32>} : memref<128x32xf32, #tpu.memory_space<vmem>>, vector<1x16xf32>,
        %get3A_786 = arith.index_cast %add3A_769 : i32 to index
        %get3A_787 = arith.constant 16 : index
        %get3A_788 = tpu.vector_load %arg10[%get3A_786, %get3A_787] {strides = array<i32>} : memref<128x32xf32, #tpu.memory_space<vmem>>, vector<1x16xf32>,
        %get3A_789 = vector.shape_cast %get3A_788 : vector<1x16xf32> to vector<16xf32>
        %get3A_790 = arith.index_cast %scan3A_764 : i32 to index
        %get3A_791 = arith.constant 16 : index
        %get3A_792 = tpu.vector_load %arg9[%get3A_790, %get3A_791] {strides = array<i32>} : memref<32x128xf32, #tpu.memory_space<vmem>>, vector<1x16xf32>,
        %get3A_793 = vector.shape_cast %get3A_792 : vector<1x16xf32> to vector<16xf32>
        %add3A_794 = arith.addf %get3A_789, %get3A_793 : vector<16xf32>
        %max3A_795 = arith.constant 0.000000e+00 : f32
        %max3A_796 = vector.broadcast %max3A_795 : f32 to vector<16xf32>
        %max3A_797 = arith.maximumf %add3A_794, %max3A_796 : vector<16xf32>
        %swap3A_798 = arith.index_cast %add3A_769 : i32 to index
        %swap3A_799 = arith.constant 16 : index
        %swap3A_800 = tpu.vector_load %arg10[%swap3A_798, %swap3A_799] {strides = array<i32>} : memref<128x32xf32, #tpu.memory_space<vmem>>, vector<1x16xf32>,
        %swap3A_801 = vector.shape_cast %swap3A_800 : vector<1x16xf32> to vector<16xf32>
        %swap3A_802 = vector.shape_cast %max3A_797 : vector<16xf32> to vector<1x16xf32>
        tpu.vector_store %arg10[%swap3A_798, %swap3A_799], %swap3A_802 {strides = array<i32>} : memref<128x32xf32, #tpu.memory_space<vmem>>, vector<1x16xf32>,
        %mul3A_803 = arith.constant 4 : i32
        %mul3A_804 = arith.muli %scan3A_764, %mul3A_803 : i32
        %add3A_805 = arith.constant 1 : i32
        %add3A_806 = arith.addi %mul3A_804, %add3A_805 : i32
        %get3A_807 = arith.index_cast %add3A_806 : i32 to index
        %get3A_808 = arith.constant 0 : index
        %get3A_809 = tpu.vector_load %arg10[%get3A_807, %get3A_808] {strides = array<i32>} : memref<128x32xf32, #tpu.memory_space<vmem>>, vector<1x16xf32>,
        %get3A_810 = vector.shape_cast %get3A_809 : vector<1x16xf32> to vector<16xf32>
        %get3A_811 = arith.index_cast %scan3A_764 : i32 to index
        %get3A_812 = arith.constant 32 : index
        %get3A_813 = tpu.vector_load %arg9[%get3A_811, %get3A_812] {strides = array<i32>} : memref<32x128xf32, #tpu.memory_space<vmem>>, vector<1x16xf32>,
        %get3A_814 = vector.shape_cast %get3A_813 : vector<1x16xf32> to vector<16xf32>
        %add3A_815 = arith.addf %get3A_810, %get3A_814 : vector<16xf32>
        %max3A_816 = arith.constant 0.000000e+00 : f32
        %max3A_817 = vector.broadcast %max3A_816 : f32 to vector<16xf32>
        %max3A_818 = arith.maximumf %add3A_815, %max3A_817 : vector<16xf32>
        %swap3A_819 = arith.index_cast %add3A_806 : i32 to index
        %swap3A_820 = arith.constant 0 : index
        %swap3A_821 = tpu.vector_load %arg10[%swap3A_819, %swap3A_820] {strides = array<i32>} : memref<128x32xf32, #tpu.memory_space<vmem>>, vector<1x16xf32>,
        %swap3A_822 = vector.shape_cast %swap3A_821 : vector<1x16xf32> to vector<16xf32>
        %swap3A_823 = vector.shape_cast %max3A_818 : vector<16xf32> to vector<1x16xf32>
        tpu.vector_store %arg10[%swap3A_819, %swap3A_820], %swap3A_823 {strides = array<i32>} : memref<128x32xf32, #tpu.memory_space<vmem>>, vector<1x16xf32>,
        %get3A_824 = arith.index_cast %add3A_806 : i32 to index
        %get3A_825 = arith.constant 16 : index
        %get3A_826 = tpu.vector_load %arg10[%get3A_824, %get3A_825] {strides = array<i32>} : memref<128x32xf32, #tpu.memory_space<vmem>>, vector<1x16xf32>,
        %get3A_827 = vector.shape_cast %get3A_826 : vector<1x16xf32> to vector<16xf32>
        %get3A_828 = arith.index_cast %scan3A_764 : i32 to index
        %get3A_829 = arith.constant 48 : index
        %get3A_830 = tpu.vector_load %arg9[%get3A_828, %get3A_829] {strides = array<i32>} : memref<32x128xf32, #tpu.memory_space<vmem>>, vector<1x16xf32>,
        %get3A_831 = vector.shape_cast %get3A_830 : vector<1x16xf32> to vector<16xf32>
        %add3A_832 = arith.addf %get3A_827, %get3A_831 : vector<16xf32>
        %max3A_833 = arith.constant 0.000000e+00 : f32
        %max3A_834 = vector.broadcast %max3A_833 : f32 to vector<16xf32>
        %max3A_835 = arith.maximumf %add3A_832, %max3A_834 : vector<16xf32>
        %swap3A_836 = arith.index_cast %add3A_806 : i32 to index
        %swap3A_837 = arith.constant 16 : index
        %swap3A_838 = tpu.vector_load %arg10[%swap3A_836, %swap3A_837] {strides = array<i32>} : memref<128x32xf32, #tpu.memory_space<vmem>>, vector<1x16xf32>,
        %swap3A_839 = vector.shape_cast %swap3A_838 : vector<1x16xf32> to vector<16xf32>
        %swap3A_840 = vector.shape_cast %max3A_835 : vector<16xf32> to vector<1x16xf32>
        tpu.vector_store %arg10[%swap3A_836, %swap3A_837], %swap3A_840 {strides = array<i32>} : memref<128x32xf32, #tpu.memory_space<vmem>>, vector<1x16xf32>,
        %mul3A_841 = arith.constant 4 : i32
        %mul3A_842 = arith.muli %scan3A_764, %mul3A_841 : i32
        %add3A_843 = arith.constant 2 : i32
        %add3A_844 = arith.addi %mul3A_842, %add3A_843 : i32
        %get3A_845 = arith.index_cast %add3A_844 : i32 to index
        %get3A_846 = arith.constant 0 : index
        %get3A_847 = tpu.vector_load %arg10[%get3A_845, %get3A_846] {strides = array<i32>} : memref<128x32xf32, #tpu.memory_space<vmem>>, vector<1x16xf32>,
        %get3A_848 = vector.shape_cast %get3A_847 : vector<1x16xf32> to vector<16xf32>
        %get3A_849 = arith.index_cast %scan3A_764 : i32 to index
        %get3A_850 = arith.constant 64 : index
        %get3A_851 = tpu.vector_load %arg9[%get3A_849, %get3A_850] {strides = array<i32>} : memref<32x128xf32, #tpu.memory_space<vmem>>, vector<1x16xf32>,
        %get3A_852 = vector.shape_cast %get3A_851 : vector<1x16xf32> to vector<16xf32>
        %add3A_853 = arith.addf %get3A_848, %get3A_852 : vector<16xf32>
        %max3A_854 = arith.constant 0.000000e+00 : f32
        %max3A_855 = vector.broadcast %max3A_854 : f32 to vector<16xf32>
        %max3A_856 = arith.maximumf %add3A_853, %max3A_855 : vector<16xf32>
        %swap3A_857 = arith.index_cast %add3A_844 : i32 to index
        %swap3A_858 = arith.constant 0 : index
        %swap3A_859 = tpu.vector_load %arg10[%swap3A_857, %swap3A_858] {strides = array<i32>} : memref<128x32xf32, #tpu.memory_space<vmem>>, vector<1x16xf32>,
        %swap3A_860 = vector.shape_cast %swap3A_859 : vector<1x16xf32> to vector<16xf32>
        %swap3A_861 = vector.shape_cast %max3A_856 : vector<16xf32> to vector<1x16xf32>
        tpu.vector_store %arg10[%swap3A_857, %swap3A_858], %swap3A_861 {strides = array<i32>} : memref<128x32xf32, #tpu.memory_space<vmem>>, vector<1x16xf32>,
        %get3A_862 = arith.index_cast %add3A_844 : i32 to index
        %get3A_863 = arith.constant 16 : index
        %get3A_864 = tpu.vector_load %arg10[%get3A_862, %get3A_863] {strides = array<i32>} : memref<128x32xf32, #tpu.memory_space<vmem>>, vector<1x16xf32>,
        %get3A_865 = vector.shape_cast %get3A_864 : vector<1x16xf32> to vector<16xf32>
        %get3A_866 = arith.index_cast %scan3A_764 : i32 to index
        %get3A_867 = arith.constant 80 : index
        %get3A_868 = tpu.vector_load %arg9[%get3A_866, %get3A_867] {strides = array<i32>} : memref<32x128xf32, #tpu.memory_space<vmem>>, vector<1x16xf32>,
        %get3A_869 = vector.shape_cast %get3A_868 : vector<1x16xf32> to vector<16xf32>
        %add3A_870 = arith.addf %get3A_865, %get3A_869 : vector<16xf32>
        %max3A_871 = arith.constant 0.000000e+00 : f32
        %max3A_872 = vector.broadcast %max3A_871 : f32 to vector<16xf32>
        %max3A_873 = arith.maximumf %add3A_870, %max3A_872 : vector<16xf32>
        %swap3A_874 = arith.index_cast %add3A_844 : i32 to index
        %swap3A_875 = arith.constant 16 : index
        %swap3A_876 = tpu.vector_load %arg10[%swap3A_874, %swap3A_875] {strides = array<i32>} : memref<128x32xf32, #tpu.memory_space<vmem>>, vector<1x16xf32>,
        %swap3A_877 = vector.shape_cast %swap3A_876 : vector<1x16xf32> to vector<16xf32>
        %swap3A_878 = vector.shape_cast %max3A_873 : vector<16xf32> to vector<1x16xf32>
        tpu.vector_store %arg10[%swap3A_874, %swap3A_875], %swap3A_878 {strides = array<i32>} : memref<128x32xf32, #tpu.memory_space<vmem>>, vector<1x16xf32>,
        %mul3A_879 = arith.constant 4 : i32
        %mul3A_880 = arith.muli %scan3A_764, %mul3A_879 : i32
        %add3A_881 = arith.constant 3 : i32
        %add3A_882 = arith.addi %mul3A_880, %add3A_881 : i32
        %get3A_883 = arith.index_cast %add3A_882 : i32 to index
        %get3A_884 = arith.constant 0 : index
        %get3A_885 = tpu.vector_load %arg10[%get3A_883, %get3A_884] {strides = array<i32>} : memref<128x32xf32, #tpu.memory_space<vmem>>, vector<1x16xf32>,
        %get3A_886 = vector.shape_cast %get3A_885 : vector<1x16xf32> to vector<16xf32>
        %get3A_887 = arith.index_cast %scan3A_764 : i32 to index
        %get3A_888 = arith.constant 96 : index
        %get3A_889 = tpu.vector_load %arg9[%get3A_887, %get3A_888] {strides = array<i32>} : memref<32x128xf32, #tpu.memory_space<vmem>>, vector<1x16xf32>,
        %get3A_890 = vector.shape_cast %get3A_889 : vector<1x16xf32> to vector<16xf32>
        %add3A_891 = arith.addf %get3A_886, %get3A_890 : vector<16xf32>
        %max3A_892 = arith.constant 0.000000e+00 : f32
        %max3A_893 = vector.broadcast %max3A_892 : f32 to vector<16xf32>
        %max3A_894 = arith.maximumf %add3A_891, %max3A_893 : vector<16xf32>
        %swap3A_895 = arith.index_cast %add3A_882 : i32 to index
        %swap3A_896 = arith.constant 0 : index
        %swap3A_897 = tpu.vector_load %arg10[%swap3A_895, %swap3A_896] {strides = array<i32>} : memref<128x32xf32, #tpu.memory_space<vmem>>, vector<1x16xf32>,
        %swap3A_898 = vector.shape_cast %swap3A_897 : vector<1x16xf32> to vector<16xf32>
        %swap3A_899 = vector.shape_cast %max3A_894 : vector<16xf32> to vector<1x16xf32>
        tpu.vector_store %arg10[%swap3A_895, %swap3A_896], %swap3A_899 {strides = array<i32>} : memref<128x32xf32, #tpu.memory_space<vmem>>, vector<1x16xf32>,
        %get3A_900 = arith.index_cast %add3A_882 : i32 to index
        %get3A_901 = arith.constant 16 : index
        %get3A_902 = tpu.vector_load %arg10[%get3A_900, %get3A_901] {strides = array<i32>} : memref<128x32xf32, #tpu.memory_space<vmem>>, vector<1x16xf32>,
        %get3A_903 = vector.shape_cast %get3A_902 : vector<1x16xf32> to vector<16xf32>
        %get3A_904 = arith.index_cast %scan3A_764 : i32 to index
        %get3A_905 = arith.constant 112 : index
        %get3A_906 = tpu.vector_load %arg9[%get3A_904, %get3A_905] {strides = array<i32>} : memref<32x128xf32, #tpu.memory_space<vmem>>, vector<1x16xf32>,
        %get3A_907 = vector.shape_cast %get3A_906 : vector<1x16xf32> to vector<16xf32>
        %add3A_908 = arith.addf %get3A_903, %get3A_907 : vector<16xf32>
        %max3A_909 = arith.constant 0.000000e+00 : f32
        %max3A_910 = vector.broadcast %max3A_909 : f32 to vector<16xf32>
        %max3A_911 = arith.maximumf %add3A_908, %max3A_910 : vector<16xf32>
        %swap3A_912 = arith.index_cast %add3A_882 : i32 to index
        %swap3A_913 = arith.constant 16 : index
        %swap3A_914 = tpu.vector_load %arg10[%swap3A_912, %swap3A_913] {strides = array<i32>} : memref<128x32xf32, #tpu.memory_space<vmem>>, vector<1x16xf32>,
        %swap3A_915 = vector.shape_cast %swap3A_914 : vector<1x16xf32> to vector<16xf32>
        %swap3A_916 = vector.shape_cast %max3A_911 : vector<16xf32> to vector<1x16xf32>
        tpu.vector_store %arg10[%swap3A_912, %swap3A_913], %swap3A_916 {strides = array<i32>} : memref<128x32xf32, #tpu.memory_space<vmem>>, vector<1x16xf32>,
        %scan3A_917 = arith.constant 0 : i32
        scf.yield %scan3A_917 : i32
      }
      %scan3A_682 = arith.constant 32 : i32
      %get3A_683 = arith.constant 0 : index
      %get3A_684 = tpu.vector_load %arg8[%get3A_683] {strides = array<i32>} : memref<128xi32, #tpu.memory_space<vmem>>, vector<16xi32>,
      %get3A_685 = vector.shape_cast %get3A_684 : vector<16xi32> to vector<16xi32>
      %swap3A_686 = arith.constant 0 : index
      %swap3A_687 = tpu.vector_load %arg11[%swap3A_686] {strides = array<i32>} : memref<128xi32, #tpu.memory_space<vmem>>, vector<16xi32>,
      %swap3A_688 = vector.shape_cast %swap3A_687 : vector<16xi32> to vector<16xi32>
      %swap3A_689 = vector.shape_cast %get3A_685 : vector<16xi32> to vector<16xi32>
      tpu.vector_store %arg11[%swap3A_686], %swap3A_689 {strides = array<i32>} : memref<128xi32, #tpu.memory_space<vmem>>, vector<16xi32>,
      %get3A_690 = arith.constant 16 : index
      %get3A_691 = tpu.vector_load %arg8[%get3A_690] {strides = array<i32>} : memref<128xi32, #tpu.memory_space<vmem>>, vector<16xi32>,
      %get3A_692 = vector.shape_cast %get3A_691 : vector<16xi32> to vector<16xi32>
      %swap3A_693 = arith.constant 16 : index
      %swap3A_694 = tpu.vector_load %arg11[%swap3A_693] {strides = array<i32>} : memref<128xi32, #tpu.memory_space<vmem>>, vector<16xi32>,
      %swap3A_695 = vector.shape_cast %swap3A_694 : vector<16xi32> to vector<16xi32>
      %swap3A_696 = vector.shape_cast %get3A_692 : vector<16xi32> to vector<16xi32>
      tpu.vector_store %arg11[%swap3A_693], %swap3A_696 {strides = array<i32>} : memref<128xi32, #tpu.memory_space<vmem>>, vector<16xi32>,
      %get3A_697 = arith.constant 32 : index
      %get3A_698 = tpu.vector_load %arg8[%get3A_697] {strides = array<i32>} : memref<128xi32, #tpu.memory_space<vmem>>, vector<16xi32>,
      %get3A_699 = vector.shape_cast %get3A_698 : vector<16xi32> to vector<16xi32>
      %swap3A_700 = arith.constant 32 : index
      %swap3A_701 = tpu.vector_load %arg11[%swap3A_700] {strides = array<i32>} : memref<128xi32, #tpu.memory_space<vmem>>, vector<16xi32>,
      %swap3A_702 = vector.shape_cast %swap3A_701 : vector<16xi32> to vector<16xi32>
      %swap3A_703 = vector.shape_cast %get3A_699 : vector<16xi32> to vector<16xi32>
      tpu.vector_store %arg11[%swap3A_700], %swap3A_703 {strides = array<i32>} : memref<128xi32, #tpu.memory_space<vmem>>, vector<16xi32>,
      %get3A_704 = arith.constant 48 : index
      %get3A_705 = tpu.vector_load %arg8[%get3A_704] {strides = array<i32>} : memref<128xi32, #tpu.memory_space<vmem>>, vector<16xi32>,
      %get3A_706 = vector.shape_cast %get3A_705 : vector<16xi32> to vector<16xi32>
      %swap3A_707 = arith.constant 48 : index
      %swap3A_708 = tpu.vector_load %arg11[%swap3A_707] {strides = array<i32>} : memref<128xi32, #tpu.memory_space<vmem>>, vector<16xi32>,
      %swap3A_709 = vector.shape_cast %swap3A_708 : vector<16xi32> to vector<16xi32>
      %swap3A_710 = vector.shape_cast %get3A_706 : vector<16xi32> to vector<16xi32>
      tpu.vector_store %arg11[%swap3A_707], %swap3A_710 {strides = array<i32>} : memref<128xi32, #tpu.memory_space<vmem>>, vector<16xi32>,
      %get3A_711 = arith.constant 64 : index
      %get3A_712 = tpu.vector_load %arg8[%get3A_711] {strides = array<i32>} : memref<128xi32, #tpu.memory_space<vmem>>, vector<16xi32>,
      %get3A_713 = vector.shape_cast %get3A_712 : vector<16xi32> to vector<16xi32>
      %swap3A_714 = arith.constant 64 : index
      %swap3A_715 = tpu.vector_load %arg11[%swap3A_714] {strides = array<i32>} : memref<128xi32, #tpu.memory_space<vmem>>, vector<16xi32>,
      %swap3A_716 = vector.shape_cast %swap3A_715 : vector<16xi32> to vector<16xi32>
      %swap3A_717 = vector.shape_cast %get3A_713 : vector<16xi32> to vector<16xi32>
      tpu.vector_store %arg11[%swap3A_714], %swap3A_717 {strides = array<i32>} : memref<128xi32, #tpu.memory_space<vmem>>, vector<16xi32>,
      %get3A_718 = arith.constant 80 : index
      %get3A_719 = tpu.vector_load %arg8[%get3A_718] {strides = array<i32>} : memref<128xi32, #tpu.memory_space<vmem>>, vector<16xi32>,
      %get3A_720 = vector.shape_cast %get3A_719 : vector<16xi32> to vector<16xi32>
      %swap3A_721 = arith.constant 80 : index
      %swap3A_722 = tpu.vector_load %arg11[%swap3A_721] {strides = array<i32>} : memref<128xi32, #tpu.memory_space<vmem>>, vector<16xi32>,
      %swap3A_723 = vector.shape_cast %swap3A_722 : vector<16xi32> to vector<16xi32>
      %swap3A_724 = vector.shape_cast %get3A_720 : vector<16xi32> to vector<16xi32>
      tpu.vector_store %arg11[%swap3A_721], %swap3A_724 {strides = array<i32>} : memref<128xi32, #tpu.memory_space<vmem>>, vector<16xi32>,
      %get3A_725 = arith.constant 96 : index
      %get3A_726 = tpu.vector_load %arg8[%get3A_725] {strides = array<i32>} : memref<128xi32, #tpu.memory_space<vmem>>, vector<16xi32>,
      %get3A_727 = vector.shape_cast %get3A_726 : vector<16xi32> to vector<16xi32>
      %swap3A_728 = arith.constant 96 : index
      %swap3A_729 = tpu.vector_load %arg11[%swap3A_728] {strides = array<i32>} : memref<128xi32, #tpu.memory_space<vmem>>, vector<16xi32>,
      %swap3A_730 = vector.shape_cast %swap3A_729 : vector<16xi32> to vector<16xi32>
      %swap3A_731 = vector.shape_cast %get3A_727 : vector<16xi32> to vector<16xi32>
      tpu.vector_store %arg11[%swap3A_728], %swap3A_731 {strides = array<i32>} : memref<128xi32, #tpu.memory_space<vmem>>, vector<16xi32>,
      %get3A_732 = arith.constant 112 : index
      %get3A_733 = tpu.vector_load %arg8[%get3A_732] {strides = array<i32>} : memref<128xi32, #tpu.memory_space<vmem>>, vector<16xi32>,
      %get3A_734 = vector.shape_cast %get3A_733 : vector<16xi32> to vector<16xi32>
      %swap3A_735 = arith.constant 112 : index
      %swap3A_736 = tpu.vector_load %arg11[%swap3A_735] {strides = array<i32>} : memref<128xi32, #tpu.memory_space<vmem>>, vector<16xi32>,
      %swap3A_737 = vector.shape_cast %swap3A_736 : vector<16xi32> to vector<16xi32>
      %swap3A_738 = vector.shape_cast %get3A_734 : vector<16xi32> to vector<16xi32>
      tpu.vector_store %arg11[%swap3A_735], %swap3A_738 {strides = array<i32>} : memref<128xi32, #tpu.memory_space<vmem>>, vector<16xi32>,
      %dma_start3A_739 = arith.constant 0 : i32
      %dma_start3A_740 = arith.constant 0 : i32
      %dma_start3A_741 = tpu.memref_slice %arg18[%dma_start3A_739, %dma_start3A_740] : memref<50176x32xf32, #tpu.memory_space<vmem_shared>> -> memref<50176x32xf32, #tpu.memory_space<vmem_shared>>
      tpu.enqueue_indirect_dma source(%arg10 : memref<128x32xf32, #tpu.memory_space<vmem>>) target(%dma_start3A_741 : memref<50176x32xf32, #tpu.memory_space<vmem_shared>>) offsets(%arg11 : memref<128xi32, #tpu.memory_space<vmem>>) semaphore(%arg21 : memref<!tpu.dma_semaphore, #tpu.memory_space<semaphore_mem>>) {add = true}
      %add3A_742 = arith.constant 2 : i32
      %add3A_743 = arith.addi %add3A_586, %add3A_742 : i32
      %min3A_744 = arith.constant 391 : i32
      %min3A_745 = arith.minsi %add3A_743, %min3A_744 : i32
      %mul3A_746 = arith.constant 128 : i32
      %mul3A_747 = arith.muli %min3A_745, %mul3A_746 : i32
      %add3A_748 = arith.addi %mul3A_14, %mul3A_747 : i32
      %dma_start3A_749 = tpu.memref_slice %arg4[%add3A_748] : memref<802816xi32, #tpu.memory_space<hbm>> -> memref<128xi32, #tpu.memory_space<hbm>>
      %dma_start3A_750 = tpu.memref_slice %arg4[%add3A_748] : memref<802816xi32, #tpu.memory_space<hbm>> -> memref<128xi32, #tpu.memory_space<hbm>>
      tpu.enqueue_dma source(%dma_start3A_750 : memref<128xi32, #tpu.memory_space<hbm>>) target(%arg7 : memref<128xi32, #tpu.memory_space<vmem>>) target_semaphore(%arg19 : memref<!tpu.dma_semaphore, #tpu.memory_space<semaphore_mem>>)
      %mul3A_751 = arith.constant 128 : i32
      %mul3A_752 = arith.muli %min3A_745, %mul3A_751 : i32
      %add3A_753 = arith.addi %mul3A_14, %mul3A_752 : i32
      %dma_start3A_754 = tpu.memref_slice %arg5[%add3A_753] : memref<802816xi32, #tpu.memory_space<hbm>> -> memref<128xi32, #tpu.memory_space<hbm>>
      %dma_start3A_755 = tpu.memref_slice %arg5[%add3A_753] : memref<802816xi32, #tpu.memory_space<hbm>> -> memref<128xi32, #tpu.memory_space<hbm>>
      tpu.enqueue_dma source(%dma_start3A_755 : memref<128xi32, #tpu.memory_space<hbm>>) target(%arg8 : memref<128xi32, #tpu.memory_space<vmem>>) target_semaphore(%arg19 : memref<!tpu.dma_semaphore, #tpu.memory_space<semaphore_mem>>)
      %mul3A_756 = arith.constant 32 : i32
      %mul3A_757 = arith.muli %min3A_745, %mul3A_756 : i32
      %add3A_758 = arith.addi %add3A, %mul3A_757 : i32
      %dma_start3A_759 = arith.constant 0 : i32
      %dma_start3A_760 = tpu.memref_slice %arg3[%add3A_758, %dma_start3A_759] : memref<401408x128xf32, #tpu.memory_space<hbm>> -> memref<32x128xf32, #tpu.memory_space<hbm>>
      %dma_start3A_761 = arith.constant 0 : i32
      %dma_start3A_762 = tpu.memref_slice %arg3[%add3A_758, %dma_start3A_761] : memref<401408x128xf32, #tpu.memory_space<hbm>> -> memref<32x128xf32, #tpu.memory_space<hbm>>
      tpu.enqueue_dma source(%dma_start3A_762 : memref<32x128xf32, #tpu.memory_space<hbm>>) target(%arg9 : memref<32x128xf32, #tpu.memory_space<vmem>>) target_semaphore(%arg19 : memref<!tpu.dma_semaphore, #tpu.memory_space<semaphore_mem>>)
      %scan3A_763 = arith.constant 0 : i32
      scf.yield %scan3A_763 : i32
    }
    %scan3A_317 = arith.constant 195 : i32
    %dma_wait3A_318 = arith.constant 0 : i32
    %dma_wait3A_319 = arith.constant 0 : i32
    %dma_wait3A_320 = tpu.memref_slice %arg18[%dma_wait3A_318, %dma_wait3A_319] : memref<50176x32xf32, #tpu.memory_space<vmem_shared>> -> memref<50176x32xf32, #tpu.memory_space<vmem_shared>>
    tpu.wait_indirect_dma semaphore(%arg21 : memref<!tpu.dma_semaphore, #tpu.memory_space<semaphore_mem>>) src(%arg10 : memref<128x32xf32, #tpu.memory_space<vmem>>) dst(%dma_wait3A_320 : memref<50176x32xf32, #tpu.memory_space<vmem_shared>>)
    %dma_wait3A_321 = arith.constant 0 : i32
    %dma_wait3A_322 = arith.constant 0 : i32
    %dma_wait3A_323 = tpu.memref_slice %arg2[%dma_wait3A_321, %dma_wait3A_322] : memref<100000x32xf32, #tpu.memory_space<hbm>> -> memref<100000x32xf32, #tpu.memory_space<hbm>>
    tpu.wait_indirect_dma semaphore(%arg23 : memref<!tpu.dma_semaphore, #tpu.memory_space<semaphore_mem>>) src(%dma_wait3A_323 : memref<100000x32xf32, #tpu.memory_space<hbm>>) dst(%arg15 : memref<128x32xf32, #tpu.memory_space<vmem>>)
    %scan3A_324 = arith.constant 0 : i32
    %scan3A_325 = arith.constant 0 : i32
    %scan3A_326 = arith.constant 32 : i32
    %scan3A_327 = arith.addi %scan3A_325, %scan3A_326 : i32
    %scan3A_328 = arith.constant 1 : i32
    %scan3A_329 = scf.for %scan3A_403 = %scan3A_325 to %scan3A_327 step %scan3A_328 iter_args(%scan3A_404 = %scan3A_324) -> (i32)  : i32 {
      %mul3A_405 = arith.constant 4 : i32
      %mul3A_406 = arith.muli %scan3A_403, %mul3A_405 : i32
      %add3A_407 = arith.constant 0 : i32
      %add3A_408 = arith.addi %mul3A_406, %add3A_407 : i32
      %get3A_409 = arith.index_cast %add3A_408 : i32 to index
      %get3A_410 = arith.constant 0 : index
      %get3A_411 = tpu.vector_load %arg15[%get3A_409, %get3A_410] {strides = array<i32>} : memref<128x32xf32, #tpu.memory_space<vmem>>, vector<1x16xf32>,
      %get3A_412 = vector.shape_cast %get3A_411 : vector<1x16xf32> to vector<16xf32>
      %get3A_413 = arith.index_cast %scan3A_403 : i32 to index
      %get3A_414 = arith.constant 0 : index
      %get3A_415 = tpu.vector_load %arg14[%get3A_413, %get3A_414] {strides = array<i32>} : memref<32x128xf32, #tpu.memory_space<vmem>>, vector<1x16xf32>,
      %get3A_416 = vector.shape_cast %get3A_415 : vector<1x16xf32> to vector<16xf32>
      %add3A_417 = arith.addf %get3A_412, %get3A_416 : vector<16xf32>
      %max3A = arith.constant 0.000000e+00 : f32
      %max3A_418 = vector.broadcast %max3A : f32 to vector<16xf32>
      %max3A_419 = arith.maximumf %add3A_417, %max3A_418 : vector<16xf32>
      %swap3A_420 = arith.index_cast %add3A_408 : i32 to index
      %swap3A_421 = arith.constant 0 : index
      %swap3A_422 = tpu.vector_load %arg15[%swap3A_420, %swap3A_421] {strides = array<i32>} : memref<128x32xf32, #tpu.memory_space<vmem>>, vector<1x16xf32>,
      %swap3A_423 = vector.shape_cast %swap3A_422 : vector<1x16xf32> to vector<16xf32>
      %swap3A_424 = vector.shape_cast %max3A_419 : vector<16xf32> to vector<1x16xf32>
      tpu.vector_store %arg15[%swap3A_420, %swap3A_421], %swap3A_424 {strides = array<i32>} : memref<128x32xf32, #tpu.memory_space<vmem>>, vector<1x16xf32>,
      %get3A_425 = arith.index_cast %add3A_408 : i32 to index
      %get3A_426 = arith.constant 16 : index
      %get3A_427 = tpu.vector_load %arg15[%get3A_425, %get3A_426] {strides = array<i32>} : memref<128x32xf32, #tpu.memory_space<vmem>>, vector<1x16xf32>,
      %get3A_428 = vector.shape_cast %get3A_427 : vector<1x16xf32> to vector<16xf32>
      %get3A_429 = arith.index_cast %scan3A_403 : i32 to index
      %get3A_430 = arith.constant 16 : index
      %get3A_431 = tpu.vector_load %arg14[%get3A_429, %get3A_430] {strides = array<i32>} : memref<32x128xf32, #tpu.memory_space<vmem>>, vector<1x16xf32>,
      %get3A_432 = vector.shape_cast %get3A_431 : vector<1x16xf32> to vector<16xf32>
      %add3A_433 = arith.addf %get3A_428, %get3A_432 : vector<16xf32>
      %max3A_434 = arith.constant 0.000000e+00 : f32
      %max3A_435 = vector.broadcast %max3A_434 : f32 to vector<16xf32>
      %max3A_436 = arith.maximumf %add3A_433, %max3A_435 : vector<16xf32>
      %swap3A_437 = arith.index_cast %add3A_408 : i32 to index
      %swap3A_438 = arith.constant 16 : index
      %swap3A_439 = tpu.vector_load %arg15[%swap3A_437, %swap3A_438] {strides = array<i32>} : memref<128x32xf32, #tpu.memory_space<vmem>>, vector<1x16xf32>,
      %swap3A_440 = vector.shape_cast %swap3A_439 : vector<1x16xf32> to vector<16xf32>
      %swap3A_441 = vector.shape_cast %max3A_436 : vector<16xf32> to vector<1x16xf32>
      tpu.vector_store %arg15[%swap3A_437, %swap3A_438], %swap3A_441 {strides = array<i32>} : memref<128x32xf32, #tpu.memory_space<vmem>>, vector<1x16xf32>,
      %mul3A_442 = arith.constant 4 : i32
      %mul3A_443 = arith.muli %scan3A_403, %mul3A_442 : i32
      %add3A_444 = arith.constant 1 : i32
      %add3A_445 = arith.addi %mul3A_443, %add3A_444 : i32
      %get3A_446 = arith.index_cast %add3A_445 : i32 to index
      %get3A_447 = arith.constant 0 : index
      %get3A_448 = tpu.vector_load %arg15[%get3A_446, %get3A_447] {strides = array<i32>} : memref<128x32xf32, #tpu.memory_space<vmem>>, vector<1x16xf32>,
      %get3A_449 = vector.shape_cast %get3A_448 : vector<1x16xf32> to vector<16xf32>
      %get3A_450 = arith.index_cast %scan3A_403 : i32 to index
      %get3A_451 = arith.constant 32 : index
      %get3A_452 = tpu.vector_load %arg14[%get3A_450, %get3A_451] {strides = array<i32>} : memref<32x128xf32, #tpu.memory_space<vmem>>, vector<1x16xf32>,
      %get3A_453 = vector.shape_cast %get3A_452 : vector<1x16xf32> to vector<16xf32>
      %add3A_454 = arith.addf %get3A_449, %get3A_453 : vector<16xf32>
      %max3A_455 = arith.constant 0.000000e+00 : f32
      %max3A_456 = vector.broadcast %max3A_455 : f32 to vector<16xf32>
      %max3A_457 = arith.maximumf %add3A_454, %max3A_456 : vector<16xf32>
      %swap3A_458 = arith.index_cast %add3A_445 : i32 to index
      %swap3A_459 = arith.constant 0 : index
      %swap3A_460 = tpu.vector_load %arg15[%swap3A_458, %swap3A_459] {strides = array<i32>} : memref<128x32xf32, #tpu.memory_space<vmem>>, vector<1x16xf32>,
      %swap3A_461 = vector.shape_cast %swap3A_460 : vector<1x16xf32> to vector<16xf32>
      %swap3A_462 = vector.shape_cast %max3A_457 : vector<16xf32> to vector<1x16xf32>
      tpu.vector_store %arg15[%swap3A_458, %swap3A_459], %swap3A_462 {strides = array<i32>} : memref<128x32xf32, #tpu.memory_space<vmem>>, vector<1x16xf32>,
      %get3A_463 = arith.index_cast %add3A_445 : i32 to index
      %get3A_464 = arith.constant 16 : index
      %get3A_465 = tpu.vector_load %arg15[%get3A_463, %get3A_464] {strides = array<i32>} : memref<128x32xf32, #tpu.memory_space<vmem>>, vector<1x16xf32>,
      %get3A_466 = vector.shape_cast %get3A_465 : vector<1x16xf32> to vector<16xf32>
      %get3A_467 = arith.index_cast %scan3A_403 : i32 to index
      %get3A_468 = arith.constant 48 : index
      %get3A_469 = tpu.vector_load %arg14[%get3A_467, %get3A_468] {strides = array<i32>} : memref<32x128xf32, #tpu.memory_space<vmem>>, vector<1x16xf32>,
      %get3A_470 = vector.shape_cast %get3A_469 : vector<1x16xf32> to vector<16xf32>
      %add3A_471 = arith.addf %get3A_466, %get3A_470 : vector<16xf32>
      %max3A_472 = arith.constant 0.000000e+00 : f32
      %max3A_473 = vector.broadcast %max3A_472 : f32 to vector<16xf32>
      %max3A_474 = arith.maximumf %add3A_471, %max3A_473 : vector<16xf32>
      %swap3A_475 = arith.index_cast %add3A_445 : i32 to index
      %swap3A_476 = arith.constant 16 : index
      %swap3A_477 = tpu.vector_load %arg15[%swap3A_475, %swap3A_476] {strides = array<i32>} : memref<128x32xf32, #tpu.memory_space<vmem>>, vector<1x16xf32>,
      %swap3A_478 = vector.shape_cast %swap3A_477 : vector<1x16xf32> to vector<16xf32>
      %swap3A_479 = vector.shape_cast %max3A_474 : vector<16xf32> to vector<1x16xf32>
      tpu.vector_store %arg15[%swap3A_475, %swap3A_476], %swap3A_479 {strides = array<i32>} : memref<128x32xf32, #tpu.memory_space<vmem>>, vector<1x16xf32>,
      %mul3A_480 = arith.constant 4 : i32
      %mul3A_481 = arith.muli %scan3A_403, %mul3A_480 : i32
      %add3A_482 = arith.constant 2 : i32
      %add3A_483 = arith.addi %mul3A_481, %add3A_482 : i32
      %get3A_484 = arith.index_cast %add3A_483 : i32 to index
      %get3A_485 = arith.constant 0 : index
      %get3A_486 = tpu.vector_load %arg15[%get3A_484, %get3A_485] {strides = array<i32>} : memref<128x32xf32, #tpu.memory_space<vmem>>, vector<1x16xf32>,
      %get3A_487 = vector.shape_cast %get3A_486 : vector<1x16xf32> to vector<16xf32>
      %get3A_488 = arith.index_cast %scan3A_403 : i32 to index
      %get3A_489 = arith.constant 64 : index
      %get3A_490 = tpu.vector_load %arg14[%get3A_488, %get3A_489] {strides = array<i32>} : memref<32x128xf32, #tpu.memory_space<vmem>>, vector<1x16xf32>,
      %get3A_491 = vector.shape_cast %get3A_490 : vector<1x16xf32> to vector<16xf32>
      %add3A_492 = arith.addf %get3A_487, %get3A_491 : vector<16xf32>
      %max3A_493 = arith.constant 0.000000e+00 : f32
      %max3A_494 = vector.broadcast %max3A_493 : f32 to vector<16xf32>
      %max3A_495 = arith.maximumf %add3A_492, %max3A_494 : vector<16xf32>
      %swap3A_496 = arith.index_cast %add3A_483 : i32 to index
      %swap3A_497 = arith.constant 0 : index
      %swap3A_498 = tpu.vector_load %arg15[%swap3A_496, %swap3A_497] {strides = array<i32>} : memref<128x32xf32, #tpu.memory_space<vmem>>, vector<1x16xf32>,
      %swap3A_499 = vector.shape_cast %swap3A_498 : vector<1x16xf32> to vector<16xf32>
      %swap3A_500 = vector.shape_cast %max3A_495 : vector<16xf32> to vector<1x16xf32>
      tpu.vector_store %arg15[%swap3A_496, %swap3A_497], %swap3A_500 {strides = array<i32>} : memref<128x32xf32, #tpu.memory_space<vmem>>, vector<1x16xf32>,
      %get3A_501 = arith.index_cast %add3A_483 : i32 to index
      %get3A_502 = arith.constant 16 : index
      %get3A_503 = tpu.vector_load %arg15[%get3A_501, %get3A_502] {strides = array<i32>} : memref<128x32xf32, #tpu.memory_space<vmem>>, vector<1x16xf32>,
      %get3A_504 = vector.shape_cast %get3A_503 : vector<1x16xf32> to vector<16xf32>
      %get3A_505 = arith.index_cast %scan3A_403 : i32 to index
      %get3A_506 = arith.constant 80 : index
      %get3A_507 = tpu.vector_load %arg14[%get3A_505, %get3A_506] {strides = array<i32>} : memref<32x128xf32, #tpu.memory_space<vmem>>, vector<1x16xf32>,
      %get3A_508 = vector.shape_cast %get3A_507 : vector<1x16xf32> to vector<16xf32>
      %add3A_509 = arith.addf %get3A_504, %get3A_508 : vector<16xf32>
      %max3A_510 = arith.constant 0.000000e+00 : f32
      %max3A_511 = vector.broadcast %max3A_510 : f32 to vector<16xf32>
      %max3A_512 = arith.maximumf %add3A_509, %max3A_511 : vector<16xf32>
      %swap3A_513 = arith.index_cast %add3A_483 : i32 to index
      %swap3A_514 = arith.constant 16 : index
      %swap3A_515 = tpu.vector_load %arg15[%swap3A_513, %swap3A_514] {strides = array<i32>} : memref<128x32xf32, #tpu.memory_space<vmem>>, vector<1x16xf32>,
      %swap3A_516 = vector.shape_cast %swap3A_515 : vector<1x16xf32> to vector<16xf32>
      %swap3A_517 = vector.shape_cast %max3A_512 : vector<16xf32> to vector<1x16xf32>
      tpu.vector_store %arg15[%swap3A_513, %swap3A_514], %swap3A_517 {strides = array<i32>} : memref<128x32xf32, #tpu.memory_space<vmem>>, vector<1x16xf32>,
      %mul3A_518 = arith.constant 4 : i32
      %mul3A_519 = arith.muli %scan3A_403, %mul3A_518 : i32
      %add3A_520 = arith.constant 3 : i32
      %add3A_521 = arith.addi %mul3A_519, %add3A_520 : i32
      %get3A_522 = arith.index_cast %add3A_521 : i32 to index
      %get3A_523 = arith.constant 0 : index
      %get3A_524 = tpu.vector_load %arg15[%get3A_522, %get3A_523] {strides = array<i32>} : memref<128x32xf32, #tpu.memory_space<vmem>>, vector<1x16xf32>,
      %get3A_525 = vector.shape_cast %get3A_524 : vector<1x16xf32> to vector<16xf32>
      %get3A_526 = arith.index_cast %scan3A_403 : i32 to index
      %get3A_527 = arith.constant 96 : index
      %get3A_528 = tpu.vector_load %arg14[%get3A_526, %get3A_527] {strides = array<i32>} : memref<32x128xf32, #tpu.memory_space<vmem>>, vector<1x16xf32>,
      %get3A_529 = vector.shape_cast %get3A_528 : vector<1x16xf32> to vector<16xf32>
      %add3A_530 = arith.addf %get3A_525, %get3A_529 : vector<16xf32>
      %max3A_531 = arith.constant 0.000000e+00 : f32
      %max3A_532 = vector.broadcast %max3A_531 : f32 to vector<16xf32>
      %max3A_533 = arith.maximumf %add3A_530, %max3A_532 : vector<16xf32>
      %swap3A_534 = arith.index_cast %add3A_521 : i32 to index
      %swap3A_535 = arith.constant 0 : index
      %swap3A_536 = tpu.vector_load %arg15[%swap3A_534, %swap3A_535] {strides = array<i32>} : memref<128x32xf32, #tpu.memory_space<vmem>>, vector<1x16xf32>,
      %swap3A_537 = vector.shape_cast %swap3A_536 : vector<1x16xf32> to vector<16xf32>
      %swap3A_538 = vector.shape_cast %max3A_533 : vector<16xf32> to vector<1x16xf32>
      tpu.vector_store %arg15[%swap3A_534, %swap3A_535], %swap3A_538 {strides = array<i32>} : memref<128x32xf32, #tpu.memory_space<vmem>>, vector<1x16xf32>,
      %get3A_539 = arith.index_cast %add3A_521 : i32 to index
      %get3A_540 = arith.constant 16 : index
      %get3A_541 = tpu.vector_load %arg15[%get3A_539, %get3A_540] {strides = array<i32>} : memref<128x32xf32, #tpu.memory_space<vmem>>, vector<1x16xf32>,
      %get3A_542 = vector.shape_cast %get3A_541 : vector<1x16xf32> to vector<16xf32>
      %get3A_543 = arith.index_cast %scan3A_403 : i32 to index
      %get3A_544 = arith.constant 112 : index
      %get3A_545 = tpu.vector_load %arg14[%get3A_543, %get3A_544] {strides = array<i32>} : memref<32x128xf32, #tpu.memory_space<vmem>>, vector<1x16xf32>,
      %get3A_546 = vector.shape_cast %get3A_545 : vector<1x16xf32> to vector<16xf32>
      %add3A_547 = arith.addf %get3A_542, %get3A_546 : vector<16xf32>
      %max3A_548 = arith.constant 0.000000e+00 : f32
      %max3A_549 = vector.broadcast %max3A_548 : f32 to vector<16xf32>
      %max3A_550 = arith.maximumf %add3A_547, %max3A_549 : vector<16xf32>
      %swap3A_551 = arith.index_cast %add3A_521 : i32 to index
      %swap3A_552 = arith.constant 16 : index
      %swap3A_553 = tpu.vector_load %arg15[%swap3A_551, %swap3A_552] {strides = array<i32>} : memref<128x32xf32, #tpu.memory_space<vmem>>, vector<1x16xf32>,
      %swap3A_554 = vector.shape_cast %swap3A_553 : vector<1x16xf32> to vector<16xf32>
      %swap3A_555 = vector.shape_cast %max3A_550 : vector<16xf32> to vector<1x16xf32>
      tpu.vector_store %arg15[%swap3A_551, %swap3A_552], %swap3A_555 {strides = array<i32>} : memref<128x32xf32, #tpu.memory_space<vmem>>, vector<1x16xf32>,
      %scan3A_556 = arith.constant 0 : i32
      scf.yield %scan3A_556 : i32
    }
    %scan3A_330 = arith.constant 32 : i32
    %get3A_331 = arith.constant 0 : index
    %get3A_332 = tpu.vector_load %arg13[%get3A_331] {strides = array<i32>} : memref<128xi32, #tpu.memory_space<vmem>>, vector<16xi32>,
    %get3A_333 = vector.shape_cast %get3A_332 : vector<16xi32> to vector<16xi32>
    %swap3A_334 = arith.constant 0 : index
    %swap3A_335 = tpu.vector_load %arg16[%swap3A_334] {strides = array<i32>} : memref<128xi32, #tpu.memory_space<vmem>>, vector<16xi32>,
    %swap3A_336 = vector.shape_cast %swap3A_335 : vector<16xi32> to vector<16xi32>
    %swap3A_337 = vector.shape_cast %get3A_333 : vector<16xi32> to vector<16xi32>
    tpu.vector_store %arg16[%swap3A_334], %swap3A_337 {strides = array<i32>} : memref<128xi32, #tpu.memory_space<vmem>>, vector<16xi32>,
    %get3A_338 = arith.constant 16 : index
    %get3A_339 = tpu.vector_load %arg13[%get3A_338] {strides = array<i32>} : memref<128xi32, #tpu.memory_space<vmem>>, vector<16xi32>,
    %get3A_340 = vector.shape_cast %get3A_339 : vector<16xi32> to vector<16xi32>
    %swap3A_341 = arith.constant 16 : index
    %swap3A_342 = tpu.vector_load %arg16[%swap3A_341] {strides = array<i32>} : memref<128xi32, #tpu.memory_space<vmem>>, vector<16xi32>,
    %swap3A_343 = vector.shape_cast %swap3A_342 : vector<16xi32> to vector<16xi32>
    %swap3A_344 = vector.shape_cast %get3A_340 : vector<16xi32> to vector<16xi32>
    tpu.vector_store %arg16[%swap3A_341], %swap3A_344 {strides = array<i32>} : memref<128xi32, #tpu.memory_space<vmem>>, vector<16xi32>,
    %get3A_345 = arith.constant 32 : index
    %get3A_346 = tpu.vector_load %arg13[%get3A_345] {strides = array<i32>} : memref<128xi32, #tpu.memory_space<vmem>>, vector<16xi32>,
    %get3A_347 = vector.shape_cast %get3A_346 : vector<16xi32> to vector<16xi32>
    %swap3A_348 = arith.constant 32 : index
    %swap3A_349 = tpu.vector_load %arg16[%swap3A_348] {strides = array<i32>} : memref<128xi32, #tpu.memory_space<vmem>>, vector<16xi32>,
    %swap3A_350 = vector.shape_cast %swap3A_349 : vector<16xi32> to vector<16xi32>
    %swap3A_351 = vector.shape_cast %get3A_347 : vector<16xi32> to vector<16xi32>
    tpu.vector_store %arg16[%swap3A_348], %swap3A_351 {strides = array<i32>} : memref<128xi32, #tpu.memory_space<vmem>>, vector<16xi32>,
    %get3A_352 = arith.constant 48 : index
    %get3A_353 = tpu.vector_load %arg13[%get3A_352] {strides = array<i32>} : memref<128xi32, #tpu.memory_space<vmem>>, vector<16xi32>,
    %get3A_354 = vector.shape_cast %get3A_353 : vector<16xi32> to vector<16xi32>
    %swap3A_355 = arith.constant 48 : index
    %swap3A_356 = tpu.vector_load %arg16[%swap3A_355] {strides = array<i32>} : memref<128xi32, #tpu.memory_space<vmem>>, vector<16xi32>,
    %swap3A_357 = vector.shape_cast %swap3A_356 : vector<16xi32> to vector<16xi32>
    %swap3A_358 = vector.shape_cast %get3A_354 : vector<16xi32> to vector<16xi32>
    tpu.vector_store %arg16[%swap3A_355], %swap3A_358 {strides = array<i32>} : memref<128xi32, #tpu.memory_space<vmem>>, vector<16xi32>,
    %get3A_359 = arith.constant 64 : index
    %get3A_360 = tpu.vector_load %arg13[%get3A_359] {strides = array<i32>} : memref<128xi32, #tpu.memory_space<vmem>>, vector<16xi32>,
    %get3A_361 = vector.shape_cast %get3A_360 : vector<16xi32> to vector<16xi32>
    %swap3A_362 = arith.constant 64 : index
    %swap3A_363 = tpu.vector_load %arg16[%swap3A_362] {strides = array<i32>} : memref<128xi32, #tpu.memory_space<vmem>>, vector<16xi32>,
    %swap3A_364 = vector.shape_cast %swap3A_363 : vector<16xi32> to vector<16xi32>
    %swap3A_365 = vector.shape_cast %get3A_361 : vector<16xi32> to vector<16xi32>
    tpu.vector_store %arg16[%swap3A_362], %swap3A_365 {strides = array<i32>} : memref<128xi32, #tpu.memory_space<vmem>>, vector<16xi32>,
    %get3A_366 = arith.constant 80 : index
    %get3A_367 = tpu.vector_load %arg13[%get3A_366] {strides = array<i32>} : memref<128xi32, #tpu.memory_space<vmem>>, vector<16xi32>,
    %get3A_368 = vector.shape_cast %get3A_367 : vector<16xi32> to vector<16xi32>
    %swap3A_369 = arith.constant 80 : index
    %swap3A_370 = tpu.vector_load %arg16[%swap3A_369] {strides = array<i32>} : memref<128xi32, #tpu.memory_space<vmem>>, vector<16xi32>,
    %swap3A_371 = vector.shape_cast %swap3A_370 : vector<16xi32> to vector<16xi32>
    %swap3A_372 = vector.shape_cast %get3A_368 : vector<16xi32> to vector<16xi32>
    tpu.vector_store %arg16[%swap3A_369], %swap3A_372 {strides = array<i32>} : memref<128xi32, #tpu.memory_space<vmem>>, vector<16xi32>,
    %get3A_373 = arith.constant 96 : index
    %get3A_374 = tpu.vector_load %arg13[%get3A_373] {strides = array<i32>} : memref<128xi32, #tpu.memory_space<vmem>>, vector<16xi32>,
    %get3A_375 = vector.shape_cast %get3A_374 : vector<16xi32> to vector<16xi32>
    %swap3A_376 = arith.constant 96 : index
    %swap3A_377 = tpu.vector_load %arg16[%swap3A_376] {strides = array<i32>} : memref<128xi32, #tpu.memory_space<vmem>>, vector<16xi32>,
    %swap3A_378 = vector.shape_cast %swap3A_377 : vector<16xi32> to vector<16xi32>
    %swap3A_379 = vector.shape_cast %get3A_375 : vector<16xi32> to vector<16xi32>
    tpu.vector_store %arg16[%swap3A_376], %swap3A_379 {strides = array<i32>} : memref<128xi32, #tpu.memory_space<vmem>>, vector<16xi32>,
    %get3A_380 = arith.constant 112 : index
    %get3A_381 = tpu.vector_load %arg13[%get3A_380] {strides = array<i32>} : memref<128xi32, #tpu.memory_space<vmem>>, vector<16xi32>,
    %get3A_382 = vector.shape_cast %get3A_381 : vector<16xi32> to vector<16xi32>
    %swap3A_383 = arith.constant 112 : index
    %swap3A_384 = tpu.vector_load %arg16[%swap3A_383] {strides = array<i32>} : memref<128xi32, #tpu.memory_space<vmem>>, vector<16xi32>,
    %swap3A_385 = vector.shape_cast %swap3A_384 : vector<16xi32> to vector<16xi32>
    %swap3A_386 = vector.shape_cast %get3A_382 : vector<16xi32> to vector<16xi32>
    tpu.vector_store %arg16[%swap3A_383], %swap3A_386 {strides = array<i32>} : memref<128xi32, #tpu.memory_space<vmem>>, vector<16xi32>,
    "tpu.region"() ({
      %run_scoped3A = tpu.sem_alloc : memref<!tpu.dma_semaphore, #tpu.memory_space<semaphore_mem>>
      %dma_start3A_403 = arith.constant 0 : i32
      %dma_start3A_404 = arith.constant 0 : i32
      %dma_start3A_405 = tpu.memref_slice %arg18[%dma_start3A_403, %dma_start3A_404] : memref<50176x32xf32, #tpu.memory_space<vmem_shared>> -> memref<50176x32xf32, #tpu.memory_space<vmem_shared>>
      tpu.enqueue_indirect_dma source(%arg15 : memref<128x32xf32, #tpu.memory_space<vmem>>) target(%dma_start3A_405 : memref<50176x32xf32, #tpu.memory_space<vmem_shared>>) offsets(%arg16 : memref<128xi32, #tpu.memory_space<vmem>>) semaphore(%run_scoped3A : memref<!tpu.dma_semaphore, #tpu.memory_space<semaphore_mem>>) {add = true}
      %dma_wait3A_406 = arith.constant 0 : i32
      %dma_wait3A_407 = arith.constant 0 : i32
      %dma_wait3A_408 = tpu.memref_slice %arg18[%dma_wait3A_406, %dma_wait3A_407] : memref<50176x32xf32, #tpu.memory_space<vmem_shared>> -> memref<50176x32xf32, #tpu.memory_space<vmem_shared>>
      tpu.wait_indirect_dma semaphore(%run_scoped3A : memref<!tpu.dma_semaphore, #tpu.memory_space<semaphore_mem>>) src(%arg15 : memref<128x32xf32, #tpu.memory_space<vmem>>) dst(%dma_wait3A_408 : memref<50176x32xf32, #tpu.memory_space<vmem_shared>>)
      tpu.yield
    }) : () -> ()
    %dma_wait3A_387 = tpu.memref_slice %arg4[%mul3A_14] : memref<802816xi32, #tpu.memory_space<hbm>> -> memref<128xi32, #tpu.memory_space<hbm>>
    %dma_wait3A_388 = tpu.memref_slice %arg4[%mul3A_14] : memref<802816xi32, #tpu.memory_space<hbm>> -> memref<128xi32, #tpu.memory_space<hbm>>
    tpu.wait_dma2 semaphore(%arg19 : memref<!tpu.dma_semaphore, #tpu.memory_space<semaphore_mem>>) src(%dma_wait3A_388 : memref<128xi32, #tpu.memory_space<hbm>>) dst(%arg7 : memref<128xi32, #tpu.memory_space<vmem>>)
    %dma_wait3A_389 = tpu.memref_slice %arg5[%mul3A_14] : memref<802816xi32, #tpu.memory_space<hbm>> -> memref<128xi32, #tpu.memory_space<hbm>>
    %dma_wait3A_390 = tpu.memref_slice %arg5[%mul3A_14] : memref<802816xi32, #tpu.memory_space<hbm>> -> memref<128xi32, #tpu.memory_space<hbm>>
    tpu.wait_dma2 semaphore(%arg19 : memref<!tpu.dma_semaphore, #tpu.memory_space<semaphore_mem>>) src(%dma_wait3A_390 : memref<128xi32, #tpu.memory_space<hbm>>) dst(%arg8 : memref<128xi32, #tpu.memory_space<vmem>>)
    %dma_wait3A_391 = arith.constant 0 : i32
    %dma_wait3A_392 = tpu.memref_slice %arg3[%add3A, %dma_wait3A_391] : memref<401408x128xf32, #tpu.memory_space<hbm>> -> memref<32x128xf32, #tpu.memory_space<hbm>>
    %dma_wait3A_393 = arith.constant 0 : i32
    %dma_wait3A_394 = tpu.memref_slice %arg3[%add3A, %dma_wait3A_393] : memref<401408x128xf32, #tpu.memory_space<hbm>> -> memref<32x128xf32, #tpu.memory_space<hbm>>
    tpu.wait_dma2 semaphore(%arg19 : memref<!tpu.dma_semaphore, #tpu.memory_space<semaphore_mem>>) src(%dma_wait3A_394 : memref<32x128xf32, #tpu.memory_space<hbm>>) dst(%arg9 : memref<32x128xf32, #tpu.memory_space<vmem>>)
    %barrier3A_395 = arith.constant 0 : index
    tpu.barrier barrier_id(%barrier3A_395)
    %mul3A_396 = arith.constant 3136 : i32
    %mul3A_397 = arith.muli %arg1, %mul3A_396 : i32
    %mul3A_398 = arith.constant 50176 : i32
    %mul3A_399 = arith.muli %arg0, %mul3A_398 : i32
    %mul3A_400 = arith.constant 3136 : i32
    %mul3A_401 = arith.muli %arg1, %mul3A_400 : i32
    %add3A_402 = arith.addi %mul3A_399, %mul3A_401 : i32
    "tpu.region"() ({
      %run_scoped3A = tpu.sem_alloc : memref<!tpu.dma_semaphore, #tpu.memory_space<semaphore_mem>>
      %dma_start3A_403 = arith.constant 0 : i32
      %dma_start3A_404 = tpu.memref_slice %arg6[%add3A_402, %dma_start3A_403] : memref<100352x32xf32, #tpu.memory_space<hbm>> -> memref<3136x32xf32, #tpu.memory_space<hbm>>
      %dma_start3A_405 = arith.constant 0 : i32
      %dma_start3A_406 = tpu.memref_slice %arg18[%mul3A_397, %dma_start3A_405] : memref<50176x32xf32, #tpu.memory_space<vmem_shared>> -> memref<3136x32xf32, #tpu.memory_space<vmem_shared>>
      tpu.enqueue_dma source(%dma_start3A_406 : memref<3136x32xf32, #tpu.memory_space<vmem_shared>>) target(%dma_start3A_404 : memref<3136x32xf32, #tpu.memory_space<hbm>>) target_semaphore(%run_scoped3A : memref<!tpu.dma_semaphore, #tpu.memory_space<semaphore_mem>>)
      %dma_wait3A_407 = arith.constant 0 : i32
      %dma_wait3A_408 = tpu.memref_slice %arg6[%add3A_402, %dma_wait3A_407] : memref<100352x32xf32, #tpu.memory_space<hbm>> -> memref<3136x32xf32, #tpu.memory_space<hbm>>
      %dma_wait3A_409 = arith.constant 0 : i32
      %dma_wait3A_410 = tpu.memref_slice %arg18[%mul3A_397, %dma_wait3A_409] : memref<50176x32xf32, #tpu.memory_space<vmem_shared>> -> memref<3136x32xf32, #tpu.memory_space<vmem_shared>>
      tpu.wait_dma2 semaphore(%run_scoped3A : memref<!tpu.dma_semaphore, #tpu.memory_space<semaphore_mem>>) src(%dma_wait3A_410 : memref<3136x32xf32, #tpu.memory_space<vmem_shared>>) dst(%dma_wait3A_408 : memref<3136x32xf32, #tpu.memory_space<hbm>>)
      tpu.yield
    }) : () -> ()
    return
  }
}

module attributes {stable_mosaic.version = 14 : i64} {
  func.func @_node_prework_body(%arg0: i32, %arg1: memref<1000x25xf32, #tpu.memory_space<vmem>>, %arg2: memref<25x64xf32, #tpu.memory_space<vmem>>, %arg3: memref<1x64xf32, #tpu.memory_space<vmem>>, %arg4: memref<64x64xf32, #tpu.memory_space<vmem>>, %arg5: memref<64x64xf32, #tpu.memory_space<vmem>>, %arg6: memref<2x1000x32xf32, #tpu.memory_space<vmem>>, %arg7: memref<1000x64xf32, #tpu.memory_space<vmem>>) attributes {dimension_semantics = [#tpu.dimension_semantics<arbitrary>], iteration_bounds = array<i64: 50>, scalar_prefetch = 0 : i64, scratch_operands = 0 : i64, tpu.core_type = #tpu.core_type<tc>, window_params = [{transform_indices = @transform_0, window_bounds = array<i64: 1000, 25>}, {pipeline_mode = #tpu.pipeline_mode<synchronous>, transform_indices = @transform_1, window_bounds = array<i64: 25, 64>}, {pipeline_mode = #tpu.pipeline_mode<synchronous>, transform_indices = @transform_2, window_bounds = array<i64: 1, 64>}, {pipeline_mode = #tpu.pipeline_mode<synchronous>, transform_indices = @transform_3, window_bounds = array<i64: 64, 64>}, {pipeline_mode = #tpu.pipeline_mode<synchronous>, transform_indices = @transform_4, window_bounds = array<i64: 64, 64>}, {transform_indices = @transform_5, window_bounds = array<i64: 2, 1000, 32>}, {transform_indices = @transform_6, window_bounds = array<i64: 1000, 64>}]} {
    %get3A = arith.constant 0 : index
    %get3A_0 = arith.constant 0 : index
    %get3A_1 = vector.load %arg1[%get3A, %get3A_0] : memref<1000x25xf32, #tpu.memory_space<vmem>>, vector<1000x25xf32>
    %get3A_2 = arith.constant 0 : index
    %get3A_3 = arith.constant 0 : index
    %get3A_4 = vector.load %arg2[%get3A_2, %get3A_3] : memref<25x64xf32, #tpu.memory_space<vmem>>, vector<25x64xf32>
    %dot_general3A = arith.constant dense<0.000000e+00> : vector<1000x64xf32>
    %dot_general3A_5 = tpu.matmul %get3A_1, %get3A_4, %dot_general3A {dimension_numbers = #tpu.dot_dimension_numbers<[1], [0], [0], [1], [0, 0, 1, 1], [], []>, transpose_lhs_hint = false} : vector<1000x25xf32>, vector<25x64xf32>, vector<1000x64xf32> -> vector<1000x64xf32>
    %get3A_6 = arith.constant 0 : index
    %get3A_7 = arith.constant 0 : index
    %get3A_8 = vector.load %arg3[%get3A_6, %get3A_7] : memref<1x64xf32, #tpu.memory_space<vmem>>, vector<1x64xf32>
    %add3A = vector.broadcast %get3A_8 : vector<1x64xf32> to vector<1000x64xf32>
    %add3A_9 = arith.addf %dot_general3A_5, %add3A : vector<1000x64xf32>
    %max3A = arith.constant 0.000000e+00 : f32
    %max3A_10 = vector.broadcast %max3A : f32 to vector<1000x64xf32>
    %max3A_11 = arith.maximumf %add3A_9, %max3A_10 : vector<1000x64xf32>
    %get3A_12 = arith.constant 0 : index
    %get3A_13 = arith.constant 0 : index
    %get3A_14 = vector.load %arg4[%get3A_12, %get3A_13] : memref<64x64xf32, #tpu.memory_space<vmem>>, vector<64x64xf32>
    %dot_general3A_15 = arith.constant dense<0.000000e+00> : vector<1000x64xf32>
    %dot_general3A_16 = tpu.matmul %max3A_11, %get3A_14, %dot_general3A_15 {dimension_numbers = #tpu.dot_dimension_numbers<[1], [0], [0], [1], [0, 0, 1, 1], [], []>, transpose_lhs_hint = false} : vector<1000x64xf32>, vector<64x64xf32>, vector<1000x64xf32> -> vector<1000x64xf32>
    %slice3A = vector.extract_strided_slice %dot_general3A_16 {offsets = [0, 0], sizes = [1000, 32], strides = [1, 1]} : vector<1000x64xf32> to vector<1000x32xf32>
    %swap3A = arith.constant 0 : index
    %swap3A_17 = arith.constant 0 : index
    %swap3A_18 = arith.constant 0 : index
    %swap3A_19 = vector.load %arg6[%swap3A, %swap3A_17, %swap3A_18] : memref<2x1000x32xf32, #tpu.memory_space<vmem>>, vector<1x1000x32xf32>
    %swap3A_20 = vector.shape_cast %swap3A_19 : vector<1x1000x32xf32> to vector<1000x32xf32>
    %swap3A_21 = vector.shape_cast %slice3A : vector<1000x32xf32> to vector<1x1000x32xf32>
    tpu.vector_store %arg6[%swap3A, %swap3A_17, %swap3A_18], %swap3A_21 {strides = array<i32>} : memref<2x1000x32xf32, #tpu.memory_space<vmem>>, vector<1x1000x32xf32>,
    %slice3A_22 = vector.extract_strided_slice %dot_general3A_16 {offsets = [0, 32], sizes = [1000, 32], strides = [1, 1]} : vector<1000x64xf32> to vector<1000x32xf32>
    %swap3A_23 = arith.constant 1 : index
    %swap3A_24 = arith.constant 0 : index
    %swap3A_25 = arith.constant 0 : index
    %swap3A_26 = vector.load %arg6[%swap3A_23, %swap3A_24, %swap3A_25] : memref<2x1000x32xf32, #tpu.memory_space<vmem>>, vector<1x1000x32xf32>
    %swap3A_27 = vector.shape_cast %swap3A_26 : vector<1x1000x32xf32> to vector<1000x32xf32>
    %swap3A_28 = vector.shape_cast %slice3A_22 : vector<1000x32xf32> to vector<1x1000x32xf32>
    tpu.vector_store %arg6[%swap3A_23, %swap3A_24, %swap3A_25], %swap3A_28 {strides = array<i32>} : memref<2x1000x32xf32, #tpu.memory_space<vmem>>, vector<1x1000x32xf32>,
    %get3A_29 = arith.constant 0 : index
    %get3A_30 = arith.constant 0 : index
    %get3A_31 = vector.load %arg5[%get3A_29, %get3A_30] : memref<64x64xf32, #tpu.memory_space<vmem>>, vector<64x64xf32>
    %dot_general3A_32 = arith.constant dense<0.000000e+00> : vector<1000x64xf32>
    %dot_general3A_33 = tpu.matmul %max3A_11, %get3A_31, %dot_general3A_32 {dimension_numbers = #tpu.dot_dimension_numbers<[1], [0], [0], [1], [0, 0, 1, 1], [], []>, transpose_lhs_hint = false} : vector<1000x64xf32>, vector<64x64xf32>, vector<1000x64xf32> -> vector<1000x64xf32>
    %swap3A_34 = arith.constant 0 : index
    %swap3A_35 = arith.constant 0 : index
    %swap3A_36 = vector.load %arg7[%swap3A_34, %swap3A_35] : memref<1000x64xf32, #tpu.memory_space<vmem>>, vector<1000x64xf32>
    tpu.vector_store %arg7[%swap3A_34, %swap3A_35], %dot_general3A_33 {strides = array<i32>} : memref<1000x64xf32, #tpu.memory_space<vmem>>, vector<1000x64xf32>,
    return
  }
  func.func @transform_0(%arg0: i32) -> (i32, i32) {
    %c0_i32 = arith.constant 0 : i32
    %c0_i32_0 = arith.constant 0 : i32
    return %arg0, %c0_i32 : i32, i32
  }
  func.func @transform_1(%arg0: i32) -> (i32, i32) {
    %c0_i32 = arith.constant 0 : i32
    %c0_i32_0 = arith.constant 0 : i32
    %c0_i32_1 = arith.constant 0 : i32
    return %c0_i32, %c0_i32_0 : i32, i32
  }
  func.func @transform_2(%arg0: i32) -> (i32, i32) {
    %c0_i32 = arith.constant 0 : i32
    %c0_i32_0 = arith.constant 0 : i32
    %c0_i32_1 = arith.constant 0 : i32
    return %c0_i32, %c0_i32_0 : i32, i32
  }
  func.func @transform_3(%arg0: i32) -> (i32, i32) {
    %c0_i32 = arith.constant 0 : i32
    %c0_i32_0 = arith.constant 0 : i32
    %c0_i32_1 = arith.constant 0 : i32
    return %c0_i32, %c0_i32_0 : i32, i32
  }
  func.func @transform_4(%arg0: i32) -> (i32, i32) {
    %c0_i32 = arith.constant 0 : i32
    %c0_i32_0 = arith.constant 0 : i32
    %c0_i32_1 = arith.constant 0 : i32
    return %c0_i32, %c0_i32_0 : i32, i32
  }
  func.func @transform_5(%arg0: i32) -> (i32, i32, i32) {
    %c0_i32 = arith.constant 0 : i32
    %c0_i32_0 = arith.constant 0 : i32
    %c0_i32_1 = arith.constant 0 : i32
    return %c0_i32, %arg0, %c0_i32_0 : i32, i32, i32
  }
  func.func @transform_6(%arg0: i32) -> (i32, i32) {
    %c0_i32 = arith.constant 0 : i32
    %c0_i32_0 = arith.constant 0 : i32
    return %arg0, %c0_i32 : i32, i32
  }
}

module attributes {stable_mosaic.version = 14 : i64} {
  func.func @_edge_prework_body(%arg0: i32, %arg1: memref<2048x64xf32, #tpu.memory_space<vmem>>, %arg2: memref<2x64x128xf32, #tpu.memory_space<vmem>>, %arg3: memref<2x1x128xf32, #tpu.memory_space<vmem>>, %arg4: memref<2x2048x128xf32, #tpu.memory_space<vmem>>) attributes {dimension_semantics = [#tpu.dimension_semantics<arbitrary>], iteration_bounds = array<i64: 98>, scalar_prefetch = 0 : i64, scratch_operands = 0 : i64, tpu.core_type = #tpu.core_type<tc>, window_params = [{transform_indices = @transform_0, window_bounds = array<i64: 2048, 64>}, {pipeline_mode = #tpu.pipeline_mode<synchronous>, transform_indices = @transform_1, window_bounds = array<i64: 2, 64, 128>}, {pipeline_mode = #tpu.pipeline_mode<synchronous>, transform_indices = @transform_2, window_bounds = array<i64: 2, 1, 128>}, {transform_indices = @transform_3, window_bounds = array<i64: 2, 2048, 128>}]} {
    %get3A = arith.constant 0 : index
    %get3A_0 = arith.constant 0 : index
    %get3A_1 = vector.load %arg1[%get3A, %get3A_0] : memref<2048x64xf32, #tpu.memory_space<vmem>>, vector<2048x64xf32>
    %get3A_2 = arith.constant 0 : index
    %get3A_3 = arith.constant 0 : index
    %get3A_4 = arith.constant 0 : index
    %get3A_5 = vector.load %arg2[%get3A_2, %get3A_3, %get3A_4] : memref<2x64x128xf32, #tpu.memory_space<vmem>>, vector<1x64x128xf32>
    %get3A_6 = vector.shape_cast %get3A_5 : vector<1x64x128xf32> to vector<64x128xf32>
    %dot_general3A = arith.constant dense<0.000000e+00> : vector<2048x128xf32>
    %dot_general3A_7 = tpu.matmul %get3A_1, %get3A_6, %dot_general3A {dimension_numbers = #tpu.dot_dimension_numbers<[1], [0], [0], [1], [0, 0, 1, 1], [], []>, transpose_lhs_hint = false} : vector<2048x64xf32>, vector<64x128xf32>, vector<2048x128xf32> -> vector<2048x128xf32>
    %get3A_8 = arith.constant 0 : index
    %get3A_9 = arith.constant 0 : index
    %get3A_10 = arith.constant 0 : index
    %get3A_11 = vector.load %arg3[%get3A_8, %get3A_9, %get3A_10] : memref<2x1x128xf32, #tpu.memory_space<vmem>>, vector<1x1x128xf32>
    %get3A_12 = vector.shape_cast %get3A_11 : vector<1x1x128xf32> to vector<1x128xf32>
    %add3A = vector.broadcast %get3A_12 : vector<1x128xf32> to vector<2048x128xf32>
    %add3A_13 = arith.addf %dot_general3A_7, %add3A : vector<2048x128xf32>
    %swap3A = arith.constant 0 : index
    %swap3A_14 = arith.constant 0 : index
    %swap3A_15 = arith.constant 0 : index
    %swap3A_16 = vector.load %arg4[%swap3A, %swap3A_14, %swap3A_15] : memref<2x2048x128xf32, #tpu.memory_space<vmem>>, vector<1x2048x128xf32>
    %swap3A_17 = vector.shape_cast %swap3A_16 : vector<1x2048x128xf32> to vector<2048x128xf32>
    %swap3A_18 = vector.shape_cast %add3A_13 : vector<2048x128xf32> to vector<1x2048x128xf32>
    tpu.vector_store %arg4[%swap3A, %swap3A_14, %swap3A_15], %swap3A_18 {strides = array<i32>} : memref<2x2048x128xf32, #tpu.memory_space<vmem>>, vector<1x2048x128xf32>,
    %get3A_19 = arith.constant 1 : index
    %get3A_20 = arith.constant 0 : index
    %get3A_21 = arith.constant 0 : index
    %get3A_22 = vector.load %arg2[%get3A_19, %get3A_20, %get3A_21] : memref<2x64x128xf32, #tpu.memory_space<vmem>>, vector<1x64x128xf32>
    %get3A_23 = vector.shape_cast %get3A_22 : vector<1x64x128xf32> to vector<64x128xf32>
    %dot_general3A_24 = arith.constant dense<0.000000e+00> : vector<2048x128xf32>
    %dot_general3A_25 = tpu.matmul %get3A_1, %get3A_23, %dot_general3A_24 {dimension_numbers = #tpu.dot_dimension_numbers<[1], [0], [0], [1], [0, 0, 1, 1], [], []>, transpose_lhs_hint = false} : vector<2048x64xf32>, vector<64x128xf32>, vector<2048x128xf32> -> vector<2048x128xf32>
    %get3A_26 = arith.constant 1 : index
    %get3A_27 = arith.constant 0 : index
    %get3A_28 = arith.constant 0 : index
    %get3A_29 = vector.load %arg3[%get3A_26, %get3A_27, %get3A_28] : memref<2x1x128xf32, #tpu.memory_space<vmem>>, vector<1x1x128xf32>
    %get3A_30 = vector.shape_cast %get3A_29 : vector<1x1x128xf32> to vector<1x128xf32>
    %add3A_31 = vector.broadcast %get3A_30 : vector<1x128xf32> to vector<2048x128xf32>
    %add3A_32 = arith.addf %dot_general3A_25, %add3A_31 : vector<2048x128xf32>
    %swap3A_33 = arith.constant 1 : index
    %swap3A_34 = arith.constant 0 : index
    %swap3A_35 = arith.constant 0 : index
    %swap3A_36 = vector.load %arg4[%swap3A_33, %swap3A_34, %swap3A_35] : memref<2x2048x128xf32, #tpu.memory_space<vmem>>, vector<1x2048x128xf32>
    %swap3A_37 = vector.shape_cast %swap3A_36 : vector<1x2048x128xf32> to vector<2048x128xf32>
    %swap3A_38 = vector.shape_cast %add3A_32 : vector<2048x128xf32> to vector<1x2048x128xf32>
    tpu.vector_store %arg4[%swap3A_33, %swap3A_34, %swap3A_35], %swap3A_38 {strides = array<i32>} : memref<2x2048x128xf32, #tpu.memory_space<vmem>>, vector<1x2048x128xf32>,
    return
  }
  func.func @transform_0(%arg0: i32) -> (i32, i32) {
    %min3A = arith.constant 97 : i32
    %min3A_0 = arith.minsi %arg0, %min3A : i32
    %c0_i32 = arith.constant 0 : i32
    %c0_i32_1 = arith.constant 0 : i32
    return %min3A_0, %c0_i32 : i32, i32
  }
  func.func @transform_1(%arg0: i32) -> (i32, i32, i32) {
    %c0_i32 = arith.constant 0 : i32
    %c0_i32_0 = arith.constant 0 : i32
    %c0_i32_1 = arith.constant 0 : i32
    %c0_i32_2 = arith.constant 0 : i32
    return %c0_i32, %c0_i32_0, %c0_i32_1 : i32, i32, i32
  }
  func.func @transform_2(%arg0: i32) -> (i32, i32, i32) {
    %c0_i32 = arith.constant 0 : i32
    %c0_i32_0 = arith.constant 0 : i32
    %c0_i32_1 = arith.constant 0 : i32
    %c0_i32_2 = arith.constant 0 : i32
    return %c0_i32, %c0_i32_0, %c0_i32_1 : i32, i32, i32
  }
  func.func @transform_3(%arg0: i32) -> (i32, i32, i32) {
    %c0_i32 = arith.constant 0 : i32
    %c0_i32_0 = arith.constant 0 : i32
    %c0_i32_1 = arith.constant 0 : i32
    return %c0_i32, %arg0, %c0_i32_0 : i32, i32, i32
  }
}

module attributes {stable_mosaic.version = 14 : i64} {
  func.func @_h2_body(%arg0: i32, %arg1: memref<1000x64xf32, #tpu.memory_space<vmem>>, %arg2: memref<2x1000x32xf32, #tpu.memory_space<vmem>>, %arg3: memref<1000x64xf32, #tpu.memory_space<vmem>>) attributes {dimension_semantics = [#tpu.dimension_semantics<arbitrary>], iteration_bounds = array<i64: 50>, scalar_prefetch = 0 : i64, scratch_operands = 0 : i64, tpu.core_type = #tpu.core_type<tc>, window_params = [{transform_indices = @transform_0, window_bounds = array<i64: 1000, 64>}, {transform_indices = @transform_1, window_bounds = array<i64: 2, 1000, 32>}, {transform_indices = @transform_2, window_bounds = array<i64: 1000, 64>}]} {
    %get3A = arith.constant 0 : index
    %get3A_0 = arith.constant 0 : index
    %get3A_1 = arith.constant 0 : index
    %get3A_2 = vector.load %arg2[%get3A, %get3A_0, %get3A_1] : memref<2x1000x32xf32, #tpu.memory_space<vmem>>, vector<1x1000x32xf32>
    %get3A_3 = vector.shape_cast %get3A_2 : vector<1x1000x32xf32> to vector<1000x32xf32>
    %get3A_4 = arith.constant 1 : index
    %get3A_5 = arith.constant 0 : index
    %get3A_6 = arith.constant 0 : index
    %get3A_7 = vector.load %arg2[%get3A_4, %get3A_5, %get3A_6] : memref<2x1000x32xf32, #tpu.memory_space<vmem>>, vector<1x1000x32xf32>
    %get3A_8 = vector.shape_cast %get3A_7 : vector<1x1000x32xf32> to vector<1000x32xf32>
    %concatenate3A = tpu.concatenate %get3A_3, %get3A_8 in 1 : vector<1000x32xf32>, vector<1000x32xf32> -> vector<1000x64xf32>
    %get3A_9 = arith.constant 0 : index
    %get3A_10 = arith.constant 0 : index
    %get3A_11 = vector.load %arg1[%get3A_9, %get3A_10] : memref<1000x64xf32, #tpu.memory_space<vmem>>, vector<1000x64xf32>
    %add3A = arith.addf %get3A_11, %concatenate3A : vector<1000x64xf32>
    %max3A = arith.constant 0.000000e+00 : f32
    %max3A_12 = vector.broadcast %max3A : f32 to vector<1000x64xf32>
    %max3A_13 = arith.maximumf %add3A, %max3A_12 : vector<1000x64xf32>
    %swap3A = arith.constant 0 : index
    %swap3A_14 = arith.constant 0 : index
    %swap3A_15 = vector.load %arg3[%swap3A, %swap3A_14] : memref<1000x64xf32, #tpu.memory_space<vmem>>, vector<1000x64xf32>
    tpu.vector_store %arg3[%swap3A, %swap3A_14], %max3A_13 {strides = array<i32>} : memref<1000x64xf32, #tpu.memory_space<vmem>>, vector<1000x64xf32>,
    return
  }
  func.func @transform_0(%arg0: i32) -> (i32, i32) {
    %c0_i32 = arith.constant 0 : i32
    %c0_i32_0 = arith.constant 0 : i32
    return %arg0, %c0_i32 : i32, i32
  }
  func.func @transform_1(%arg0: i32) -> (i32, i32, i32) {
    %c0_i32 = arith.constant 0 : i32
    %c0_i32_0 = arith.constant 0 : i32
    %c0_i32_1 = arith.constant 0 : i32
    return %c0_i32, %arg0, %c0_i32_0 : i32, i32, i32
  }
  func.func @transform_2(%arg0: i32) -> (i32, i32) {
    %c0_i32 = arith.constant 0 : i32
    %c0_i32_0 = arith.constant 0 : i32
    return %arg0, %c0_i32 : i32, i32
  }
}

module attributes {stable_mosaic.version = 14 : i64} {
  func.func @_set2set_body(%arg0: i32, %arg1: i32, %arg2: memref<2000x64xf32, #tpu.memory_space<vmem>>, %arg3: memref<1x1x2000xi32, #tpu.memory_space<vmem>>, %arg4: memref<128x256xf32, #tpu.memory_space<vmem>>, %arg5: memref<64x256xf32, #tpu.memory_space<vmem>>, %arg6: memref<1x256xf32, #tpu.memory_space<vmem>>, %arg7: memref<128x64xf32, #tpu.memory_space<vmem>>, %arg8: memref<1x64xf32, #tpu.memory_space<vmem>>, %arg9: memref<64x1xf32, #tpu.memory_space<vmem>>, %arg10: memref<1x1xf32, #tpu.memory_space<vmem>>, %arg11: memref<512x1xf32, #tpu.memory_space<vmem>>, %arg12: memref<512x64xf32, #tpu.memory_space<vmem>>, %arg13: memref<512x64xf32, #tpu.memory_space<vmem>>, %arg14: memref<512x64xf32, #tpu.memory_space<vmem>>, %arg15: memref<1x512xf32, #tpu.memory_space<vmem>>, %arg16: memref<1x512xf32, #tpu.memory_space<vmem>>, %arg17: memref<64x512xf32, #tpu.memory_space<vmem>>) attributes {dimension_semantics = [#tpu.dimension_semantics<arbitrary>, #tpu.dimension_semantics<arbitrary>], iteration_bounds = array<i64: 3, 27>, scalar_prefetch = 0 : i64, scratch_operands = 6 : i64, tpu.core_type = #tpu.core_type<tc>, window_params = [{transform_indices = @transform_0, window_bounds = array<i64: 2000, 64>}, {transform_indices = @transform_1, window_bounds = array<i64: 1, 1, 2000>}, {pipeline_mode = #tpu.pipeline_mode<synchronous>, transform_indices = @transform_2, window_bounds = array<i64: 128, 256>}, {pipeline_mode = #tpu.pipeline_mode<synchronous>, transform_indices = @transform_3, window_bounds = array<i64: 64, 256>}, {pipeline_mode = #tpu.pipeline_mode<synchronous>, transform_indices = @transform_4, window_bounds = array<i64: 1, 256>}, {pipeline_mode = #tpu.pipeline_mode<synchronous>, transform_indices = @transform_5, window_bounds = array<i64: 128, 64>}, {pipeline_mode = #tpu.pipeline_mode<synchronous>, transform_indices = @transform_6, window_bounds = array<i64: 1, 64>}, {pipeline_mode = #tpu.pipeline_mode<synchronous>, transform_indices = @transform_7, window_bounds = array<i64: 64, 1>}, {pipeline_mode = #tpu.pipeline_mode<synchronous>, transform_indices = @transform_8, window_bounds = array<i64: 1, 1>}, {pipeline_mode = #tpu.pipeline_mode<synchronous>, transform_indices = @transform_9, window_bounds = array<i64: 512, 1>}]} {
    %eq3A = arith.constant 0 : i32
    %eq3A_0 = arith.cmpi eq, %arg1, %eq3A : i32
    %convert_element_type3A = arith.extui %eq3A_0 : i1 to i32
    %cond3A = arith.constant 0 : i32
    %cond3A_1 = arith.cmpi ne, %convert_element_type3A, %cond3A : i32
    scf.if %cond3A_1 {
      %get3A = arith.constant 0 : index
      %get3A_15 = arith.constant 0 : index
      %get3A_16 = vector.load %arg17[%get3A, %get3A_15] : memref<64x512xf32, #tpu.memory_space<vmem>>, vector<64x512xf32>
      %get3A_17 = arith.constant 0 : index
      %get3A_18 = arith.constant 0 : index
      %get3A_19 = vector.load %arg16[%get3A_17, %get3A_18] : memref<1x512xf32, #tpu.memory_space<vmem>>, vector<1x512xf32>
      %add3A = arith.constant 1.000000e-16 : f32
      %add3A_20 = vector.broadcast %add3A : f32 to vector<1x512xf32>
      %add3A_21 = arith.addf %get3A_19, %add3A_20 : vector<1x512xf32>
      %div3A = vector.broadcast %add3A_21 : vector<1x512xf32> to vector<64x512xf32>
      %div3A_22 = arith.divf %get3A_16, %div3A : vector<64x512xf32>
      %transpose3A = tpu.transpose %div3A_22, [1, 0] : vector<64x512xf32> -> vector<512x64xf32>
      %get3A_23 = arith.constant 0 : index
      %get3A_24 = arith.constant 0 : index
      %get3A_25 = vector.load %arg14[%get3A_23, %get3A_24] : memref<512x64xf32, #tpu.memory_space<vmem>>, vector<512x64xf32>
      %concatenate3A = tpu.concatenate %get3A_25, %transpose3A in 1 : vector<512x64xf32>, vector<512x64xf32> -> vector<512x128xf32>
      %eq3A_26 = arith.constant 0 : i32
      %eq3A_27 = arith.cmpi eq, %arg0, %eq3A_26 : i32
      %jit3A = arith.constant 0.000000e+00 : f32
      %broadcast_in_dim3A = vector.broadcast %jit3A : f32 to vector<512x128xf32>
      %select_n3A = arith.select %eq3A_27, %broadcast_in_dim3A, %concatenate3A : vector<512x128xf32>
      %eq3A_28 = arith.constant 0 : i32
      %eq3A_29 = arith.cmpi eq, %arg0, %eq3A_28 : i32
      %get3A_30 = arith.constant 0 : index
      %get3A_31 = arith.constant 0 : index
      %get3A_32 = vector.load %arg12[%get3A_30, %get3A_31] : memref<512x64xf32, #tpu.memory_space<vmem>>, vector<512x64xf32>
      %jit3A_33 = arith.constant 0.000000e+00 : f32
      %broadcast_in_dim3A_34 = vector.broadcast %jit3A_33 : f32 to vector<512x64xf32>
      %select_n3A_35 = arith.select %eq3A_29, %broadcast_in_dim3A_34, %get3A_32 : vector<512x64xf32>
      %eq3A_36 = arith.constant 0 : i32
      %eq3A_37 = arith.cmpi eq, %arg0, %eq3A_36 : i32
      %get3A_38 = arith.constant 0 : index
      %get3A_39 = arith.constant 0 : index
      %get3A_40 = vector.load %arg13[%get3A_38, %get3A_39] : memref<512x64xf32, #tpu.memory_space<vmem>>, vector<512x64xf32>
      %jit3A_41 = arith.constant 0.000000e+00 : f32
      %broadcast_in_dim3A_42 = vector.broadcast %jit3A_41 : f32 to vector<512x64xf32>
      %select_n3A_43 = arith.select %eq3A_37, %broadcast_in_dim3A_42, %get3A_40 : vector<512x64xf32>
      %get3A_44 = arith.constant 0 : index
      %get3A_45 = arith.constant 0 : index
      %get3A_46 = vector.load %arg4[%get3A_44, %get3A_45] : memref<128x256xf32, #tpu.memory_space<vmem>>, vector<128x256xf32>
      %dot_general3A = arith.constant dense<0.000000e+00> : vector<512x256xf32>
      %dot_general3A_47 = tpu.matmul %select_n3A, %get3A_46, %dot_general3A {dimension_numbers = #tpu.dot_dimension_numbers<[1], [0], [0], [1], [0, 0, 1, 1], [], []>, transpose_lhs_hint = false} : vector<512x128xf32>, vector<128x256xf32>, vector<512x256xf32> -> vector<512x256xf32>
      %get3A_48 = arith.constant 0 : index
      %get3A_49 = arith.constant 0 : index
      %get3A_50 = vector.load %arg5[%get3A_48, %get3A_49] : memref<64x256xf32, #tpu.memory_space<vmem>>, vector<64x256xf32>
      %dot_general3A_51 = arith.constant dense<0.000000e+00> : vector<512x256xf32>
      %dot_general3A_52 = tpu.matmul %select_n3A_35, %get3A_50, %dot_general3A_51 {dimension_numbers = #tpu.dot_dimension_numbers<[1], [0], [0], [1], [0, 0, 1, 1], [], []>, transpose_lhs_hint = false} : vector<512x64xf32>, vector<64x256xf32>, vector<512x256xf32> -> vector<512x256xf32>
      %add3A_53 = arith.addf %dot_general3A_47, %dot_general3A_52 : vector<512x256xf32>
      %get3A_54 = arith.constant 0 : index
      %get3A_55 = arith.constant 0 : index
      %get3A_56 = vector.load %arg6[%get3A_54, %get3A_55] : memref<1x256xf32, #tpu.memory_space<vmem>>, vector<1x256xf32>
      %add3A_57 = vector.broadcast %get3A_56 : vector<1x256xf32> to vector<512x256xf32>
      %add3A_58 = arith.addf %add3A_53, %add3A_57 : vector<512x256xf32>
      %slice3A = vector.extract_strided_slice %add3A_58 {offsets = [0, 0], sizes = [512, 64], strides = [1, 1]} : vector<512x256xf32> to vector<512x64xf32>
      %logistic3A = arith.negf %slice3A : vector<512x64xf32>
      %logistic3A_59 = math.exp %logistic3A : vector<512x64xf32>
      %logistic3A_60 = arith.constant 1.000000e+00 : f32
      %logistic3A_61 = vector.broadcast %logistic3A_60 : f32 to vector<512x64xf32>
      %logistic3A_62 = arith.addf %logistic3A_61, %logistic3A_59 : vector<512x64xf32>
      %logistic3A_63 = arith.divf %logistic3A_61, %logistic3A_62 : vector<512x64xf32>
      %slice3A_64 = vector.extract_strided_slice %add3A_58 {offsets = [0, 64], sizes = [512, 64], strides = [1, 1]} : vector<512x256xf32> to vector<512x64xf32>
      %logistic3A_65 = arith.negf %slice3A_64 : vector<512x64xf32>
      %logistic3A_66 = math.exp %logistic3A_65 : vector<512x64xf32>
      %logistic3A_67 = arith.constant 1.000000e+00 : f32
      %logistic3A_68 = vector.broadcast %logistic3A_67 : f32 to vector<512x64xf32>
      %logistic3A_69 = arith.addf %logistic3A_68, %logistic3A_66 : vector<512x64xf32>
      %logistic3A_70 = arith.divf %logistic3A_68, %logistic3A_69 : vector<512x64xf32>
      %slice3A_71 = vector.extract_strided_slice %add3A_58 {offsets = [0, 128], sizes = [512, 64], strides = [1, 1]} : vector<512x256xf32> to vector<512x64xf32>
      %tanh3A = math.tanh %slice3A_71 : vector<512x64xf32>
      %slice3A_72 = vector.extract_strided_slice %add3A_58 {offsets = [0, 192], sizes = [512, 64], strides = [1, 1]} : vector<512x256xf32> to vector<512x64xf32>
      %logistic3A_73 = arith.negf %slice3A_72 : vector<512x64xf32>
      %logistic3A_74 = math.exp %logistic3A_73 : vector<512x64xf32>
      %logistic3A_75 = arith.constant 1.000000e+00 : f32
      %logistic3A_76 = vector.broadcast %logistic3A_75 : f32 to vector<512x64xf32>
      %logistic3A_77 = arith.addf %logistic3A_76, %logistic3A_74 : vector<512x64xf32>
      %logistic3A_78 = arith.divf %logistic3A_76, %logistic3A_77 : vector<512x64xf32>
      %mul3A = arith.mulf %logistic3A_70, %select_n3A_43 : vector<512x64xf32>
      %mul3A_79 = arith.mulf %logistic3A_63, %tanh3A : vector<512x64xf32>
      %add3A_80 = arith.addf %mul3A, %mul3A_79 : vector<512x64xf32>
      %tanh3A_81 = math.tanh %add3A_80 : vector<512x64xf32>
      %mul3A_82 = arith.mulf %logistic3A_78, %tanh3A_81 : vector<512x64xf32>
      %swap3A = arith.constant 0 : index
      %swap3A_83 = arith.constant 0 : index
      %swap3A_84 = vector.load %arg12[%swap3A, %swap3A_83] : memref<512x64xf32, #tpu.memory_space<vmem>>, vector<512x64xf32>
      tpu.vector_store %arg12[%swap3A, %swap3A_83], %mul3A_82 {strides = array<i32>} : memref<512x64xf32, #tpu.memory_space<vmem>>, vector<512x64xf32>,
      %swap3A_85 = arith.constant 0 : index
      %swap3A_86 = arith.constant 0 : index
      %swap3A_87 = vector.load %arg13[%swap3A_85, %swap3A_86] : memref<512x64xf32, #tpu.memory_space<vmem>>, vector<512x64xf32>
      tpu.vector_store %arg13[%swap3A_85, %swap3A_86], %add3A_80 {strides = array<i32>} : memref<512x64xf32, #tpu.memory_space<vmem>>, vector<512x64xf32>,
      %swap3A_88 = arith.constant 0 : index
      %swap3A_89 = arith.constant 0 : index
      %swap3A_90 = vector.load %arg14[%swap3A_88, %swap3A_89] : memref<512x64xf32, #tpu.memory_space<vmem>>, vector<512x64xf32>
      tpu.vector_store %arg14[%swap3A_88, %swap3A_89], %mul3A_82 {strides = array<i32>} : memref<512x64xf32, #tpu.memory_space<vmem>>, vector<512x64xf32>,
      %broadcast_in_dim3A_91 = arith.constant -1.000000e+30 : f32
      %broadcast_in_dim3A_92 = vector.broadcast %broadcast_in_dim3A_91 : f32 to vector<1x512xf32>
      %swap3A_93 = arith.constant 0 : index
      %swap3A_94 = arith.constant 0 : index
      %swap3A_95 = vector.load %arg15[%swap3A_93, %swap3A_94] : memref<1x512xf32, #tpu.memory_space<vmem>>, vector<1x512xf32>
      tpu.vector_store %arg15[%swap3A_93, %swap3A_94], %broadcast_in_dim3A_92 {strides = array<i32>} : memref<1x512xf32, #tpu.memory_space<vmem>>, vector<1x512xf32>,
      %broadcast_in_dim3A_96 = arith.constant 0.000000e+00 : f32
      %broadcast_in_dim3A_97 = vector.broadcast %broadcast_in_dim3A_96 : f32 to vector<1x512xf32>
      %swap3A_98 = arith.constant 0 : index
      %swap3A_99 = arith.constant 0 : index
      %swap3A_100 = vector.load %arg16[%swap3A_98, %swap3A_99] : memref<1x512xf32, #tpu.memory_space<vmem>>, vector<1x512xf32>
      tpu.vector_store %arg16[%swap3A_98, %swap3A_99], %broadcast_in_dim3A_97 {strides = array<i32>} : memref<1x512xf32, #tpu.memory_space<vmem>>, vector<1x512xf32>,
      %broadcast_in_dim3A_101 = arith.constant 0.000000e+00 : f32
      %broadcast_in_dim3A_102 = vector.broadcast %broadcast_in_dim3A_101 : f32 to vector<64x512xf32>
      %swap3A_103 = arith.constant 0 : index
      %swap3A_104 = arith.constant 0 : index
      %swap3A_105 = vector.load %arg17[%swap3A_103, %swap3A_104] : memref<64x512xf32, #tpu.memory_space<vmem>>, vector<64x512xf32>
      tpu.vector_store %arg17[%swap3A_103, %swap3A_104], %broadcast_in_dim3A_102 {strides = array<i32>} : memref<64x512xf32, #tpu.memory_space<vmem>>, vector<64x512xf32>,
    } else {
    }
    %ge3A = arith.constant 1 : i32
    %ge3A_2 = arith.cmpi sge, %arg1, %ge3A : i32
    %le3A = arith.constant 25 : i32
    %le3A_3 = arith.cmpi sle, %arg1, %le3A : i32
    %and3A = arith.andi %ge3A_2, %le3A_3 : i1
    %convert_element_type3A_4 = arith.extui %and3A : i1 to i32
    %cond3A_5 = arith.constant 0 : i32
    %cond3A_6 = arith.cmpi ne, %convert_element_type3A_4, %cond3A_5 : i32
    scf.if %cond3A_6 {
      %get3A = arith.constant 0 : index
      %get3A_15 = arith.constant 0 : index
      %get3A_16 = vector.load %arg2[%get3A, %get3A_15] : memref<2000x64xf32, #tpu.memory_space<vmem>>, vector<2000x64xf32>
      %get3A_17 = arith.constant 0 : index
      %get3A_18 = arith.constant 0 : index
      %get3A_19 = arith.constant 0 : index
      %get3A_20 = vector.load %arg3[%get3A_17, %get3A_18, %get3A_19] : memref<1x1x2000xi32, #tpu.memory_space<vmem>>, vector<1x1x2000xi32>
      %get3A_21 = vector.shape_cast %get3A_20 : vector<1x1x2000xi32> to vector<2000xi32>
      %iota3A = tpu.iota {dimensions = array<i32: 1>} : vector<1x512xi32>
      %broadcast_in_dim3A = vector.shape_cast %get3A_21 : vector<2000xi32> to vector<2000x1xi32>
      %eq3A_22 = vector.broadcast %broadcast_in_dim3A : vector<2000x1xi32> to vector<2000x512xi32>
      %eq3A_23 = vector.broadcast %iota3A : vector<1x512xi32> to vector<2000x512xi32>
      %eq3A_24 = arith.cmpi eq, %eq3A_22, %eq3A_23 : vector<2000x512xi32>
      %get3A_25 = arith.constant 0 : index
      %get3A_26 = arith.constant 0 : index
      %get3A_27 = vector.load %arg14[%get3A_25, %get3A_26] : memref<512x64xf32, #tpu.memory_space<vmem>>, vector<512x64xf32>
      %dot_general3A = arith.constant dense<0.000000e+00> : vector<2000x512xf32>
      %dot_general3A_28 = tpu.matmul %get3A_16, %get3A_27, %dot_general3A {dimension_numbers = #tpu.dot_dimension_numbers<[1], [1], [0], [0], [0, 0, 1, 0], [], []>, transpose_lhs_hint = false} : vector<2000x64xf32>, vector<512x64xf32>, vector<2000x512xf32> -> vector<2000x512xf32>
      %jit3A = arith.constant -1.000000e+30 : f32
      %broadcast_in_dim3A_29 = vector.broadcast %jit3A : f32 to vector<2000x512xf32>
      %select_n3A = arith.select %eq3A_24, %dot_general3A_28, %broadcast_in_dim3A_29 : vector<2000x512xi1>, vector<2000x512xf32>
      %reduce_max3A = arith.constant dense<0xFF800000> : vector<512xf32>
      %reduce_max3A_30 = vector.multi_reduction <maximumf>, %select_n3A, %reduce_max3A [0] : vector<2000x512xf32> to vector<512xf32>
      %broadcast_in_dim3A_31 = vector.shape_cast %reduce_max3A_30 : vector<512xf32> to vector<1x512xf32>
      %get3A_32 = arith.constant 0 : index
      %get3A_33 = arith.constant 0 : index
      %get3A_34 = vector.load %arg15[%get3A_32, %get3A_33] : memref<1x512xf32, #tpu.memory_space<vmem>>, vector<1x512xf32>
      %max3A = arith.maximumf %get3A_34, %broadcast_in_dim3A_31 : vector<1x512xf32>
      %sub3A = arith.subf %get3A_34, %max3A : vector<1x512xf32>
      %exp3A = math.exp %sub3A : vector<1x512xf32>
      %sub3A_35 = vector.broadcast %max3A : vector<1x512xf32> to vector<2000x512xf32>
      %sub3A_36 = arith.subf %dot_general3A_28, %sub3A_35 : vector<2000x512xf32>
      %exp3A_37 = math.exp %sub3A_36 : vector<2000x512xf32>
      %jit3A_38 = arith.constant 0.000000e+00 : f32
      %broadcast_in_dim3A_39 = vector.broadcast %jit3A_38 : f32 to vector<2000x512xf32>
      %select_n3A_40 = arith.select %eq3A_24, %exp3A_37, %broadcast_in_dim3A_39 : vector<2000x512xi1>, vector<2000x512xf32>
      %get3A_41 = arith.constant 0 : index
      %get3A_42 = arith.constant 0 : index
      %get3A_43 = vector.load %arg16[%get3A_41, %get3A_42] : memref<1x512xf32, #tpu.memory_space<vmem>>, vector<1x512xf32>
      %mul3A = arith.mulf %get3A_43, %exp3A : vector<1x512xf32>
      %reduce_sum3A = arith.constant dense<0.000000e+00> : vector<512xf32>
      %reduce_sum3A_44 = vector.multi_reduction <add>, %select_n3A_40, %reduce_sum3A [0] : vector<2000x512xf32> to vector<512xf32>
      %broadcast_in_dim3A_45 = vector.shape_cast %reduce_sum3A_44 : vector<512xf32> to vector<1x512xf32>
      %add3A = arith.addf %mul3A, %broadcast_in_dim3A_45 : vector<1x512xf32>
      %swap3A = arith.constant 0 : index
      %swap3A_46 = arith.constant 0 : index
      %swap3A_47 = vector.load %arg16[%swap3A, %swap3A_46] : memref<1x512xf32, #tpu.memory_space<vmem>>, vector<1x512xf32>
      tpu.vector_store %arg16[%swap3A, %swap3A_46], %add3A {strides = array<i32>} : memref<1x512xf32, #tpu.memory_space<vmem>>, vector<1x512xf32>,
      %get3A_48 = arith.constant 0 : index
      %get3A_49 = arith.constant 0 : index
      %get3A_50 = vector.load %arg17[%get3A_48, %get3A_49] : memref<64x512xf32, #tpu.memory_space<vmem>>, vector<64x512xf32>
      %mul3A_51 = vector.broadcast %exp3A : vector<1x512xf32> to vector<64x512xf32>
      %mul3A_52 = arith.mulf %get3A_50, %mul3A_51 : vector<64x512xf32>
      %dot_general3A_53 = arith.constant dense<0.000000e+00> : vector<64x512xf32>
      %dot_general3A_54 = tpu.matmul %get3A_16, %select_n3A_40, %dot_general3A_53 {dimension_numbers = #tpu.dot_dimension_numbers<[0], [0], [1], [1], [0, 1, 1, 1], [], []>, transpose_lhs_hint = false} : vector<2000x64xf32>, vector<2000x512xf32>, vector<64x512xf32> -> vector<64x512xf32>
      %add3A_55 = arith.addf %mul3A_52, %dot_general3A_54 : vector<64x512xf32>
      %swap3A_56 = arith.constant 0 : index
      %swap3A_57 = arith.constant 0 : index
      %swap3A_58 = vector.load %arg17[%swap3A_56, %swap3A_57] : memref<64x512xf32, #tpu.memory_space<vmem>>, vector<64x512xf32>
      tpu.vector_store %arg17[%swap3A_56, %swap3A_57], %add3A_55 {strides = array<i32>} : memref<64x512xf32, #tpu.memory_space<vmem>>, vector<64x512xf32>,
      %swap3A_59 = arith.constant 0 : index
      %swap3A_60 = arith.constant 0 : index
      %swap3A_61 = vector.load %arg15[%swap3A_59, %swap3A_60] : memref<1x512xf32, #tpu.memory_space<vmem>>, vector<1x512xf32>
      tpu.vector_store %arg15[%swap3A_59, %swap3A_60], %max3A {strides = array<i32>} : memref<1x512xf32, #tpu.memory_space<vmem>>, vector<1x512xf32>,
    } else {
    }
    %eq3A_7 = arith.constant 26 : i32
    %eq3A_8 = arith.cmpi eq, %arg1, %eq3A_7 : i32
    %eq3A_9 = arith.constant 2 : i32
    %eq3A_10 = arith.cmpi eq, %arg0, %eq3A_9 : i32
    %and3A_11 = arith.andi %eq3A_8, %eq3A_10 : i1
    %convert_element_type3A_12 = arith.extui %and3A_11 : i1 to i32
    %cond3A_13 = arith.constant 0 : i32
    %cond3A_14 = arith.cmpi ne, %convert_element_type3A_12, %cond3A_13 : i32
    scf.if %cond3A_14 {
      %get3A = arith.constant 0 : index
      %get3A_15 = arith.constant 0 : index
      %get3A_16 = vector.load %arg17[%get3A, %get3A_15] : memref<64x512xf32, #tpu.memory_space<vmem>>, vector<64x512xf32>
      %get3A_17 = arith.constant 0 : index
      %get3A_18 = arith.constant 0 : index
      %get3A_19 = vector.load %arg16[%get3A_17, %get3A_18] : memref<1x512xf32, #tpu.memory_space<vmem>>, vector<1x512xf32>
      %add3A = arith.constant 1.000000e-16 : f32
      %add3A_20 = vector.broadcast %add3A : f32 to vector<1x512xf32>
      %add3A_21 = arith.addf %get3A_19, %add3A_20 : vector<1x512xf32>
      %div3A = vector.broadcast %add3A_21 : vector<1x512xf32> to vector<64x512xf32>
      %div3A_22 = arith.divf %get3A_16, %div3A : vector<64x512xf32>
      %get3A_23 = arith.constant 0 : index
      %get3A_24 = arith.constant 0 : index
      %get3A_25 = vector.load %arg14[%get3A_23, %get3A_24] : memref<512x64xf32, #tpu.memory_space<vmem>>, vector<512x64xf32>
      %transpose3A = tpu.transpose %div3A_22, [1, 0] : vector<64x512xf32> -> vector<512x64xf32>
      %concatenate3A = tpu.concatenate %get3A_25, %transpose3A in 1 : vector<512x64xf32>, vector<512x64xf32> -> vector<512x128xf32>
      %get3A_26 = arith.constant 0 : index
      %get3A_27 = arith.constant 0 : index
      %get3A_28 = vector.load %arg7[%get3A_26, %get3A_27] : memref<128x64xf32, #tpu.memory_space<vmem>>, vector<128x64xf32>
      %dot_general3A = arith.constant dense<0.000000e+00> : vector<512x64xf32>
      %dot_general3A_29 = tpu.matmul %concatenate3A, %get3A_28, %dot_general3A {dimension_numbers = #tpu.dot_dimension_numbers<[1], [0], [0], [1], [0, 0, 1, 1], [], []>, transpose_lhs_hint = false} : vector<512x128xf32>, vector<128x64xf32>, vector<512x64xf32> -> vector<512x64xf32>
      %get3A_30 = arith.constant 0 : index
      %get3A_31 = arith.constant 0 : index
      %get3A_32 = vector.load %arg8[%get3A_30, %get3A_31] : memref<1x64xf32, #tpu.memory_space<vmem>>, vector<1x64xf32>
      %add3A_33 = vector.broadcast %get3A_32 : vector<1x64xf32> to vector<512x64xf32>
      %add3A_34 = arith.addf %dot_general3A_29, %add3A_33 : vector<512x64xf32>
      %max3A = arith.constant 0.000000e+00 : f32
      %max3A_35 = vector.broadcast %max3A : f32 to vector<512x64xf32>
      %max3A_36 = arith.maximumf %add3A_34, %max3A_35 : vector<512x64xf32>
      %get3A_37 = arith.constant 0 : index
      %get3A_38 = arith.constant 0 : index
      %get3A_39 = vector.load %arg9[%get3A_37, %get3A_38] : memref<64x1xf32, #tpu.memory_space<vmem>>, vector<64x1xf32>
      %dot_general3A_40 = arith.constant dense<0.000000e+00> : vector<512x1xf32>
      %dot_general3A_41 = tpu.matmul %max3A_36, %get3A_39, %dot_general3A_40 {dimension_numbers = #tpu.dot_dimension_numbers<[1], [0], [0], [1], [0, 0, 1, 1], [], []>, transpose_lhs_hint = false} : vector<512x64xf32>, vector<64x1xf32>, vector<512x1xf32> -> vector<512x1xf32>
      %get3A_42 = arith.constant 0 : index
      %get3A_43 = arith.constant 0 : index
      %get3A_44 = vector.load %arg10[%get3A_42, %get3A_43] : memref<1x1xf32, #tpu.memory_space<vmem>>, vector<1x1xf32>
      %add3A_45 = vector.broadcast %get3A_44 : vector<1x1xf32> to vector<512x1xf32>
      %add3A_46 = arith.addf %dot_general3A_41, %add3A_45 : vector<512x1xf32>
      %swap3A = arith.constant 0 : index
      %swap3A_47 = arith.constant 0 : index
      %swap3A_48 = vector.load %arg11[%swap3A, %swap3A_47] : memref<512x1xf32, #tpu.memory_space<vmem>>, vector<512x1xf32>
      tpu.vector_store %arg11[%swap3A, %swap3A_47], %add3A_46 {strides = array<i32>} : memref<512x1xf32, #tpu.memory_space<vmem>>, vector<512x1xf32>,
    } else {
    }
    return
  }
  func.func @transform_0(%arg0: i32, %arg1: i32) -> (i32, i32) {
    %sub3A = arith.constant 1 : i32
    %sub3A_0 = arith.subi %arg1, %sub3A : i32
    %jit3A = arith.constant 0 : i32
    %jit3A_1 = arith.constant 24 : i32
    %max3A = arith.maxsi %jit3A, %sub3A_0 : i32
    %min3A = arith.minsi %jit3A_1, %max3A : i32
    %c0_i32 = arith.constant 0 : i32
    %c0_i32_2 = arith.constant 0 : i32
    return %min3A, %c0_i32 : i32, i32
  }
  func.func @transform_1(%arg0: i32, %arg1: i32) -> (i32, i32, i32) {
    %sub3A = arith.constant 1 : i32
    %sub3A_0 = arith.subi %arg1, %sub3A : i32
    %jit3A = arith.constant 0 : i32
    %jit3A_1 = arith.constant 24 : i32
    %max3A = arith.maxsi %jit3A, %sub3A_0 : i32
    %min3A = arith.minsi %jit3A_1, %max3A : i32
    %c0_i32 = arith.constant 0 : i32
    %c0_i32_2 = arith.constant 0 : i32
    %c0_i32_3 = arith.constant 0 : i32
    return %min3A, %c0_i32, %c0_i32_2 : i32, i32, i32
  }
  func.func @transform_2(%arg0: i32, %arg1: i32) -> (i32, i32) {
    %c0_i32 = arith.constant 0 : i32
    %c0_i32_0 = arith.constant 0 : i32
    %c0_i32_1 = arith.constant 0 : i32
    return %c0_i32, %c0_i32_0 : i32, i32
  }
  func.func @transform_3(%arg0: i32, %arg1: i32) -> (i32, i32) {
    %c0_i32 = arith.constant 0 : i32
    %c0_i32_0 = arith.constant 0 : i32
    %c0_i32_1 = arith.constant 0 : i32
    return %c0_i32, %c0_i32_0 : i32, i32
  }
  func.func @transform_4(%arg0: i32, %arg1: i32) -> (i32, i32) {
    %c0_i32 = arith.constant 0 : i32
    %c0_i32_0 = arith.constant 0 : i32
    %c0_i32_1 = arith.constant 0 : i32
    return %c0_i32, %c0_i32_0 : i32, i32
  }
  func.func @transform_5(%arg0: i32, %arg1: i32) -> (i32, i32) {
    %c0_i32 = arith.constant 0 : i32
    %c0_i32_0 = arith.constant 0 : i32
    %c0_i32_1 = arith.constant 0 : i32
    return %c0_i32, %c0_i32_0 : i32, i32
  }
  func.func @transform_6(%arg0: i32, %arg1: i32) -> (i32, i32) {
    %c0_i32 = arith.constant 0 : i32
    %c0_i32_0 = arith.constant 0 : i32
    %c0_i32_1 = arith.constant 0 : i32
    return %c0_i32, %c0_i32_0 : i32, i32
  }
  func.func @transform_7(%arg0: i32, %arg1: i32) -> (i32, i32) {
    %c0_i32 = arith.constant 0 : i32
    %c0_i32_0 = arith.constant 0 : i32
    %c0_i32_1 = arith.constant 0 : i32
    return %c0_i32, %c0_i32_0 : i32, i32
  }
  func.func @transform_8(%arg0: i32, %arg1: i32) -> (i32, i32) {
    %c0_i32 = arith.constant 0 : i32
    %c0_i32_0 = arith.constant 0 : i32
    %c0_i32_1 = arith.constant 0 : i32
    return %c0_i32, %c0_i32_0 : i32, i32
  }
  func.func @transform_9(%arg0: i32, %arg1: i32) -> (i32, i32) {
    %c0_i32 = arith.constant 0 : i32
    %c0_i32_0 = arith.constant 0 : i32
    %c0_i32_1 = arith.constant 0 : i32
    return %c0_i32, %c0_i32_0 : i32, i32
  }
}

</mosaic_0001>

<sc_bundles>
// kernel: kernel.7.cloned.1.call-start
scs
__scs_entry_jumppad:
0x0: {  	(pc) =	sbr.rel $0x88, $3  }
0x1: {  	(tag) =	ssettag $0x0;
	lr =	simm.s32 $0x1  }
0x2: {  	[smem:$0x3F90] =	sst lr;
	_ =	strace $0xD0000000  }
0x3: {  	_ = 	snop  }
0x4: {  	_ = 	snop  }
0x5: {  	_ = 	snop  }
0x6: {  	_ = 	snop  }
0x7: {  	_ = 	snop  }
__scs_overlays_trampoline_lowered:
0x8: {  	[smem:$0x3F9F] =	sst s0  }
0x9: {  	[smem:$0x3FA0] =	sst s1  }
0xa: {  	[smem:$0x3FA1] =	sst s2  }
0xb: {  	[smem:$0x3FA2] =	sst s3  }
0xc: {  	[smem:$0x3FA3] =	sst s4  }
0xd: {  	[smem:$0x3FA4] =	sst s5  }
0xe: {  	[smem:$0x3FA5] =	sst s6  }
0xf: {  	[smem:$0x3FA6] =	sst s7  }
0x10: {  	[smem:$0x3FA7] =	sst s8  }
0x11: {  	[smem:$0x3FA8] =	sst s9;
	s0 =	simm.s32 @!p0 $0x0  }
0x12: {  	s1 =	sld [smem:$0x3F8E];
	s0 =	simm.s32 @p0 $0x1  }
0x13: {  	[smem:$0x3FA9] =	sst s0;
	s0 =	simm.s32 @!p1 $0x0  }
0x14: {  	s2 =	sld [smem:$0x3F8D];
	s0 =	simm.s32 @p1 $0x1  }
0x15: {  	[smem:$0x3FAA] =	sst s0;
	s0 =	simm.s32 @!p2 $0x0  }
0x16: {  	s3 =	sld [smem:$0x3FDB];
	s0 =	simm.s32 @p2 $0x1  }
0x17: {  	s4 =	simm.s32 $0x1BF5;
	[smem:$0x3FAC] =	sst s0  }
0x18: {  	s0 =	sld [smem:$0x3F8F];
	_ =	swait.ge [sflag:s4], $0x0  }
0x19: {  	s7 =	sld [smem:$0x3F90]  }
0x1a: {  	s8 =	sadd.s32 $0xFFFFE003, lr  }
0x1b: {  	s9 =	sadd.s32 $0xFFFFFEF7, lr;
	s5 =	simm.s32 $0xFFFFFFFF;
	p2 =	slt.u32 s8, $0xFFFFF086  }
0x1c: {  	p1 =	slt.u32 s9, $0xF7A;
	s5 =	simm.s32 @!p2 $0x0  }
0x1d: {  	s5 =	simm.s32 @p1 $0x1;
	p0 =	seq.s32 s7, s2  }
0x1e: {  	s7 =	smul.u32 @!p0 $0xF7A, s2;
	p2 =	seq.s32 @!p0 s5, $0x0  }
0x1f: {  	s9 =	smul.u32 $0xF7A, s1;
	s8 =	simm.s32 @!p0 $0x1BF5;
	p2 =	por !p2, p0  }
0x20: {  	[sflag:s8] =	ssyncset.s32 @!p0 $0xFFFFF086;
	s6 =	sadd.s32 @!p0 s3, s7;
	s7 =	simm.s32 @!p0 $0x108  }
0x21: {  	s3 =	sadd.s32 s3, s9;
	s6 =	sadd.s32 @!p0 $0x88, s6;
	s7 =	simm.s32 @p2 $0x1082  }
0x22: {  	[simem:s7], [sflag:s8] =	dma.local @!p0 [hbm:s6], $0xF7A  }
0x23: {  	s9 =	sor.u32 $0xD0000000, s2;
	s6 =	simm.s32 $0x108;
	_ =	swait.ge @!p0 [sflag:s8], $0x0  }
0x24: {  	s3 =	sadd.s32 $0x88, s3;
	s6 =	simm.s32 @!p1 $0x1082;
	[sflag:s4] =	ssyncset.s32 $0xFFFFF086  }
0x25: {  	[simem:s6], [sflag:s4] =	dma.local [hbm:s3], $0xF7A  }
0x26: {  	[smem:$0x3F90] =	sst s1;
	(tag) =	ssettag s2;
	_ =	strace s9  }
0x27: {  	s1 =	sld [smem:$0x3FA0]  }
0x28: {  	s2 =	sld [smem:$0x3FA1]  }
0x29: {  	s4 =	sld [smem:$0x3FA3]  }
0x2a: {  	p0 =	seq.s32 s5, $0x0;
	s5 =	sld [smem:$0x3FA4]  }
0x2b: {  	s6 =	sld [smem:$0x3FA5]  }
0x2c: {  	s7 =	sld [smem:$0x3FA6]  }
0x2d: {  	s3 =	simm.s32 $0x108;
	s8 =	sld [smem:$0x3FA7]  }
0x2e: {  	s3 =	simm.s32 @!p0 $0x1082;
	s9 =	sld [smem:$0x3FA8]  }
0x2f: {  	lr =	sadd.s32 s0, s3;
	s0 =	sld [smem:$0x3F9F]  }
0x30: {  	s3 =	sld [smem:$0x3FA2]  }
0x31: {  	[smem:$0x3FAB] =	sst s10  }
0x32: {  	s10 =	sld [smem:$0x3FA9];
	_ =	sdelay $0x3  }
0x33: {  	p0 =	seq.s32 s10, $0x1;
	s10 =	sld [smem:$0x3FAB];
	_ =	sdelay $0x3  }
0x34: {  	[smem:$0x3FAB] =	sst s10  }
0x35: {  	s10 =	sld [smem:$0x3FAA];
	_ =	sdelay $0x3  }
0x36: {  	p1 =	seq.s32 s10, $0x1;
	s10 =	sld [smem:$0x3FAB];
	_ =	sdelay $0x3  }
0x37: {  	[smem:$0x3FAB] =	sst s10  }
0x38: {  	s10 =	sld [smem:$0x3FAC]  }
0x39: {  	_ = 	snop;
	(pc) =	sbr.ind lr, $3  }
0x3a: {  	_ = 	snop  }
0x3b: {  	_ = 	snop  }
0x3c: {  	p2 =	seq.s32 s10, $0x1;
	s10 =	sld [smem:$0x3FAB]  }
0x3d: {  	_ =	shalt  }
0x3e: {  	_ =	shalt  }
0x3f: {  	_ =	shalt  }
0x40: {  	_ =	shalt  }
0x41: {  	_ =	shalt  }
0x42: {  	_ =	shalt  }
0x43: {  	_ =	shalt  }
0x44: {  	_ =	shalt  }
0x45: {  	_ =	shalt  }
0x46: {  	_ =	shalt  }
0x47: {  	_ =	shalt  }
0x48: {  	_ =	shalt  }
0x49: {  	_ =	shalt  }
0x4a: {  	_ =	shalt  }
0x4b: {  	_ =	shalt  }
0x4c: {  	_ =	shalt  }
0x4d: {  	_ =	shalt  }
0x4e: {  	_ =	shalt  }
0x4f: {  	_ =	shalt  }
0x50: {  	_ =	shalt  }
0x51: {  	_ =	shalt  }
0x52: {  	_ =	shalt  }
0x53: {  	_ =	shalt  }
0x54: {  	_ =	shalt  }
0x55: {  	_ =	shalt  }
0x56: {  	_ =	shalt  }
0x57: {  	_ =	shalt  }
0x58: {  	_ =	shalt  }
0x59: {  	_ =	shalt  }
0x5a: {  	_ =	shalt  }
0x5b: {  	_ =	shalt  }
0x5c: {  	_ =	shalt  }
0x5d: {  	_ =	shalt  }
0x5e: {  	_ =	shalt  }
0x5f: {  	_ =	shalt  }
0x60: {  	_ =	shalt  }
0x61: {  	_ =	shalt  }
0x62: {  	_ =	shalt  }
0x63: {  	_ =	shalt  }
0x64: {  	_ =	shalt  }
0x65: {  	_ =	shalt  }
0x66: {  	_ =	shalt  }
0x67: {  	_ =	shalt  }
0x68: {  	_ =	shalt  }
0x69: {  	_ =	shalt  }
0x6a: {  	_ =	shalt  }
0x6b: {  	_ =	shalt  }
0x6c: {  	_ =	shalt  }
0x6d: {  	_ =	shalt  }
0x6e: {  	_ =	shalt  }
0x6f: {  	_ =	shalt  }
0x70: {  	_ =	shalt  }
0x71: {  	_ =	shalt  }
0x72: {  	_ =	shalt  }
0x73: {  	_ =	shalt  }
0x74: {  	_ =	shalt  }
0x75: {  	_ =	shalt  }
0x76: {  	_ =	shalt  }
0x77: {  	_ =	shalt  }
0x78: {  	_ =	shalt  }
0x79: {  	_ =	shalt  }
0x7a: {  	_ =	shalt  }
0x7b: {  	_ =	shalt  }
0x7c: {  	_ =	shalt  }
0x7d: {  	_ =	shalt  }
0x7e: {  	_ =	shalt  }
0x7f: {  	_ =	shalt  }
0x80: {  	_ =	shalt  }
0x81: {  	_ =	shalt  }
0x82: {  	_ =	shalt  }
0x83: {  	_ =	shalt  }
0x84: {  	_ =	shalt  }
0x85: {  	_ =	shalt  }
0x86: {  	_ =	shalt  }
0x87: {  	_ =	shalt  }
.Lfunc_end0:
.L_simem_size_0:
called_computation_lowered:
.L_overlay_start_0:
0x88: {  	s2 =	sld [smem:$0x3FD9]  }
0x89: {  	s3 =	sld [smem:$0x3FFE];
	_ =	sdelay $0x1  }
0x8a: {  	s1 =	srdreg.scid  }
0x8b: {  	s0 =	sand.u32 $0x1, s1  }
0x8c: {  	s16 =	sshll.u32 s0, $0xA;
	s2 =	sadd.s32 s3, s2  }
0x8d: {  	s2 =	sadd.s32 s2, s16  }
0x8e: {  	[smem:$0x3FB7] =	sst s2  }
0x8f: {  	_ = 	snop  }
0x90: {  	(tm) =	ssettm $0x1  }
0x91: {  	s17 =	sld [smem:$0x3FFB];
	_ =	sdelay $0x3  }
0x92: {  	_ =	strace s17  }
0x93: {  	s2 =	sld [smem:$0x3FFC];
	_ =	sdelay $0x3  }
0x94: {  	_ =	strace s2  }
0x95: {  	s2 =	sld [smem:$0x3FFD];
	_ =	sdelay $0x3  }
0x96: {  	_ =	strace s2  }
0x97: {  	_ =	strace $0x8FFFFFFF  }
0x98: {  	s18 =	sld [smem:$0x3FDB];
	_ =	sdelay $0x1  }
0x99: {  	s19 =	simm.s32 $_scs_section_size  }
0x9a: {  	s4 =	simm.s32 $_size__tile_overlayer_lowered;
	s5 =	simm.s32 $_tile_overlayer_lowered  }
0x9b: {  	s22 =	simm.s32 $0x1BFF;
	s21 =	sshll.u32 s5, $0x1;
	s2 =	sadd.s32 s19, s18  }
0x9c: {  	s6 =	simm.s32 $0x0;
	s20 =	sshll.u32 s4, $0x1;
	s4 =	sadd.s32 s21, s2  }
0x9d: {  	[timem:s6], [sflag:s22] =	dma.local [hbm:s4], s20  }
0x9e: {  	_ =	swait.ge [sflag:s22], s20  }
0x9f: {  	s3 =	ssub.s32 $0x0, s20;
	[sflag:s22] =	ssyncset.done $0x0  }
0xa0: {  	[sflag:s22] =	ssyncadd.s32 s3;
	_ =	sdelay $0x1  }
0xa1: {  	s23 =	simm.s32 $0x1B8B  }
0xa2: {  	_ =	swait.ge [sflag:s23], $0x1  }
0xa3: {  	[sflag:s23] =	ssyncset.done $0x0  }
0xa4: {  	s25 =	simm.s32 $0x1B8E;
	s24 =	sld [smem:$0x3FFE];
	[sflag:s23] =	ssyncadd.s32 $0xFFFFFFFF  }
0xa5: {  	s26 =	simm.s32 $execute0_lowered;
	[smem:$0x3FD2] =	sst s25  }
0xa6: {  	s4 =	sshll.u32 s26, $0x1;
	_ =	strace $0x80000046;
	[dreg:$0x1] =	wrdreg $0xFFFFFFFF  }
0xa7: {  	s28 =	simm.s32 $_size_execute0_lowered;
	s2 =	sadd.s32 s2, s4;
	[dreg:$0x0] =	wrdreg $0x0  }
0xa8: {  	s4 =	sshll.u32 s28, $0x1;
	[dreg:$0x2] =	wrdreg s2  }
0xa9: {  	[dreg:$0x3] =	wrdreg s4  }
0xaa: {  	[dreg:$0x4] =	wrdreg $0xC0  }
0xab: {  	_ =	task [dreg:s6], $0x5FFFF  }
0xac: {  	[dreg:$0x1] =	wrdreg $0xFFFFFFFF  }
0xad: {  	[dreg:$0x0] =	wrdreg $0x60  }
0xae: {  	[dreg:$0x2] =	wrdreg s24  }
0xaf: {  	[dreg:$0x3] =	wrdreg $0x4A000  }
0xb0: {  	[dreg:$0x4] =	wrdreg $0x9  }
0xb1: {  	_ =	task.clear_ibuf [dreg:s6], $0x5FFFF;
	_ =	strace $0x90000046  }
0xb2: {  	s29 =	simm.s32 $0x9;
	_ =	strace $0x80000048  }
0xb3: {  	_ =	swait.ge [sflag:s29], $0x1  }
0xb4: {  	[sflag:s29] =	ssyncadd.s32 $0xFFFFFFFF  }
0xb5: {  	_ =	strace $0x90000048  }
0xb6: {  	_ =	sfence  }
0xb7: {  	s30 =	sld [smem:$0x0];
	_ =	sdelay $0x2  }
0xb8: {  	s31 =	sshll.u32 s1, $0xD;
	s1 =	sshrl.u32 s1, $0x2  }
0xb9: {  	s3 =	sand.u32 $0x4000, s31;
	s1 =	sadd.s32 s1, s30  }
0xba: {  	s0 =	sor.u32 s3, s0;
	s1 =	sshll.u32 s1, $0x11  }
0xbb: {  	s0 =	sor.u32 s1, s0  }
0xbc: {  	s0 =	sadd.s32 $0x8F2B, s0  }
0xbd: {  	[sflag:s0] =	ssyncadd.remote.s32 $0x1  }
0xbe: {  	_ =	sfence.sel $0xFFFF  }
0xbf: {  	[dreg:$0x0] =	wrdreg $0xFFFFFFFF;
	(pc) =	sbr.abs _section_cstart, $3  }
0xc0: {  	[dreg:$0x1] =	wrdreg $0xFFFFFFFF  }
0xc1: {  	_ =	task.clear_ibuf [dreg:s6], $0x2FFFF;
	_ =	strace $0x9FFFFFFF  }
0xc2: {  	(tm) =	ssettm $0x7FFFFFFF  }
0xc3: {  	_ =	shalt  }
tec
execute0_lowered:
.L_overlay_start_1:
0x0: {  	(tag) =	ssettag $0x1  }
0x1: {  	s0 =	srdreg.scid;
	s1 =	rddreg [dreg:$0x0]  }
0x2: {  	s13 =	stileid.u32;
	s2 =	rddreg [dreg:$0x1]  }
0x3: {  	s3 =	simm.s32 $0x0;
	s28 =	simm.s32 $0x1;
	s29 =	simm.s32 $0x1100  }
0x4: {  	s30 =	simm.s32 $0x2;
	s0 =	sand.u32 $0x1, s0;
	s5 =	smul.u32 $0x3100, s13  }
0x5: {  	s31 =	simm.s32 $0x2100;
	[smem:$0x7FF] =	sst s3;
	s4 =	smul.u32 $0x31000, s0  }
0x6: {  	s6 =	sadd.s32 $0x7D400, s1;
	s7 =	sadd.s32 $0x64C00, s1;
	_ =	strace $0x80000047  }
0x7: {  	s10 =	ssub.s32 $0x2, s0;
	s12 =	smul.u32 $0xC350, s0;
	s8 =	sadd.s32 s5, s4  }
0x8: {  	s17 =	sshrl.u32 s10, $0x1;
	s4 =	sadd.s32 $0x3000, s1;
	s5 =	sshll.u32 s8, $0x4  }
0x9: {  	s9 =	sadd.s32 s5, s1;
	s5 =	smul.u32 $0xC400, s13;
	s1 =	sadd.s32 s8, s1  }
0xa: {  	s8 =	ssub.s32 s10, s17;
	s13 =	smul.u32 $0x62000, s13;
	s10 =	sadd.s32 $0x310600, s9  }
0xb: {  	v0 =	vmov s12;
	s12 =	simm.s32 $0x6;
	s21 =	sadd.s32 $0x310800, s9;
	s24 =	sadd.s32 $0x310A00, s9  }
0xc: {  	s1 =	sadd.s32 $0x95C00, s1;
	s26 =	smax.u32 s8, $0x1;
	[dreg:$0x7] =	wrdreg s21  }
0xd: {  	s8 =	simm.s32 $0x3;
	s9 =	simm.s32 $0x5;
	[dreg:$0xa] =	wrdreg s24  }
0xe: {  	s11 =	sshrl.u32 s5, $0x3;
	s25 =	sshrl.u32 s13, $0x2;
	[dreg:$0xb] =	wrdreg s1  }
0xf: {  	[dreg:$0xc] =	wrdreg s26;
	s21 =	simm.s32 $0x7;
	s24 =	simm.s32 $0x2180  }
0x10: {  	s26 =	simm.s32 $0x2280;
	s1 =	simm.s32 $0x4;
	s18 =	sadd.s32 s6, s11  }
0x11: {  	s19 =	sadd.s32 s7, s11;
	s20 =	sor.u32 $0x10, s11;
	[dreg:$0x3] =	wrdreg s18  }
0x12: {  	s11 =	sor.u32 $0x20, s11;
	[dreg:$0x4] =	wrdreg s19;
	s14 =	sadd.s32 s6, s20  }
0x13: {  	s0 =	sadd.s32 s7, s20;
	s22 =	sadd.s32 s6, s11;
	[dreg:$0x5] =	wrdreg s14  }
0x14: {  	s23 =	sadd.s32 s7, s11;
	s18 =	sadd.s32 s25, s2;
	[dreg:$0x6] =	wrdreg s0  }
0x15: {  	s20 =	simm.s32 $0x4300;
	s11 =	simm.s32 $0x4280;
	[dreg:$0x8] =	wrdreg s22  }
0x16: {  	s25 =	simm.s32 $0x0;
	[dreg:$0x9] =	wrdreg s23;
	s22 =	simm.s32 $0x80  }
0x17: {  	v1 =	vimm.f32 $0.0e+00;
	s23 =	simm.s32 $0x100;
	s0 =	simm.s32 $0x3280;
	s14 =	simm.s32 $0x0  }
.LBB2_1:
0x18: {  	[dreg:$0xd] =	wrdreg s14;
	s14 =	simm.s32 $0x0  }
.LBB2_2:
0x19: {  	p0 =	sne.s32 s14, $0x1B80  }
.Ltmp0:
0x1a: {  	_ = 	snop;
	(pc) =	sbr.rel @p0 .LBB2_2-.Ltmp0, $4  }
0x1b: {  	_ = 	snop  }
0x1c: {  	s15 =	sshra.s32 s14, $0x2  }
0x1d: {  	[tilespmem:s15+$0x4300] =	vst v1  }
0x1e: {  	s14 =	sadd.s32 $0x80, s14;
	[tilespmem:s15+$0x4310] =	vst v1  }
0x1f: {  	s14 =	sadd.s32 $0x0, s18  }
0x20: {  	[spmem:s14] =	stream.linear.scatter [tilespmem:s20], [sflag:$0x7], $0x700, $0x38;
	[tilespmem:$0x1D200] =	vst v63  }
0x21: {  	s14 =	simm.s32 $0x1C00;
	_ =	swait.ge [sflag:s21], $0x700  }
.LBB2_4:
0x22: {  	s15 =	sshra.s32 s14, $0x2;
	[sflag:s21] =	ssyncset.done $0x0;
	p0 =	sne.s32 s14, $0x60400  }
.Ltmp1:
0x23: {  	s15 =	sadd.s32 s15, s18;
	[sflag:s21] =	ssyncadd.s32 $0xFFFFF900;
	(pc) =	sbr.rel @p0 .LBB2_4-.Ltmp1, $3  }
0x24: {  	[spmem:s15] =	stream.linear.scatter [tilespmem:s20], [sflag:$0x7], $0x700, $0x38;
	[tilespmem:$0x1D200] =	vst v63  }
0x25: {  	s14 =	sadd.s32 $0x1C00, s14;
	_ =	sdelay $0x1  }
0x26: {  	_ =	swait.ge [sflag:s21], $0x700  }
0x27: {  	[sflag:s21] =	ssyncset.done $0x0  }
0x28: {  	[sflag:s21] =	ssyncadd.s32 $0xFFFFF900  }
0x29: {  	[bflag:$0x0] =	sbarrier.arrive $0xFFFF  }
0x2a: {  	s14 =	simm.s32 $0x0;
	s13 =	rddreg [dreg:$0x3]  }
0x2b: {  	[tilespmem:s14], [sflag:$0x1] =	stream.linear.gather [hbm4b:s13+s14], $0x80, $0x38;
	[tilespmem:$0x1D200] =	vst v63  }
0x2c: {  	s15 =	rddreg [dreg:$0x4]  }
0x2d: {  	[tilespmem:s22], [sflag:$0x1] =	stream.linear.gather [hbm4b:s15+s14], $0x80, $0x38;
	[tilespmem:$0x1D200] =	vst v63  }
0x2e: {  	_ = 	snop  }
0x2f: {  	[tilespmem:s23], [sflag:$0x1] =	stream.linear.gather [hbm4b:s10+s14], $0x1000, $0x38;
	[tilespmem:$0x1D200] =	vst v63  }
0x30: {  	s16 =	rddreg [dreg:$0x5]  }
0x31: {  	[tilespmem:s24], [sflag:$0x4] =	stream.linear.gather [hbm4b:s16+s14], $0x80, $0x38;
	[tilespmem:$0x1D200] =	vst v63  }
0x32: {  	s17 =	rddreg [dreg:$0x6];
	s15 =	simm.s32 $0x2200  }
0x33: {  	[tilespmem:s15], [sflag:$0x4] =	stream.linear.gather [hbm4b:s17+s14], $0x80, $0x38;
	[tilespmem:$0x1D200] =	vst v63  }
0x34: {  	s19 =	rddreg [dreg:$0x7]  }
0x35: {  	[tilespmem:s26], [sflag:$0x4] =	stream.linear.gather [hbm4b:s19+s14], $0x1000, $0x38;
	[tilespmem:$0x1D200] =	vst v63  }
0x36: {  	_ =	swait.ge [sflag:s28], $0x80  }
0x37: {  	[sflag:s28] =	ssyncset.done $0x0  }
0x38: {  	[sflag:s28] =	ssyncadd.s32 $0xFFFFFF80  }
0x39: {  	_ =	swait.ge [sflag:s28], $0x80  }
0x3a: {  	[sflag:s28] =	ssyncset.done $0x0  }
0x3b: {  	[sflag:s28] =	ssyncadd.s32 $0xFFFFFF80  }
0x3c: {  	_ =	swait.ge [sflag:s28], $0x1000  }
0x3d: {  	[sflag:s28] =	ssyncset.done $0x0  }
0x3e: {  	[sflag:s28] =	ssyncadd.s32 $0xFFFFF000  }
0x3f: {  	v2 =	vld [tilespmem:$0x0]  }
0x40: {  	v3 =	vld [tilespmem:$0x10]  }
0x41: {  	v4 =	vld [tilespmem:$0x20]  }
0x42: {  	v5 =	vld [tilespmem:$0x30]  }
0x43: {  	v6 =	vld [tilespmem:$0x40]  }
0x44: {  	v7 =	vld [tilespmem:$0x50];
	v2 =	vadd.s32 v0, v2  }
0x45: {  	[tilespmem:$0x0] =	vst v2;
	v2 =	vadd.s32 v0, v3;
	v3 =	vld [tilespmem:$0x60]  }
0x46: {  	[tilespmem:$0x10] =	vst v2;
	v2 =	vadd.s32 v0, v4;
	v4 =	vld [tilespmem:$0x70]  }
0x47: {  	[tilespmem:$0x20] =	vst v2;
	v2 =	vadd.s32 v0, v5  }
0x48: {  	[tilespmem:$0x30] =	vst v2;
	v2 =	vadd.s32 v0, v6  }
0x49: {  	[tilespmem:$0x40] =	vst v2;
	v2 =	vadd.s32 v0, v7  }
0x4a: {  	[tilespmem:$0x50] =	vst v2;
	v2 =	vadd.s32 v0, v3  }
0x4b: {  	[tilespmem:$0x60] =	vst v2;
	v2 =	vadd.s32 v0, v4  }
0x4c: {  	[tilespmem:$0x70] =	vst v2  }
0x4d: {  	[tilespmem:s29], [sflag:$0x2] =	stream.indirect.gather [hbm4b:s4+s22], $0x20, s14, s22, $0xb8;
	[tilespmem:$0x1D200] =	vst v63  }
0x4e: {  	_ =	swait.ge [sflag:s30], $0x1000  }
0x4f: {  	[sflag:s30] =	ssyncset.done $0x0  }
0x50: {  	s14 =	simm.s32 $0x0;
	[sflag:s30] =	ssyncadd.s32 $0xFFFFF000  }
0x51: {  	v8 =	vld [tilespmem:s14+$0x100]  }
0x52: {  	v13 =	vld [tilespmem:s14+$0x110]  }
0x53: {  	v7 =	vld [tilespmem:s14+$0x120]  }
0x54: {  	v6 =	vld [tilespmem:s14+$0x130]  }
0x55: {  	v5 =	vld [tilespmem:s14+$0x140]  }
0x56: {  	v4 =	vld [tilespmem:s14+$0x150]  }
0x57: {  	v3 =	vld [tilespmem:s14+$0x160]  }
0x58: {  	v2 =	vld [tilespmem:s14+$0x170]  }
0x59: {  	v14 =	vld [tilespmem:s14+$0x1100]  }
0x5a: {  	v15 =	vld [tilespmem:s14+$0x1110]  }
0x5b: {  	v12 =	vld [tilespmem:s14+$0x1120]  }
0x5c: {  	v11 =	vld [tilespmem:s14+$0x1130]  }
0x5d: {  	v10 =	vld [tilespmem:s14+$0x1140]  }
0x5e: {  	v9 =	vld [tilespmem:s14+$0x1150];
	v14 =	vadd.f32 v8, v14  }
0x5f: {  	s15 =	simm.s32 $0x200;
	v13 =	vadd.f32 v13, v15;
	v8 =	vld [tilespmem:s14+$0x1160]  }
.LBB2_6:
0x60: {  	s16 =	sshra.s32 s15, $0x2;
	p0 =	sne.s32 s15, $0x3E00;
	v14 =	vmax.f32 v14, $0.0e+00;
	v7 =	vadd.f32 v7, v12;
	v12 =	vld [tilespmem:s14+$0x1170]  }
0x61: {  	v15 =	vld [tilespmem:s16+$0x100];
	[tilespmem:s14+$0x1100] =	vst v14;
	v13 =	vmax.f32 v13, $0.0e+00;
	v6 =	vadd.f32 v6, v11  }
0x62: {  	v16 =	vld [tilespmem:s16+$0x110];
	[tilespmem:s14+$0x1110] =	vst v13;
	v11 =	vmax.f32 v7, $0.0e+00;
	v5 =	vadd.f32 v5, v10  }
0x63: {  	v7 =	vld [tilespmem:s16+$0x120];
	[tilespmem:s14+$0x1120] =	vst v11;
	v10 =	vmax.f32 v6, $0.0e+00;
	v4 =	vadd.f32 v4, v9  }
0x64: {  	v6 =	vld [tilespmem:s16+$0x130];
	[tilespmem:s14+$0x1130] =	vst v10;
	v9 =	vmax.f32 v5, $0.0e+00;
	v3 =	vadd.f32 v3, v8  }
0x65: {  	v5 =	vld [tilespmem:s16+$0x140];
	[tilespmem:s14+$0x1140] =	vst v9;
	v8 =	vmax.f32 v4, $0.0e+00;
	v2 =	vadd.f32 v2, v12  }
0x66: {  	v4 =	vld [tilespmem:s16+$0x150];
	[tilespmem:s14+$0x1150] =	vst v8;
	v8 =	vmax.f32 v3, $0.0e+00  }
0x67: {  	v3 =	vld [tilespmem:s16+$0x160];
	[tilespmem:s14+$0x1160] =	vst v8;
	v8 =	vmax.f32 v2, $0.0e+00  }
0x68: {  	v2 =	vld [tilespmem:s16+$0x170];
	[tilespmem:s14+$0x1170] =	vst v8;
	s14 =	smov.u32 s16  }
0x69: {  	v8 =	vld [tilespmem:s14+$0x1100]  }
0x6a: {  	v13 =	vld [tilespmem:s14+$0x1110]  }
.Ltmp2:
0x6b: {  	v12 =	vld [tilespmem:s14+$0x1120];
	(pc) =	sbr.rel @p0 .LBB2_6-.Ltmp2, $4  }
0x6c: {  	v11 =	vld [tilespmem:s14+$0x1130]  }
0x6d: {  	v10 =	vld [tilespmem:s14+$0x1140]  }
0x6e: {  	v14 =	vadd.f32 v15, v8;
	v9 =	vld [tilespmem:s14+$0x1150]  }
0x6f: {  	s15 =	sadd.s32 $0x200, s15;
	v13 =	vadd.f32 v16, v13;
	v8 =	vld [tilespmem:s14+$0x1160]  }
0x70: {  	v14 =	vmax.f32 v14, $0.0e+00;
	v7 =	vadd.f32 v7, v12;
	v57 =	vld [tilespmem:s14+$0x1170]  }
0x71: {  	[tilespmem:s14+$0x1100] =	vst v14;
	v13 =	vmax.f32 v13, $0.0e+00;
	v6 =	vadd.f32 v6, v11  }
0x72: {  	[tilespmem:s14+$0x1110] =	vst v13;
	v7 =	vmax.f32 v7, $0.0e+00;
	v5 =	vadd.f32 v5, v10  }
0x73: {  	[tilespmem:s14+$0x1120] =	vst v7;
	v6 =	vmax.f32 v6, $0.0e+00;
	v4 =	vadd.f32 v4, v9  }
0x74: {  	[tilespmem:s14+$0x1130] =	vst v6;
	v5 =	vmax.f32 v5, $0.0e+00;
	v3 =	vadd.f32 v3, v8  }
0x75: {  	[tilespmem:s14+$0x1140] =	vst v5;
	v4 =	vmax.f32 v4, $0.0e+00;
	v2 =	vadd.f32 v2, v57  }
0x76: {  	[tilespmem:s14+$0x1150] =	vst v4;
	v3 =	vmax.f32 v3, $0.0e+00  }
0x77: {  	[tilespmem:s14+$0x1160] =	vst v3;
	v2 =	vmax.f32 v2, $0.0e+00  }
0x78: {  	[tilespmem:s14+$0x1170] =	vst v2  }
0x79: {  	v2 =	vld [tilespmem:$0x80]  }
0x7a: {  	v3 =	vld [tilespmem:$0x90]  }
0x7b: {  	v4 =	vld [tilespmem:$0xA0]  }
0x7c: {  	v5 =	vld [tilespmem:$0xB0]  }
0x7d: {  	v6 =	vld [tilespmem:$0xC0]  }
0x7e: {  	v58 =	vld [tilespmem:$0xF0];
	[tilespmem:$0x2100] =	vst v2  }
0x7f: {  	v2 =	vld [tilespmem:$0xD0];
	[tilespmem:$0x2110] =	vst v3  }
0x80: {  	v3 =	vld [tilespmem:$0xE0];
	[tilespmem:$0x2120] =	vst v4  }
0x81: {  	[tilespmem:$0x2130] =	vst v5  }
0x82: {  	[tilespmem:$0x2140] =	vst v6  }
0x83: {  	[tilespmem:$0x2170] =	vst v58  }
0x84: {  	[tilespmem:$0x2150] =	vst v2  }
0x85: {  	[tilespmem:$0x2160] =	vst v3  }
0x86: {  	[spmem:s2] =	stream.indirect.scatter.add.f32 [tilespmem:s29], [sflag:$0x3], $0x20, s31, s22, $0xb8;
	[tilespmem:$0x1D200] =	vst v63  }
0x87: {  	s13 =	rddreg [dreg:$0x8];
	s14 =	simm.s32 $0x0  }
0x88: {  	[tilespmem:s14], [sflag:$0x1] =	stream.linear.gather [hbm4b:s13+s14], $0x80, $0x38;
	[tilespmem:$0x1D200] =	vst v63  }
0x89: {  	s17 =	rddreg [dreg:$0x9]  }
0x8a: {  	[tilespmem:s22], [sflag:$0x1] =	stream.linear.gather [hbm4b:s17+s14], $0x80, $0x38;
	[tilespmem:$0x1D200] =	vst v63  }
0x8b: {  	s19 =	rddreg [dreg:$0xa]  }
0x8c: {  	[tilespmem:s23], [sflag:$0x1] =	stream.linear.gather [hbm4b:s19+s14], $0x1000, $0x38;
	[tilespmem:$0x1D200] =	vst v63  }
0x8d: {  	_ =	swait.ge [sflag:s1], $0x80  }
0x8e: {  	[sflag:s1] =	ssyncset.done $0x0  }
0x8f: {  	[sflag:s1] =	ssyncadd.s32 $0xFFFFFF80  }
0x90: {  	_ =	swait.ge [sflag:s1], $0x80  }
0x91: {  	[sflag:s1] =	ssyncset.done $0x0  }
0x92: {  	[sflag:s1] =	ssyncadd.s32 $0xFFFFFF80  }
0x93: {  	_ =	swait.ge [sflag:s1], $0x1000  }
0x94: {  	[sflag:s1] =	ssyncset.done $0x0  }
0x95: {  	[sflag:s1] =	ssyncadd.s32 $0xFFFFF000  }
0x96: {  	v2 =	vld [tilespmem:$0x2180]  }
0x97: {  	v3 =	vld [tilespmem:$0x2190]  }
0x98: {  	v59 =	vld [tilespmem:$0x21A0]  }
0x99: {  	v60 =	vld [tilespmem:$0x21B0]  }
0x9a: {  	v61 =	vld [tilespmem:$0x21C0]  }
0x9b: {  	v62 =	vld [tilespmem:$0x21D0];
	v2 =	vadd.s32 v0, v2  }
0x9c: {  	[tilespmem:$0x2180] =	vst v2;
	v2 =	vadd.s32 v0, v3;
	v3 =	vld [tilespmem:$0x21E0]  }
0x9d: {  	v63 =	vld [tilespmem:$0x21F0];
	[tilespmem:$0x2190] =	vst v2;
	v2 =	vadd.s32 v0, v59  }
0x9e: {  	[tilespmem:$0x21A0] =	vst v2;
	v2 =	vadd.s32 v0, v60  }
0x9f: {  	[tilespmem:$0x21B0] =	vst v2;
	v2 =	vadd.s32 v0, v61  }
0xa0: {  	[tilespmem:$0x21C0] =	vst v2;
	v2 =	vadd.s32 v0, v62  }
0xa1: {  	[tilespmem:$0x21D0] =	vst v2;
	v2 =	vadd.s32 v0, v3  }
0xa2: {  	[tilespmem:$0x21E0] =	vst v2;
	v2 =	vadd.s32 v0, v63  }
0xa3: {  	s15 =	simm.s32 $0x0;
	[tilespmem:$0x21F0] =	vst v2  }
0xa4: {  	[tilespmem:s0], [sflag:$0x5] =	stream.indirect.gather [hbm4b:s4+s22], $0x20, s24, s22, $0xb8;
	[tilespmem:$0x1D200] =	vst v63  }
.LBB2_8:
0xa5: {  	_ =	swait.ge [sflag:s8], $0x1000  }
0xa6: {  	[sflag:s8] =	ssyncset.done $0x0  }
0xa7: {  	[sflag:s8] =	ssyncadd.s32 $0xFFFFF000  }
0xa8: {  	_ =	swait.ge [sflag:s28], $0x80  }
0xa9: {  	[sflag:s28] =	ssyncset.done $0x0  }
0xaa: {  	[sflag:s28] =	ssyncadd.s32 $0xFFFFFF80  }
0xab: {  	_ =	swait.ge [sflag:s28], $0x80  }
0xac: {  	[sflag:s28] =	ssyncset.done $0x0  }
0xad: {  	[sflag:s28] =	ssyncadd.s32 $0xFFFFFF80  }
0xae: {  	_ =	swait.ge [sflag:s28], $0x1000  }
0xaf: {  	[sflag:s28] =	ssyncset.done $0x0  }
0xb0: {  	[sflag:s28] =	ssyncadd.s32 $0xFFFFF000  }
0xb1: {  	v2 =	vld [tilespmem:$0x0]  }
0xb2: {  	v3 =	vld [tilespmem:$0x10]  }
0xb3: {  	v4 =	vld [tilespmem:$0x20]  }
0xb4: {  	v5 =	vld [tilespmem:$0x30]  }
0xb5: {  	v6 =	vld [tilespmem:$0x40]  }
0xb6: {  	v7 =	vld [tilespmem:$0x50];
	v2 =	vadd.s32 v0, v2  }
0xb7: {  	[tilespmem:$0x0] =	vst v2;
	v2 =	vadd.s32 v0, v3;
	v3 =	vld [tilespmem:$0x60]  }
0xb8: {  	[tilespmem:$0x10] =	vst v2;
	v2 =	vadd.s32 v0, v4;
	v4 =	vld [tilespmem:$0x70]  }
0xb9: {  	[tilespmem:$0x20] =	vst v2;
	v2 =	vadd.s32 v0, v5  }
0xba: {  	[tilespmem:$0x30] =	vst v2;
	v2 =	vadd.s32 v0, v6  }
0xbb: {  	[tilespmem:$0x40] =	vst v2;
	v2 =	vadd.s32 v0, v7  }
0xbc: {  	[tilespmem:$0x50] =	vst v2;
	v2 =	vadd.s32 v0, v3  }
0xbd: {  	[tilespmem:$0x60] =	vst v2;
	v2 =	vadd.s32 v0, v4  }
0xbe: {  	[tilespmem:$0x70] =	vst v2  }
0xbf: {  	[tilespmem:s29], [sflag:$0x2] =	stream.indirect.gather [hbm4b:s4+s22], $0x20, s14, s22, $0xb8;
	[tilespmem:$0x1D200] =	vst v63  }
0xc0: {  	_ =	swait.ge [sflag:s9], $0x1000  }
0xc1: {  	[sflag:s9] =	ssyncset.done $0x0  }
0xc2: {  	s16 =	simm.s32 $0x0;
	[sflag:s9] =	ssyncadd.s32 $0xFFFFF000  }
0xc3: {  	v8 =	vld [tilespmem:s16+$0x2280]  }
0xc4: {  	v13 =	vld [tilespmem:s16+$0x2290]  }
0xc5: {  	v7 =	vld [tilespmem:s16+$0x22A0]  }
0xc6: {  	v6 =	vld [tilespmem:s16+$0x22B0]  }
0xc7: {  	v5 =	vld [tilespmem:s16+$0x22C0]  }
0xc8: {  	v4 =	vld [tilespmem:s16+$0x22D0]  }
0xc9: {  	v3 =	vld [tilespmem:s16+$0x22E0]  }
0xca: {  	v2 =	vld [tilespmem:s16+$0x22F0]  }
0xcb: {  	v14 =	vld [tilespmem:s16+$0x3280]  }
0xcc: {  	v15 =	vld [tilespmem:s16+$0x3290]  }
0xcd: {  	v12 =	vld [tilespmem:s16+$0x32A0]  }
0xce: {  	v11 =	vld [tilespmem:s16+$0x32B0]  }
0xcf: {  	v10 =	vld [tilespmem:s16+$0x32C0]  }
0xd0: {  	v9 =	vld [tilespmem:s16+$0x32D0];
	v14 =	vadd.f32 v8, v14  }
0xd1: {  	s17 =	simm.s32 $0x200;
	v13 =	vadd.f32 v13, v15;
	v8 =	vld [tilespmem:s16+$0x32E0]  }
.LBB2_9:
0xd2: {  	s19 =	sshra.s32 s17, $0x2;
	p0 =	sne.s32 s17, $0x3E00;
	v14 =	vmax.f32 v14, $0.0e+00;
	v7 =	vadd.f32 v7, v12;
	v12 =	vld [tilespmem:s16+$0x32F0]  }
0xd3: {  	v15 =	vld [tilespmem:s19+$0x2280];
	[tilespmem:s16+$0x3280] =	vst v14;
	v13 =	vmax.f32 v13, $0.0e+00;
	v6 =	vadd.f32 v6, v11  }
0xd4: {  	v16 =	vld [tilespmem:s19+$0x2290];
	[tilespmem:s16+$0x3290] =	vst v13;
	v11 =	vmax.f32 v7, $0.0e+00;
	v5 =	vadd.f32 v5, v10  }
0xd5: {  	v7 =	vld [tilespmem:s19+$0x22A0];
	[tilespmem:s16+$0x32A0] =	vst v11;
	v10 =	vmax.f32 v6, $0.0e+00;
	v4 =	vadd.f32 v4, v9  }
0xd6: {  	v6 =	vld [tilespmem:s19+$0x22B0];
	[tilespmem:s16+$0x32B0] =	vst v10;
	v9 =	vmax.f32 v5, $0.0e+00;
	v3 =	vadd.f32 v3, v8  }
0xd7: {  	v5 =	vld [tilespmem:s19+$0x22C0];
	[tilespmem:s16+$0x32C0] =	vst v9;
	v8 =	vmax.f32 v4, $0.0e+00;
	v2 =	vadd.f32 v2, v12  }
0xd8: {  	v4 =	vld [tilespmem:s19+$0x22D0];
	[tilespmem:s16+$0x32D0] =	vst v8;
	v8 =	vmax.f32 v3, $0.0e+00  }
0xd9: {  	v3 =	vld [tilespmem:s19+$0x22E0];
	[tilespmem:s16+$0x32E0] =	vst v8;
	v8 =	vmax.f32 v2, $0.0e+00  }
0xda: {  	v2 =	vld [tilespmem:s19+$0x22F0];
	[tilespmem:s16+$0x32F0] =	vst v8;
	s16 =	smov.u32 s19  }
0xdb: {  	v8 =	vld [tilespmem:s16+$0x3280]  }
0xdc: {  	v13 =	vld [tilespmem:s16+$0x3290]  }
.Ltmp3:
0xdd: {  	v12 =	vld [tilespmem:s16+$0x32A0];
	(pc) =	sbr.rel @p0 .LBB2_9-.Ltmp3, $4  }
0xde: {  	v11 =	vld [tilespmem:s16+$0x32B0]  }
0xdf: {  	v10 =	vld [tilespmem:s16+$0x32C0]  }
0xe0: {  	v14 =	vadd.f32 v15, v8;
	v9 =	vld [tilespmem:s16+$0x32D0]  }
0xe1: {  	s17 =	sadd.s32 $0x200, s17;
	v13 =	vadd.f32 v16, v13;
	v8 =	vld [tilespmem:s16+$0x32E0]  }
0xe2: {  	v14 =	vmax.f32 v14, $0.0e+00;
	v7 =	vadd.f32 v7, v12;
	v12 =	vld [tilespmem:s16+$0x32F0]  }
0xe3: {  	[tilespmem:s16+$0x3280] =	vst v14;
	v13 =	vmax.f32 v13, $0.0e+00;
	v6 =	vadd.f32 v6, v11  }
0xe4: {  	[tilespmem:s16+$0x3290] =	vst v13;
	v7 =	vmax.f32 v7, $0.0e+00;
	v5 =	vadd.f32 v5, v10  }
0xe5: {  	[tilespmem:s16+$0x32A0] =	vst v7;
	v6 =	vmax.f32 v6, $0.0e+00;
	v4 =	vadd.f32 v4, v9  }
0xe6: {  	[tilespmem:s16+$0x32B0] =	vst v6;
	v5 =	vmax.f32 v5, $0.0e+00;
	v3 =	vadd.f32 v3, v8  }
0xe7: {  	[tilespmem:s16+$0x32C0] =	vst v5;
	v4 =	vmax.f32 v4, $0.0e+00;
	v2 =	vadd.f32 v2, v12  }
0xe8: {  	[tilespmem:s16+$0x32D0] =	vst v4;
	v3 =	vmax.f32 v3, $0.0e+00  }
0xe9: {  	[tilespmem:s16+$0x32E0] =	vst v3;
	v2 =	vmax.f32 v2, $0.0e+00  }
0xea: {  	[tilespmem:s16+$0x32F0] =	vst v2  }
0xeb: {  	v2 =	vld [tilespmem:$0x2200]  }
0xec: {  	v3 =	vld [tilespmem:$0x2210]  }
0xed: {  	v4 =	vld [tilespmem:$0x2220]  }
0xee: {  	v5 =	vld [tilespmem:$0x2230]  }
0xef: {  	v6 =	vld [tilespmem:$0x2240]  }
0xf0: {  	[tilespmem:$0x4280] =	vst v2;
	v2 =	vld [tilespmem:$0x2250]  }
0xf1: {  	[tilespmem:$0x4290] =	vst v3;
	v3 =	vld [tilespmem:$0x2260]  }
0xf2: {  	[tilespmem:$0x42A0] =	vst v4;
	v4 =	vld [tilespmem:$0x2270]  }
0xf3: {  	s16 =	sshll.u32 s15, $0x1;
	[tilespmem:$0x42B0] =	vst v5  }
0xf4: {  	s17 =	sadd.s32 $0x3, s16;
	[tilespmem:$0x42C0] =	vst v6  }
0xf5: {  	s19 =	sshll.u32 s17, $0x7;
	[tilespmem:$0x42D0] =	vst v2  }
0xf6: {  	s19 =	sadd.s32 s5, s19;
	[tilespmem:$0x42E0] =	vst v3  }
0xf7: {  	s19 =	sshrl.u32 s19, $0x3;
	[tilespmem:$0x42F0] =	vst v4  }
0xf8: {  	[spmem:s2] =	stream.indirect.scatter.add.f32 [tilespmem:s0], [sflag:$0x6], $0x20, s11, s22, $0xb8;
	[tilespmem:$0x1D200] =	vst v63  }
0xf9: {  	s13 =	sadd.s32 s6, s19  }
0xfa: {  	[tilespmem:s24], [sflag:$0x4] =	stream.linear.gather [hbm4b:s13+s25], $0x80, $0x38;
	[tilespmem:$0x1D200] =	vst v63  }
0xfb: {  	s13 =	sadd.s32 s7, s19;
	s19 =	simm.s32 $0x2200  }
0xfc: {  	[tilespmem:s19], [sflag:$0x4] =	stream.linear.gather [hbm4b:s13+s25], $0x80, $0x38;
	[tilespmem:$0x1D200] =	vst v63  }
0xfd: {  	s19 =	sshll.u32 s17, $0x9  }
0xfe: {  	s13 =	sadd.s32 s19, s10  }
0xff: {  	[tilespmem:s26], [sflag:$0x4] =	stream.linear.gather [hbm4b:s13+s25], $0x1000, $0x38;
	[tilespmem:$0x1D200] =	vst v63  }
0x100: {  	_ =	swait.ge [sflag:s12], $0x1000  }
0x101: {  	[sflag:s12] =	ssyncset.done $0x0  }
0x102: {  	[sflag:s12] =	ssyncadd.s32 $0xFFFFF000  }
0x103: {  	_ =	swait.ge [sflag:s1], $0x80  }
0x104: {  	[sflag:s1] =	ssyncset.done $0x0  }
0x105: {  	[sflag:s1] =	ssyncadd.s32 $0xFFFFFF80  }
0x106: {  	_ =	swait.ge [sflag:s1], $0x80  }
0x107: {  	[sflag:s1] =	ssyncset.done $0x0  }
0x108: {  	[sflag:s1] =	ssyncadd.s32 $0xFFFFFF80  }
0x109: {  	_ =	swait.ge [sflag:s1], $0x1000  }
0x10a: {  	[sflag:s1] =	ssyncset.done $0x0  }
0x10b: {  	[sflag:s1] =	ssyncadd.s32 $0xFFFFF000  }
0x10c: {  	v2 =	vld [tilespmem:$0x2180]  }
0x10d: {  	v3 =	vld [tilespmem:$0x2190]  }
0x10e: {  	v4 =	vld [tilespmem:$0x21A0]  }
0x10f: {  	v5 =	vld [tilespmem:$0x21B0]  }
0x110: {  	v6 =	vld [tilespmem:$0x21C0]  }
0x111: {  	v7 =	vld [tilespmem:$0x21D0];
	v2 =	vadd.s32 v0, v2  }
0x112: {  	[tilespmem:$0x2180] =	vst v2;
	v2 =	vadd.s32 v0, v3;
	v3 =	vld [tilespmem:$0x21E0]  }
0x113: {  	[tilespmem:$0x2190] =	vst v2;
	v2 =	vadd.s32 v0, v4;
	v4 =	vld [tilespmem:$0x21F0]  }
0x114: {  	[tilespmem:$0x21A0] =	vst v2;
	v2 =	vadd.s32 v0, v5  }
0x115: {  	[tilespmem:$0x21B0] =	vst v2;
	v2 =	vadd.s32 v0, v6  }
0x116: {  	[tilespmem:$0x21C0] =	vst v2;
	v2 =	vadd.s32 v0, v7  }
0x117: {  	[tilespmem:$0x21D0] =	vst v2;
	v2 =	vadd.s32 v0, v3  }
0x118: {  	[tilespmem:$0x21E0] =	vst v2;
	v2 =	vadd.s32 v0, v4  }
0x119: {  	[tilespmem:$0x21F0] =	vst v2  }
0x11a: {  	[tilespmem:s0], [sflag:$0x5] =	stream.indirect.gather [hbm4b:s4+s22], $0x20, s24, s22, $0xb8;
	[tilespmem:$0x1D200] =	vst v63  }
0x11b: {  	_ =	swait.ge [sflag:s30], $0x1000  }
0x11c: {  	[sflag:s30] =	ssyncset.done $0x0  }
0x11d: {  	s17 =	simm.s32 $0x0;
	[sflag:s30] =	ssyncadd.s32 $0xFFFFF000  }
0x11e: {  	v8 =	vld [tilespmem:s17+$0x100]  }
0x11f: {  	v13 =	vld [tilespmem:s17+$0x110]  }
0x120: {  	v7 =	vld [tilespmem:s17+$0x120]  }
0x121: {  	v6 =	vld [tilespmem:s17+$0x130]  }
0x122: {  	v5 =	vld [tilespmem:s17+$0x140]  }
0x123: {  	v4 =	vld [tilespmem:s17+$0x150]  }
0x124: {  	v3 =	vld [tilespmem:s17+$0x160]  }
0x125: {  	v2 =	vld [tilespmem:s17+$0x170]  }
0x126: {  	v14 =	vld [tilespmem:s17+$0x1100]  }
0x127: {  	v15 =	vld [tilespmem:s17+$0x1110]  }
0x128: {  	v12 =	vld [tilespmem:s17+$0x1120]  }
0x129: {  	v11 =	vld [tilespmem:s17+$0x1130]  }
0x12a: {  	v10 =	vld [tilespmem:s17+$0x1140]  }
0x12b: {  	v9 =	vld [tilespmem:s17+$0x1150];
	v14 =	vadd.f32 v8, v14  }
0x12c: {  	s19 =	simm.s32 $0x200;
	v13 =	vadd.f32 v13, v15;
	v8 =	vld [tilespmem:s17+$0x1160]  }
.LBB2_11:
0x12d: {  	s13 =	sshra.s32 s19, $0x2;
	p0 =	sne.s32 s19, $0x3E00;
	v14 =	vmax.f32 v14, $0.0e+00;
	v7 =	vadd.f32 v7, v12;
	v12 =	vld [tilespmem:s17+$0x1170]  }
0x12e: {  	v15 =	vld [tilespmem:s13+$0x100];
	[tilespmem:s17+$0x1100] =	vst v14;
	v13 =	vmax.f32 v13, $0.0e+00;
	v6 =	vadd.f32 v6, v11  }
0x12f: {  	v16 =	vld [tilespmem:s13+$0x110];
	[tilespmem:s17+$0x1110] =	vst v13;
	v11 =	vmax.f32 v7, $0.0e+00;
	v5 =	vadd.f32 v5, v10  }
0x130: {  	v7 =	vld [tilespmem:s13+$0x120];
	[tilespmem:s17+$0x1120] =	vst v11;
	v10 =	vmax.f32 v6, $0.0e+00;
	v4 =	vadd.f32 v4, v9  }
0x131: {  	v6 =	vld [tilespmem:s13+$0x130];
	[tilespmem:s17+$0x1130] =	vst v10;
	v9 =	vmax.f32 v5, $0.0e+00;
	v3 =	vadd.f32 v3, v8  }
0x132: {  	v5 =	vld [tilespmem:s13+$0x140];
	[tilespmem:s17+$0x1140] =	vst v9;
	v8 =	vmax.f32 v4, $0.0e+00;
	v2 =	vadd.f32 v2, v12  }
0x133: {  	v4 =	vld [tilespmem:s13+$0x150];
	[tilespmem:s17+$0x1150] =	vst v8;
	v8 =	vmax.f32 v3, $0.0e+00  }
0x134: {  	v3 =	vld [tilespmem:s13+$0x160];
	[tilespmem:s17+$0x1160] =	vst v8;
	v8 =	vmax.f32 v2, $0.0e+00  }
0x135: {  	v2 =	vld [tilespmem:s13+$0x170];
	[tilespmem:s17+$0x1170] =	vst v8;
	s17 =	smov.u32 s13  }
0x136: {  	v8 =	vld [tilespmem:s17+$0x1100]  }
0x137: {  	v13 =	vld [tilespmem:s17+$0x1110]  }
.Ltmp4:
0x138: {  	v12 =	vld [tilespmem:s17+$0x1120];
	(pc) =	sbr.rel @p0 .LBB2_11-.Ltmp4, $4  }
0x139: {  	v11 =	vld [tilespmem:s17+$0x1130]  }
0x13a: {  	v10 =	vld [tilespmem:s17+$0x1140]  }
0x13b: {  	v14 =	vadd.f32 v15, v8;
	v9 =	vld [tilespmem:s17+$0x1150]  }
0x13c: {  	s19 =	sadd.s32 $0x200, s19;
	v13 =	vadd.f32 v16, v13;
	v8 =	vld [tilespmem:s17+$0x1160]  }
0x13d: {  	v14 =	vmax.f32 v14, $0.0e+00;
	v7 =	vadd.f32 v7, v12;
	v62 =	vld [tilespmem:s17+$0x1170]  }
0x13e: {  	[tilespmem:s17+$0x1100] =	vst v14;
	v13 =	vmax.f32 v13, $0.0e+00;
	v6 =	vadd.f32 v6, v11  }
0x13f: {  	[tilespmem:s17+$0x1110] =	vst v13;
	v7 =	vmax.f32 v7, $0.0e+00;
	v5 =	vadd.f32 v5, v10  }
0x140: {  	[tilespmem:s17+$0x1120] =	vst v7;
	v6 =	vmax.f32 v6, $0.0e+00;
	v4 =	vadd.f32 v4, v9  }
0x141: {  	[tilespmem:s17+$0x1130] =	vst v6;
	v5 =	vmax.f32 v5, $0.0e+00;
	v3 =	vadd.f32 v3, v8  }
0x142: {  	[tilespmem:s17+$0x1140] =	vst v5;
	v4 =	vmax.f32 v4, $0.0e+00;
	v2 =	vadd.f32 v2, v62  }
0x143: {  	[tilespmem:s17+$0x1150] =	vst v4;
	v3 =	vmax.f32 v3, $0.0e+00  }
0x144: {  	[tilespmem:s17+$0x1160] =	vst v3;
	v2 =	vmax.f32 v2, $0.0e+00  }
0x145: {  	[tilespmem:s17+$0x1170] =	vst v2  }
0x146: {  	v2 =	vld [tilespmem:$0x80]  }
0x147: {  	v3 =	vld [tilespmem:$0x90]  }
0x148: {  	v4 =	vld [tilespmem:$0xA0]  }
0x149: {  	v5 =	vld [tilespmem:$0xB0]  }
0x14a: {  	v6 =	vld [tilespmem:$0xC0]  }
0x14b: {  	v63 =	vld [tilespmem:$0xF0];
	[tilespmem:$0x2100] =	vst v2  }
0x14c: {  	v2 =	vld [tilespmem:$0xD0];
	[tilespmem:$0x2110] =	vst v3  }
0x14d: {  	v3 =	vld [tilespmem:$0xE0];
	[tilespmem:$0x2120] =	vst v4  }
0x14e: {  	s13 =	smin.u32 s16, $0x183;
	[tilespmem:$0x2130] =	vst v5  }
0x14f: {  	s13 =	sadd.s32 $0x4, s13;
	[tilespmem:$0x2140] =	vst v6  }
0x150: {  	s17 =	sshll.u32 s13, $0x7;
	[tilespmem:$0x2170] =	vst v63  }
0x151: {  	s16 =	sadd.s32 s5, s17;
	[tilespmem:$0x2150] =	vst v2  }
0x152: {  	s15 =	sadd.s32 $0x1, s15;
	s16 =	sshrl.u32 s16, $0x3;
	[tilespmem:$0x2160] =	vst v3  }
0x153: {  	[spmem:s2] =	stream.indirect.scatter.add.f32 [tilespmem:s29], [sflag:$0x3], $0x20, s31, s22, $0xb8;
	[tilespmem:$0x1D200] =	vst v63  }
0x154: {  	p0 =	sne.s32 s15, $0xC3;
	s19 =	sadd.s32 s6, s16  }
0x155: {  	[tilespmem:s3], [sflag:$0x1] =	stream.linear.gather [hbm4b:s19+s3], $0x80, $0x38;
	[tilespmem:$0x1D200] =	vst v63  }
.Ltmp5:
0x156: {  	_ = 	snop;
	(pc) =	sbr.rel @p0 .LBB2_8-.Ltmp5, $4  }
0x157: {  	s13 =	sshll.u32 s13, $0x9;
	s16 =	sadd.s32 s7, s16  }
0x158: {  	[tilespmem:s22], [sflag:$0x1] =	stream.linear.gather [hbm4b:s16+s3], $0x80, $0x38;
	[tilespmem:$0x1D200] =	vst v63  }
0x159: {  	s13 =	sadd.s32 s13, s10  }
0x15a: {  	[tilespmem:s23], [sflag:$0x1] =	stream.linear.gather [hbm4b:s13+s3], $0x1000, $0x38;
	[tilespmem:$0x1D200] =	vst v63  }
0x15b: {  	_ =	swait.ge [sflag:s8], $0x1000  }
0x15c: {  	[sflag:s8] =	ssyncset.done $0x0  }
0x15d: {  	[sflag:s8] =	ssyncadd.s32 $0xFFFFF000  }
0x15e: {  	_ =	swait.ge [sflag:s9], $0x1000  }
0x15f: {  	[sflag:s9] =	ssyncset.done $0x0  }
0x160: {  	s14 =	simm.s32 $0x0;
	[sflag:s9] =	ssyncadd.s32 $0xFFFFF000  }
0x161: {  	v8 =	vld [tilespmem:s14+$0x2280]  }
0x162: {  	v13 =	vld [tilespmem:s14+$0x2290]  }
0x163: {  	v7 =	vld [tilespmem:s14+$0x22A0]  }
0x164: {  	v6 =	vld [tilespmem:s14+$0x22B0]  }
0x165: {  	v5 =	vld [tilespmem:s14+$0x22C0]  }
0x166: {  	v4 =	vld [tilespmem:s14+$0x22D0]  }
0x167: {  	v3 =	vld [tilespmem:s14+$0x22E0]  }
0x168: {  	v2 =	vld [tilespmem:s14+$0x22F0]  }
0x169: {  	v14 =	vld [tilespmem:s14+$0x3280]  }
0x16a: {  	v15 =	vld [tilespmem:s14+$0x3290]  }
0x16b: {  	v12 =	vld [tilespmem:s14+$0x32A0]  }
0x16c: {  	v11 =	vld [tilespmem:s14+$0x32B0]  }
0x16d: {  	v10 =	vld [tilespmem:s14+$0x32C0]  }
0x16e: {  	v9 =	vld [tilespmem:s14+$0x32D0];
	v14 =	vadd.f32 v8, v14  }
0x16f: {  	s15 =	simm.s32 $0x200;
	v13 =	vadd.f32 v13, v15;
	v8 =	vld [tilespmem:s14+$0x32E0]  }
.LBB2_14:
0x170: {  	s13 =	sshra.s32 s15, $0x2;
	p0 =	sne.s32 s15, $0x3E00;
	v14 =	vmax.f32 v14, $0.0e+00;
	v7 =	vadd.f32 v7, v12;
	v12 =	vld [tilespmem:s14+$0x32F0]  }
0x171: {  	v15 =	vld [tilespmem:s13+$0x2280];
	[tilespmem:s14+$0x3280] =	vst v14;
	v13 =	vmax.f32 v13, $0.0e+00;
	v6 =	vadd.f32 v6, v11  }
0x172: {  	v16 =	vld [tilespmem:s13+$0x2290];
	[tilespmem:s14+$0x3290] =	vst v13;
	v11 =	vmax.f32 v7, $0.0e+00;
	v5 =	vadd.f32 v5, v10  }
0x173: {  	v7 =	vld [tilespmem:s13+$0x22A0];
	[tilespmem:s14+$0x32A0] =	vst v11;
	v10 =	vmax.f32 v6, $0.0e+00;
	v4 =	vadd.f32 v4, v9  }
0x174: {  	v6 =	vld [tilespmem:s13+$0x22B0];
	[tilespmem:s14+$0x32B0] =	vst v10;
	v9 =	vmax.f32 v5, $0.0e+00;
	v3 =	vadd.f32 v3, v8  }
0x175: {  	v5 =	vld [tilespmem:s13+$0x22C0];
	[tilespmem:s14+$0x32C0] =	vst v9;
	v8 =	vmax.f32 v4, $0.0e+00;
	v2 =	vadd.f32 v2, v12  }
0x176: {  	v4 =	vld [tilespmem:s13+$0x22D0];
	[tilespmem:s14+$0x32D0] =	vst v8;
	v8 =	vmax.f32 v3, $0.0e+00  }
0x177: {  	v3 =	vld [tilespmem:s13+$0x22E0];
	[tilespmem:s14+$0x32E0] =	vst v8;
	v8 =	vmax.f32 v2, $0.0e+00  }
0x178: {  	v2 =	vld [tilespmem:s13+$0x22F0];
	[tilespmem:s14+$0x32F0] =	vst v8;
	s14 =	smov.u32 s13  }
0x179: {  	v8 =	vld [tilespmem:s14+$0x3280]  }
0x17a: {  	v13 =	vld [tilespmem:s14+$0x3290]  }
.Ltmp6:
0x17b: {  	v12 =	vld [tilespmem:s14+$0x32A0];
	(pc) =	sbr.rel @p0 .LBB2_14-.Ltmp6, $4  }
0x17c: {  	v11 =	vld [tilespmem:s14+$0x32B0]  }
0x17d: {  	v10 =	vld [tilespmem:s14+$0x32C0]  }
0x17e: {  	v14 =	vadd.f32 v15, v8;
	v9 =	vld [tilespmem:s14+$0x32D0]  }
0x17f: {  	s15 =	sadd.s32 $0x200, s15;
	v13 =	vadd.f32 v16, v13;
	v8 =	vld [tilespmem:s14+$0x32E0]  }
0x180: {  	v14 =	vmax.f32 v14, $0.0e+00;
	v7 =	vadd.f32 v7, v12;
	v62 =	vld [tilespmem:s14+$0x32F0]  }
0x181: {  	[tilespmem:s14+$0x3280] =	vst v14;
	v13 =	vmax.f32 v13, $0.0e+00;
	v6 =	vadd.f32 v6, v11  }
0x182: {  	[tilespmem:s14+$0x3290] =	vst v13;
	v7 =	vmax.f32 v7, $0.0e+00;
	v5 =	vadd.f32 v5, v10  }
0x183: {  	[tilespmem:s14+$0x32A0] =	vst v7;
	v6 =	vmax.f32 v6, $0.0e+00;
	v4 =	vadd.f32 v4, v9  }
0x184: {  	[tilespmem:s14+$0x32B0] =	vst v6;
	v5 =	vmax.f32 v5, $0.0e+00;
	v3 =	vadd.f32 v3, v8  }
0x185: {  	[tilespmem:s14+$0x32C0] =	vst v5;
	v4 =	vmax.f32 v4, $0.0e+00;
	v2 =	vadd.f32 v2, v62  }
0x186: {  	[tilespmem:s14+$0x32D0] =	vst v4;
	v3 =	vmax.f32 v3, $0.0e+00  }
0x187: {  	[tilespmem:s14+$0x32E0] =	vst v3;
	v2 =	vmax.f32 v2, $0.0e+00  }
0x188: {  	[tilespmem:s14+$0x32F0] =	vst v2  }
0x189: {  	v2 =	vld [tilespmem:$0x2200]  }
0x18a: {  	v3 =	vld [tilespmem:$0x2210]  }
0x18b: {  	v4 =	vld [tilespmem:$0x2220]  }
0x18c: {  	v5 =	vld [tilespmem:$0x2230]  }
0x18d: {  	v6 =	vld [tilespmem:$0x2240]  }
0x18e: {  	v63 =	vld [tilespmem:$0x2270];
	[tilespmem:$0x4280] =	vst v2  }
0x18f: {  	v2 =	vld [tilespmem:$0x2250];
	[tilespmem:$0x4290] =	vst v3  }
0x190: {  	v3 =	vld [tilespmem:$0x2260];
	[tilespmem:$0x42A0] =	vst v4  }
0x191: {  	[tilespmem:$0x42B0] =	vst v5  }
0x192: {  	[tilespmem:$0x42C0] =	vst v6  }
0x193: {  	[tilespmem:$0x42F0] =	vst v63  }
0x194: {  	[tilespmem:$0x42D0] =	vst v2  }
0x195: {  	[tilespmem:$0x42E0] =	vst v3  }
0x196: {  	[spmem:s2] =	stream.indirect.scatter.add.f32 [tilespmem:s0], [sflag:$0x7], $0x20, s11, s22, $0xb8;
	[tilespmem:$0x1D200] =	vst v63  }
0x197: {  	_ =	swait.ge [sflag:s21], $0x1000  }
0x198: {  	[sflag:s21] =	ssyncset.done $0x0  }
0x199: {  	[sflag:s21] =	ssyncadd.s32 $0xFFFFF000  }
0x19a: {  	_ =	swait.ge [sflag:s28], $0x80  }
0x19b: {  	[sflag:s28] =	ssyncset.done $0x0  }
0x19c: {  	[sflag:s28] =	ssyncadd.s32 $0xFFFFFF80  }
0x19d: {  	_ =	swait.ge [sflag:s28], $0x80  }
0x19e: {  	[sflag:s28] =	ssyncset.done $0x0  }
0x19f: {  	[sflag:s28] =	ssyncadd.s32 $0xFFFFFF80  }
0x1a0: {  	_ =	swait.ge [sflag:s28], $0x1000  }
0x1a1: {  	[sflag:s28] =	ssyncset.done $0x0  }
0x1a2: {  	s13 =	stileid.u32;
	[sflag:s28] =	ssyncadd.s32 $0xFFFFF000  }
0x1a3: {  	s13 =	sshll.u32 s13, $0x6;
	[bflag:$0x0] =	sbarrier.arrive $0xFFFF  }
0x1a4: {  	s16 =	sshrl.u32 s18, $0x3;
	s13 =	sor.u32 $0x1C07, s13;
	s15 =	rddreg [dreg:$0xb]  }
0x1a5: {  	[hbm:s15], [sflag:s13] =	dma.local [spmem:s16], $0x3100  }
0x1a6: {  	_ =	swait.ge [sflag:s21], $0x3100  }
0x1a7: {  	s17 =	rddreg [dreg:$0xd]  }
0x1a8: {  	s19 =	rddreg [dreg:$0xc];
	s14 =	sadd.s32 $0x1, s17  }
0x1a9: {  	p0 =	sne.s32 s14, s19  }
.Ltmp7:
0x1aa: {  	_ = 	snop;
	(pc) =	sbr.rel @p0 .LBB2_1-.Ltmp7, $3  }
0x1ab: {  	_ =	sdelay $0x1  }
0x1ac: {  	[sflag:s21] =	ssyncset.done $0x0  }
0x1ad: {  	[sflag:s21] =	ssyncadd.s32 $0xFFFFCF00  }
0x1ae: {  	_ =	sfence.sel $0x180000  }
0x1af: {  	[bflag:$0x0] =	sbarrier.arrive $0xFFFF  }
0x1b0: {  	_ =	strace $0x90000047  }
0x1b1: {  	s0 =	stileid.u32;
	[bflag:$0x2] =	sbarrier.arrive $0xFFFF  }
0x1b2: {  	p0 =	sne.s32 s0, $0x0;
	s0 =	rddreg [dreg:$0x2]  }
0x1b3: {  	s0 =	sadd.s32 @!p0 $0x100000, s0  }
0x1b4: {  	[sflag:s0] =	ssyncadd.tile.s32 @!p0 $0x1;
	_ =	shalt  }
.Lfunc_end2:
_tile_overlayer_lowered:
.L_overlay_start_2:
0x1b5: {  	(tag) =	ssettag $0x2  }
0x1b6: {  	s0 =	rddreg [dreg:$0x0];
	s2 =	stileid.u32  }
0x1b7: {  	s1 =	rddreg [dreg:$0x1];
	p0 =	sne.s32 s2, $0x0  }
0x1b8: {  	s3 =	rddreg [dreg:$0x2];
	[bflag:$0x3] =	sbarrier.arrive $0xFFFF;
	s2 =	simm.s32 @!p0 $0x1C07  }
0x1b9: {  	[timem:s3], [sflag:s2] =	dma.local @!p0 [hbm:s0], s1  }
0x1ba: {  	s0 =	simm.s32 @!p0 $0x7  }
0x1bb: {  	_ =	swait.ge @!p0 [sflag:s0], s1  }
0x1bc: {  	s1 =	ssub.s32 @!p0 $0x0, s1;
	[sflag:s0] =	ssyncset.done @!p0 $0x0  }
0x1bd: {  	[sflag:s0] =	ssyncadd.s32 @!p0 s1  }
0x1be: {  	[bflag:$0x3] =	sbarrier.arrive $0xFFFF  }
0x1bf: {  	_ =	shalt  }

</sc_bundles>
